<compile_context>
chip_gen: v7x
topology: tpu7x:2x2x1
jax: 0.10.2.dev20260603
libtpu: 0.0.44.dev20260713+nightly
codegen_flags: <defaults>
</compile_context>

<pallas_src>
import dataclasses

import jax
import jax.numpy as jnp
from jax import lax
from jax.experimental import pallas as pl
from jax.experimental.pallas import tpu as pltpu
from jax.experimental.pallas import tpu_sc as plsc

B = 16384
L = 50
D = 32
H = D // 2

NUM_CORES = 2
NUM_SUBCORES = 16
NW = NUM_CORES * NUM_SUBCORES
RPW = B // NW
CHUNK = 32
NCHUNK = RPW // CHUNK
NIDX = CHUNK * L
XFER = 64
NXFER = NIDX // XFER
IDX_PAD = NIDX + 64


def _tree_sum(xs):
    while len(xs) > 1:
        ys = [xs[i] + xs[i + 1] for i in range(0, len(xs) - 1, 2)]
        if len(xs) % 2:
            ys.append(xs[-1])
        xs = ys
    return xs[0]


def _embed_mean_body(words_hbm, table_hbm, out_hbm,
                     idx0, idx1, rows0, rows1, out0, out1, t0_v,
                     semg0, semg1, semo0, semo1):
    wid = lax.axis_index("s") * NUM_CORES + lax.axis_index("c")
    pltpu.sync_copy(table_hbm.at[pl.ds(0, 1)], t0_v)
    t0_lo = t0_v[0, pl.ds(0, H)]
    t0_hi = t0_v[0, pl.ds(H, H)]
    lanes = lax.iota(jnp.int32, 16)
    scale = jnp.float32(1.0 / L)

    idx_bufs = (idx0, idx1)
    rows_bufs = (rows0, rows1)
    out_bufs = (out0, out1)
    gsems = (semg0, semg1)
    osems = (semo0, semo1)

    def fetch(c, par):
        ib, rb = idx_bufs[par], rows_bufs[par]
        start = wid * (RPW * L) + c * NIDX
        pltpu.sync_copy(words_hbm.at[pl.ds(start, NIDX)],
                        ib.at[pl.ds(0, NIDX)])
        for j in range(NXFER):
            pltpu.async_copy(table_hbm.at[ib.at[pl.ds(j * XFER, XFER)]],
                             rb.at[pl.ds(j * XFER, XFER)], gsems[par])

    def compute(c, par):
        ib, rb, ob = idx_bufs[par], rows_bufs[par], out_bufs[par]
        pltpu.make_async_copy(table_hbm.at[pl.ds(0, NIDX)], rb,
                              gsems[par]).wait()

        @pl.loop(0, CHUNK)
        def _row(i):
            base = i * L
            lo = [rb[base + j, pl.ds(0, H)] for j in range(L)]
            hi = [rb[base + j, pl.ds(H, H)] for j in range(L)]
            acc_lo = _tree_sum(lo)
            acc_hi = _tree_sum(hi)
            nz = jnp.float32(0.0)
            for q in range(4):
                pos = base + q * 16 + lanes
                if (q + 1) * 16 <= L:
                    vals = plsc.load_gather(ib, [pos])
                    hit = vals == 0
                else:
                    live = lanes < jnp.int32(L - q * 16)
                    vals = plsc.load_gather(ib, [pos], mask=live)
                    hit = jnp.logical_and(vals == 0, live)
                nz = nz + jnp.sum(jnp.where(hit, jnp.float32(1.0),
                                            jnp.float32(0.0)))
            ob[i, pl.ds(0, H)] = (acc_lo - nz * t0_lo) * scale
            ob[i, pl.ds(H, H)] = (acc_hi - nz * t0_hi) * scale

        pltpu.async_copy(ob,
                         out_hbm.at[pl.ds(wid * RPW + c * CHUNK, CHUNK)],
                         osems[par])

    fetch(0, 0)

    @pl.loop(0, NCHUNK, step=2)
    def _steps(c):
        for par in range(2):
            cc = c + par

            @pl.when(cc + 1 < NCHUNK)
            def _():
                fetch(cc + 1, (par + 1) % 2)

            @pl.when(cc >= 2)
            def _():
                pltpu.make_async_copy(out_hbm.at[pl.ds(0, CHUNK)],
                                      out_bufs[par], osems[par]).wait()

            compute(cc, par)

    pltpu.make_async_copy(out_hbm.at[pl.ds(0, CHUNK)], out_bufs[0],
                          osems[0]).wait()
    pltpu.make_async_copy(out_hbm.at[pl.ds(0, CHUNK)], out_bufs[1],
                          osems[1]).wait()


def kernel(words, table):
    words_flat = words.reshape(B * L)
    mesh = plsc.VectorSubcoreMesh(core_axis_name="c", subcore_axis_name="s")
    cp = pltpu.CompilerParams(use_tc_tiling_on_sc=False,
                              disable_bounds_checks=True)
    if "needs_layout_passes" in pltpu.CompilerParams.__dataclass_fields__:
        cp = dataclasses.replace(cp, needs_layout_passes=False)
    f = pl.kernel(
        _embed_mean_body,
        out_type=jax.ShapeDtypeStruct((B, D), jnp.float32),
        mesh=mesh,
        scratch_types=[
            pltpu.VMEM((IDX_PAD,), jnp.int32),
            pltpu.VMEM((IDX_PAD,), jnp.int32),
            pltpu.VMEM((NIDX, D), jnp.float32),
            pltpu.VMEM((NIDX, D), jnp.float32),
            pltpu.VMEM((CHUNK, D), jnp.float32),
            pltpu.VMEM((CHUNK, D), jnp.float32),
            pltpu.VMEM((1, D), jnp.float32),
            pltpu.SemaphoreType.DMA,
            pltpu.SemaphoreType.DMA,
            pltpu.SemaphoreType.DMA,
            pltpu.SemaphoreType.DMA,
        ],
        compiler_params=cp,
    )
    return f(words_flat, table)

# --- scband reference (transcript-rebuilt; emitter-appended) ---
"""Pipeline reference for scband-simple-word-embedder-15126874816686 (READ-ONLY COPY).

The authoritative reference and input builder live on the scoring server;
editing this copy changes nothing except your own understanding.
"""

import jax, jax.numpy as jnp
import numpy as np

NUM_WORDS = 1000000
HIDDEN_DIM = 32
PADDING_IDX = 0
BATCH = 16384
HIST_LEN = 50


def setup_inputs(seed: int = 0) -> dict:
    key = jax.random.key(seed)
    k1, k2 = jax.random.split(key)
    words = jax.random.randint(k1, (BATCH, HIST_LEN), 0, NUM_WORDS, dtype=jnp.int32)
    table = jax.random.normal(k2, (NUM_WORDS, HIDDEN_DIM), dtype=jnp.float32) * 0.02
    return {"words": words, "table": table}


def reference(words, table):
    # nn.Embedding with padding_idx: the padding row is forced to zero.
    table = table.at[PADDING_IDX].set(0.0)
    emb = jnp.take(table, words, axis=0)  # [B, L, D] gather
    return emb.mean(axis=1)  # [B, D]

if __name__ == "__main__":
    import jax
    _d = setup_inputs()
    print(jax.jit(kernel)(*tuple(_d.values())))

</pallas_src>

<mosaic_0001>
#map = affine_map<(d0, d1) -> (0)>
#map1 = affine_map<(d0, d1) -> (0, 0)>
module attributes {stable_mosaic.version = 14 : i64} {
  func.func @_embed_mean_body(%arg0: i32, %arg1: i32, %arg2: memref<819200xi32, #tpu.memory_space<hbm>>, %arg3: memref<1000000x32xf32, #tpu.memory_space<hbm>>, %arg4: memref<16384x32xf32, #tpu.memory_space<hbm>>, %arg5: memref<1664xi32, #tpu.memory_space<vmem>>, %arg6: memref<1664xi32, #tpu.memory_space<vmem>>, %arg7: memref<1600x32xf32, #tpu.memory_space<vmem>>, %arg8: memref<1600x32xf32, #tpu.memory_space<vmem>>, %arg9: memref<32x32xf32, #tpu.memory_space<vmem>>, %arg10: memref<32x32xf32, #tpu.memory_space<vmem>>, %arg11: memref<1x32xf32, #tpu.memory_space<vmem>>, %arg12: memref<!tpu.dma_semaphore, #tpu.memory_space<semaphore_mem>>, %arg13: memref<!tpu.dma_semaphore, #tpu.memory_space<semaphore_mem>>, %arg14: memref<!tpu.dma_semaphore, #tpu.memory_space<semaphore_mem>>, %arg15: memref<!tpu.dma_semaphore, #tpu.memory_space<semaphore_mem>>) attributes {dimension_semantics = [#tpu.dimension_semantics<core_parallel>, #tpu.dimension_semantics<subcore_parallel>], iteration_bounds = array<i64: 2, 16>, scalar_prefetch = 0 : i64, scratch_operands = 11 : i64, tpu.core_type = #tpu.core_type<sc_vector_subcore>, window_params = [{transform_indices = #map}, {transform_indices = #map1}, {transform_indices = #map1}]} {
    %mul3A = arith.constant 2 : i32
    %mul3A_0 = arith.muli %arg1, %mul3A : i32
    %add3A = arith.addi %mul3A_0, %arg0 : i32
    "tpu.region"() ({
      %run_scoped3A = tpu.sem_alloc : memref<!tpu.dma_semaphore, #tpu.memory_space<semaphore_mem>>
      %dma_start3A_227 = arith.constant 0 : i32
      %dma_start3A_228 = arith.constant 0 : i32
      %dma_start3A_229 = tpu.memref_slice %arg3[%dma_start3A_227, %dma_start3A_228] : memref<1000000x32xf32, #tpu.memory_space<hbm>> -> memref<1x32xf32, #tpu.memory_space<hbm>>
      %dma_start3A_230 = arith.constant 0 : i32
      %dma_start3A_231 = arith.constant 0 : i32
      %dma_start3A_232 = tpu.memref_slice %arg3[%dma_start3A_230, %dma_start3A_231] : memref<1000000x32xf32, #tpu.memory_space<hbm>> -> memref<1x32xf32, #tpu.memory_space<hbm>>
      tpu.enqueue_dma source(%dma_start3A_232 : memref<1x32xf32, #tpu.memory_space<hbm>>) target(%arg11 : memref<1x32xf32, #tpu.memory_space<vmem>>) target_semaphore(%run_scoped3A : memref<!tpu.dma_semaphore, #tpu.memory_space<semaphore_mem>>)
      %dma_wait3A_233 = arith.constant 0 : i32
      %dma_wait3A_234 = arith.constant 0 : i32
      %dma_wait3A_235 = tpu.memref_slice %arg3[%dma_wait3A_233, %dma_wait3A_234] : memref<1000000x32xf32, #tpu.memory_space<hbm>> -> memref<1x32xf32, #tpu.memory_space<hbm>>
      %dma_wait3A_236 = arith.constant 0 : i32
      %dma_wait3A_237 = arith.constant 0 : i32
      %dma_wait3A_238 = tpu.memref_slice %arg3[%dma_wait3A_236, %dma_wait3A_237] : memref<1000000x32xf32, #tpu.memory_space<hbm>> -> memref<1x32xf32, #tpu.memory_space<hbm>>
      tpu.wait_dma2 semaphore(%run_scoped3A : memref<!tpu.dma_semaphore, #tpu.memory_space<semaphore_mem>>) src(%dma_wait3A_238 : memref<1x32xf32, #tpu.memory_space<hbm>>) dst(%arg11 : memref<1x32xf32, #tpu.memory_space<vmem>>)
      tpu.yield
    }) : () -> ()
    %get3A = arith.constant 0 : i32
    %get3A_1 = arith.index_cast %get3A : i32 to index
    %get3A_2 = arith.constant 0 : index
    %get3A_3 = tpu.vector_load %arg11[%get3A_1, %get3A_2] {strides = array<i32>} : memref<1x32xf32, #tpu.memory_space<vmem>>, vector<16xf32>,
    %get3A_4 = arith.constant 0 : i32
    %get3A_5 = arith.index_cast %get3A_4 : i32 to index
    %get3A_6 = arith.constant 16 : index
    %get3A_7 = tpu.vector_load %arg11[%get3A_5, %get3A_6] {strides = array<i32>} : memref<1x32xf32, #tpu.memory_space<vmem>>, vector<16xf32>,
    %iota3A = tpu.iota {dimensions = array<i32: 0>} : vector<16xi32>
    %mul3A_8 = arith.constant 25600 : i32
    %mul3A_9 = arith.muli %add3A, %mul3A_8 : i32
    %add3A_10 = arith.constant 0 : i32
    %add3A_11 = arith.addi %mul3A_9, %add3A_10 : i32
    "tpu.region"() ({
      %run_scoped3A = tpu.sem_alloc : memref<!tpu.dma_semaphore, #tpu.memory_space<semaphore_mem>>
      %dma_start3A_227 = arith.constant 0 : i32
      %dma_start3A_228 = tpu.memref_slice %arg5[%dma_start3A_227] : memref<1664xi32, #tpu.memory_space<vmem>> -> memref<1600xi32, #tpu.memory_space<vmem>>
      %dma_start3A_229 = tpu.memref_slice %arg2[%add3A_11] : memref<819200xi32, #tpu.memory_space<hbm>> -> memref<1600xi32, #tpu.memory_space<hbm>>
      %dma_start3A_230 = arith.constant 0 : i32
      %dma_start3A_231 = tpu.memref_slice %arg5[%dma_start3A_230] : memref<1664xi32, #tpu.memory_space<vmem>> -> memref<1600xi32, #tpu.memory_space<vmem>>
      %dma_start3A_232 = tpu.memref_slice %arg2[%add3A_11] : memref<819200xi32, #tpu.memory_space<hbm>> -> memref<1600xi32, #tpu.memory_space<hbm>>
      tpu.enqueue_dma source(%dma_start3A_232 : memref<1600xi32, #tpu.memory_space<hbm>>) target(%dma_start3A_231 : memref<1600xi32, #tpu.memory_space<vmem>>) target_semaphore(%run_scoped3A : memref<!tpu.dma_semaphore, #tpu.memory_space<semaphore_mem>>)
      %dma_wait3A_233 = arith.constant 0 : i32
      %dma_wait3A_234 = tpu.memref_slice %arg5[%dma_wait3A_233] : memref<1664xi32, #tpu.memory_space<vmem>> -> memref<1600xi32, #tpu.memory_space<vmem>>
      %dma_wait3A_235 = tpu.memref_slice %arg2[%add3A_11] : memref<819200xi32, #tpu.memory_space<hbm>> -> memref<1600xi32, #tpu.memory_space<hbm>>
      %dma_wait3A_236 = arith.constant 0 : i32
      %dma_wait3A_237 = tpu.memref_slice %arg5[%dma_wait3A_236] : memref<1664xi32, #tpu.memory_space<vmem>> -> memref<1600xi32, #tpu.memory_space<vmem>>
      %dma_wait3A_238 = tpu.memref_slice %arg2[%add3A_11] : memref<819200xi32, #tpu.memory_space<hbm>> -> memref<1600xi32, #tpu.memory_space<hbm>>
      tpu.wait_dma2 semaphore(%run_scoped3A : memref<!tpu.dma_semaphore, #tpu.memory_space<semaphore_mem>>) src(%dma_wait3A_238 : memref<1600xi32, #tpu.memory_space<hbm>>) dst(%dma_wait3A_237 : memref<1600xi32, #tpu.memory_space<vmem>>)
      tpu.yield
    }) : () -> ()
    %dma_start3A = arith.constant 0 : i32
    %dma_start3A_12 = arith.constant 0 : i32
    %dma_start3A_13 = tpu.memref_slice %arg7[%dma_start3A, %dma_start3A_12] : memref<1600x32xf32, #tpu.memory_space<vmem>> -> memref<64x32xf32, #tpu.memory_space<vmem>>
    %dma_start3A_14 = arith.constant 0 : i32
    %dma_start3A_15 = tpu.memref_slice %arg5[%dma_start3A_14] : memref<1664xi32, #tpu.memory_space<vmem>> -> memref<64xi32, #tpu.memory_space<vmem>>
    %dma_start3A_16 = arith.constant 0 : i32
    %dma_start3A_17 = arith.constant 0 : i32
    %dma_start3A_18 = tpu.memref_slice %arg3[%dma_start3A_16, %dma_start3A_17] : memref<1000000x32xf32, #tpu.memory_space<hbm>> -> memref<1000000x32xf32, #tpu.memory_space<hbm>>
    tpu.enqueue_indirect_dma source(%dma_start3A_18 : memref<1000000x32xf32, #tpu.memory_space<hbm>>) target(%dma_start3A_13 : memref<64x32xf32, #tpu.memory_space<vmem>>) offsets(%dma_start3A_15 : memref<64xi32, #tpu.memory_space<vmem>>) semaphore(%arg12 : memref<!tpu.dma_semaphore, #tpu.memory_space<semaphore_mem>>)
    %dma_start3A_19 = arith.constant 64 : i32
    %dma_start3A_20 = arith.constant 0 : i32
    %dma_start3A_21 = tpu.memref_slice %arg7[%dma_start3A_19, %dma_start3A_20] : memref<1600x32xf32, #tpu.memory_space<vmem>> -> memref<64x32xf32, #tpu.memory_space<vmem>>
    %dma_start3A_22 = arith.constant 64 : i32
    %dma_start3A_23 = tpu.memref_slice %arg5[%dma_start3A_22] : memref<1664xi32, #tpu.memory_space<vmem>> -> memref<64xi32, #tpu.memory_space<vmem>>
    %dma_start3A_24 = arith.constant 0 : i32
    %dma_start3A_25 = arith.constant 0 : i32
    %dma_start3A_26 = tpu.memref_slice %arg3[%dma_start3A_24, %dma_start3A_25] : memref<1000000x32xf32, #tpu.memory_space<hbm>> -> memref<1000000x32xf32, #tpu.memory_space<hbm>>
    tpu.enqueue_indirect_dma source(%dma_start3A_26 : memref<1000000x32xf32, #tpu.memory_space<hbm>>) target(%dma_start3A_21 : memref<64x32xf32, #tpu.memory_space<vmem>>) offsets(%dma_start3A_23 : memref<64xi32, #tpu.memory_space<vmem>>) semaphore(%arg12 : memref<!tpu.dma_semaphore, #tpu.memory_space<semaphore_mem>>)
    %dma_start3A_27 = arith.constant 128 : i32
    %dma_start3A_28 = arith.constant 0 : i32
    %dma_start3A_29 = tpu.memref_slice %arg7[%dma_start3A_27, %dma_start3A_28] : memref<1600x32xf32, #tpu.memory_space<vmem>> -> memref<64x32xf32, #tpu.memory_space<vmem>>
    %dma_start3A_30 = arith.constant 128 : i32
    %dma_start3A_31 = tpu.memref_slice %arg5[%dma_start3A_30] : memref<1664xi32, #tpu.memory_space<vmem>> -> memref<64xi32, #tpu.memory_space<vmem>>
    %dma_start3A_32 = arith.constant 0 : i32
    %dma_start3A_33 = arith.constant 0 : i32
    %dma_start3A_34 = tpu.memref_slice %arg3[%dma_start3A_32, %dma_start3A_33] : memref<1000000x32xf32, #tpu.memory_space<hbm>> -> memref<1000000x32xf32, #tpu.memory_space<hbm>>
    tpu.enqueue_indirect_dma source(%dma_start3A_34 : memref<1000000x32xf32, #tpu.memory_space<hbm>>) target(%dma_start3A_29 : memref<64x32xf32, #tpu.memory_space<vmem>>) offsets(%dma_start3A_31 : memref<64xi32, #tpu.memory_space<vmem>>) semaphore(%arg12 : memref<!tpu.dma_semaphore, #tpu.memory_space<semaphore_mem>>)
    %dma_start3A_35 = arith.constant 192 : i32
    %dma_start3A_36 = arith.constant 0 : i32
    %dma_start3A_37 = tpu.memref_slice %arg7[%dma_start3A_35, %dma_start3A_36] : memref<1600x32xf32, #tpu.memory_space<vmem>> -> memref<64x32xf32, #tpu.memory_space<vmem>>
    %dma_start3A_38 = arith.constant 192 : i32
    %dma_start3A_39 = tpu.memref_slice %arg5[%dma_start3A_38] : memref<1664xi32, #tpu.memory_space<vmem>> -> memref<64xi32, #tpu.memory_space<vmem>>
    %dma_start3A_40 = arith.constant 0 : i32
    %dma_start3A_41 = arith.constant 0 : i32
    %dma_start3A_42 = tpu.memref_slice %arg3[%dma_start3A_40, %dma_start3A_41] : memref<1000000x32xf32, #tpu.memory_space<hbm>> -> memref<1000000x32xf32, #tpu.memory_space<hbm>>
    tpu.enqueue_indirect_dma source(%dma_start3A_42 : memref<1000000x32xf32, #tpu.memory_space<hbm>>) target(%dma_start3A_37 : memref<64x32xf32, #tpu.memory_space<vmem>>) offsets(%dma_start3A_39 : memref<64xi32, #tpu.memory_space<vmem>>) semaphore(%arg12 : memref<!tpu.dma_semaphore, #tpu.memory_space<semaphore_mem>>)
    %dma_start3A_43 = arith.constant 256 : i32
    %dma_start3A_44 = arith.constant 0 : i32
    %dma_start3A_45 = tpu.memref_slice %arg7[%dma_start3A_43, %dma_start3A_44] : memref<1600x32xf32, #tpu.memory_space<vmem>> -> memref<64x32xf32, #tpu.memory_space<vmem>>
    %dma_start3A_46 = arith.constant 256 : i32
    %dma_start3A_47 = tpu.memref_slice %arg5[%dma_start3A_46] : memref<1664xi32, #tpu.memory_space<vmem>> -> memref<64xi32, #tpu.memory_space<vmem>>
    %dma_start3A_48 = arith.constant 0 : i32
    %dma_start3A_49 = arith.constant 0 : i32
    %dma_start3A_50 = tpu.memref_slice %arg3[%dma_start3A_48, %dma_start3A_49] : memref<1000000x32xf32, #tpu.memory_space<hbm>> -> memref<1000000x32xf32, #tpu.memory_space<hbm>>
    tpu.enqueue_indirect_dma source(%dma_start3A_50 : memref<1000000x32xf32, #tpu.memory_space<hbm>>) target(%dma_start3A_45 : memref<64x32xf32, #tpu.memory_space<vmem>>) offsets(%dma_start3A_47 : memref<64xi32, #tpu.memory_space<vmem>>) semaphore(%arg12 : memref<!tpu.dma_semaphore, #tpu.memory_space<semaphore_mem>>)
    %dma_start3A_51 = arith.constant 320 : i32
    %dma_start3A_52 = arith.constant 0 : i32
    %dma_start3A_53 = tpu.memref_slice %arg7[%dma_start3A_51, %dma_start3A_52] : memref<1600x32xf32, #tpu.memory_space<vmem>> -> memref<64x32xf32, #tpu.memory_space<vmem>>
    %dma_start3A_54 = arith.constant 320 : i32
    %dma_start3A_55 = tpu.memref_slice %arg5[%dma_start3A_54] : memref<1664xi32, #tpu.memory_space<vmem>> -> memref<64xi32, #tpu.memory_space<vmem>>
    %dma_start3A_56 = arith.constant 0 : i32
    %dma_start3A_57 = arith.constant 0 : i32
    %dma_start3A_58 = tpu.memref_slice %arg3[%dma_start3A_56, %dma_start3A_57] : memref<1000000x32xf32, #tpu.memory_space<hbm>> -> memref<1000000x32xf32, #tpu.memory_space<hbm>>
    tpu.enqueue_indirect_dma source(%dma_start3A_58 : memref<1000000x32xf32, #tpu.memory_space<hbm>>) target(%dma_start3A_53 : memref<64x32xf32, #tpu.memory_space<vmem>>) offsets(%dma_start3A_55 : memref<64xi32, #tpu.memory_space<vmem>>) semaphore(%arg12 : memref<!tpu.dma_semaphore, #tpu.memory_space<semaphore_mem>>)
    %dma_start3A_59 = arith.constant 384 : i32
    %dma_start3A_60 = arith.constant 0 : i32
    %dma_start3A_61 = tpu.memref_slice %arg7[%dma_start3A_59, %dma_start3A_60] : memref<1600x32xf32, #tpu.memory_space<vmem>> -> memref<64x32xf32, #tpu.memory_space<vmem>>
    %dma_start3A_62 = arith.constant 384 : i32
    %dma_start3A_63 = tpu.memref_slice %arg5[%dma_start3A_62] : memref<1664xi32, #tpu.memory_space<vmem>> -> memref<64xi32, #tpu.memory_space<vmem>>
    %dma_start3A_64 = arith.constant 0 : i32
    %dma_start3A_65 = arith.constant 0 : i32
    %dma_start3A_66 = tpu.memref_slice %arg3[%dma_start3A_64, %dma_start3A_65] : memref<1000000x32xf32, #tpu.memory_space<hbm>> -> memref<1000000x32xf32, #tpu.memory_space<hbm>>
    tpu.enqueue_indirect_dma source(%dma_start3A_66 : memref<1000000x32xf32, #tpu.memory_space<hbm>>) target(%dma_start3A_61 : memref<64x32xf32, #tpu.memory_space<vmem>>) offsets(%dma_start3A_63 : memref<64xi32, #tpu.memory_space<vmem>>) semaphore(%arg12 : memref<!tpu.dma_semaphore, #tpu.memory_space<semaphore_mem>>)
    %dma_start3A_67 = arith.constant 448 : i32
    %dma_start3A_68 = arith.constant 0 : i32
    %dma_start3A_69 = tpu.memref_slice %arg7[%dma_start3A_67, %dma_start3A_68] : memref<1600x32xf32, #tpu.memory_space<vmem>> -> memref<64x32xf32, #tpu.memory_space<vmem>>
    %dma_start3A_70 = arith.constant 448 : i32
    %dma_start3A_71 = tpu.memref_slice %arg5[%dma_start3A_70] : memref<1664xi32, #tpu.memory_space<vmem>> -> memref<64xi32, #tpu.memory_space<vmem>>
    %dma_start3A_72 = arith.constant 0 : i32
    %dma_start3A_73 = arith.constant 0 : i32
    %dma_start3A_74 = tpu.memref_slice %arg3[%dma_start3A_72, %dma_start3A_73] : memref<1000000x32xf32, #tpu.memory_space<hbm>> -> memref<1000000x32xf32, #tpu.memory_space<hbm>>
    tpu.enqueue_indirect_dma source(%dma_start3A_74 : memref<1000000x32xf32, #tpu.memory_space<hbm>>) target(%dma_start3A_69 : memref<64x32xf32, #tpu.memory_space<vmem>>) offsets(%dma_start3A_71 : memref<64xi32, #tpu.memory_space<vmem>>) semaphore(%arg12 : memref<!tpu.dma_semaphore, #tpu.memory_space<semaphore_mem>>)
    %dma_start3A_75 = arith.constant 512 : i32
    %dma_start3A_76 = arith.constant 0 : i32
    %dma_start3A_77 = tpu.memref_slice %arg7[%dma_start3A_75, %dma_start3A_76] : memref<1600x32xf32, #tpu.memory_space<vmem>> -> memref<64x32xf32, #tpu.memory_space<vmem>>
    %dma_start3A_78 = arith.constant 512 : i32
    %dma_start3A_79 = tpu.memref_slice %arg5[%dma_start3A_78] : memref<1664xi32, #tpu.memory_space<vmem>> -> memref<64xi32, #tpu.memory_space<vmem>>
    %dma_start3A_80 = arith.constant 0 : i32
    %dma_start3A_81 = arith.constant 0 : i32
    %dma_start3A_82 = tpu.memref_slice %arg3[%dma_start3A_80, %dma_start3A_81] : memref<1000000x32xf32, #tpu.memory_space<hbm>> -> memref<1000000x32xf32, #tpu.memory_space<hbm>>
    tpu.enqueue_indirect_dma source(%dma_start3A_82 : memref<1000000x32xf32, #tpu.memory_space<hbm>>) target(%dma_start3A_77 : memref<64x32xf32, #tpu.memory_space<vmem>>) offsets(%dma_start3A_79 : memref<64xi32, #tpu.memory_space<vmem>>) semaphore(%arg12 : memref<!tpu.dma_semaphore, #tpu.memory_space<semaphore_mem>>)
    %dma_start3A_83 = arith.constant 576 : i32
    %dma_start3A_84 = arith.constant 0 : i32
    %dma_start3A_85 = tpu.memref_slice %arg7[%dma_start3A_83, %dma_start3A_84] : memref<1600x32xf32, #tpu.memory_space<vmem>> -> memref<64x32xf32, #tpu.memory_space<vmem>>
    %dma_start3A_86 = arith.constant 576 : i32
    %dma_start3A_87 = tpu.memref_slice %arg5[%dma_start3A_86] : memref<1664xi32, #tpu.memory_space<vmem>> -> memref<64xi32, #tpu.memory_space<vmem>>
    %dma_start3A_88 = arith.constant 0 : i32
    %dma_start3A_89 = arith.constant 0 : i32
    %dma_start3A_90 = tpu.memref_slice %arg3[%dma_start3A_88, %dma_start3A_89] : memref<1000000x32xf32, #tpu.memory_space<hbm>> -> memref<1000000x32xf32, #tpu.memory_space<hbm>>
    tpu.enqueue_indirect_dma source(%dma_start3A_90 : memref<1000000x32xf32, #tpu.memory_space<hbm>>) target(%dma_start3A_85 : memref<64x32xf32, #tpu.memory_space<vmem>>) offsets(%dma_start3A_87 : memref<64xi32, #tpu.memory_space<vmem>>) semaphore(%arg12 : memref<!tpu.dma_semaphore, #tpu.memory_space<semaphore_mem>>)
    %dma_start3A_91 = arith.constant 640 : i32
    %dma_start3A_92 = arith.constant 0 : i32
    %dma_start3A_93 = tpu.memref_slice %arg7[%dma_start3A_91, %dma_start3A_92] : memref<1600x32xf32, #tpu.memory_space<vmem>> -> memref<64x32xf32, #tpu.memory_space<vmem>>
    %dma_start3A_94 = arith.constant 640 : i32
    %dma_start3A_95 = tpu.memref_slice %arg5[%dma_start3A_94] : memref<1664xi32, #tpu.memory_space<vmem>> -> memref<64xi32, #tpu.memory_space<vmem>>
    %dma_start3A_96 = arith.constant 0 : i32
    %dma_start3A_97 = arith.constant 0 : i32
    %dma_start3A_98 = tpu.memref_slice %arg3[%dma_start3A_96, %dma_start3A_97] : memref<1000000x32xf32, #tpu.memory_space<hbm>> -> memref<1000000x32xf32, #tpu.memory_space<hbm>>
    tpu.enqueue_indirect_dma source(%dma_start3A_98 : memref<1000000x32xf32, #tpu.memory_space<hbm>>) target(%dma_start3A_93 : memref<64x32xf32, #tpu.memory_space<vmem>>) offsets(%dma_start3A_95 : memref<64xi32, #tpu.memory_space<vmem>>) semaphore(%arg12 : memref<!tpu.dma_semaphore, #tpu.memory_space<semaphore_mem>>)
    %dma_start3A_99 = arith.constant 704 : i32
    %dma_start3A_100 = arith.constant 0 : i32
    %dma_start3A_101 = tpu.memref_slice %arg7[%dma_start3A_99, %dma_start3A_100] : memref<1600x32xf32, #tpu.memory_space<vmem>> -> memref<64x32xf32, #tpu.memory_space<vmem>>
    %dma_start3A_102 = arith.constant 704 : i32
    %dma_start3A_103 = tpu.memref_slice %arg5[%dma_start3A_102] : memref<1664xi32, #tpu.memory_space<vmem>> -> memref<64xi32, #tpu.memory_space<vmem>>
    %dma_start3A_104 = arith.constant 0 : i32
    %dma_start3A_105 = arith.constant 0 : i32
    %dma_start3A_106 = tpu.memref_slice %arg3[%dma_start3A_104, %dma_start3A_105] : memref<1000000x32xf32, #tpu.memory_space<hbm>> -> memref<1000000x32xf32, #tpu.memory_space<hbm>>
    tpu.enqueue_indirect_dma source(%dma_start3A_106 : memref<1000000x32xf32, #tpu.memory_space<hbm>>) target(%dma_start3A_101 : memref<64x32xf32, #tpu.memory_space<vmem>>) offsets(%dma_start3A_103 : memref<64xi32, #tpu.memory_space<vmem>>) semaphore(%arg12 : memref<!tpu.dma_semaphore, #tpu.memory_space<semaphore_mem>>)
    %dma_start3A_107 = arith.constant 768 : i32
    %dma_start3A_108 = arith.constant 0 : i32
    %dma_start3A_109 = tpu.memref_slice %arg7[%dma_start3A_107, %dma_start3A_108] : memref<1600x32xf32, #tpu.memory_space<vmem>> -> memref<64x32xf32, #tpu.memory_space<vmem>>
    %dma_start3A_110 = arith.constant 768 : i32
    %dma_start3A_111 = tpu.memref_slice %arg5[%dma_start3A_110] : memref<1664xi32, #tpu.memory_space<vmem>> -> memref<64xi32, #tpu.memory_space<vmem>>
    %dma_start3A_112 = arith.constant 0 : i32
    %dma_start3A_113 = arith.constant 0 : i32
    %dma_start3A_114 = tpu.memref_slice %arg3[%dma_start3A_112, %dma_start3A_113] : memref<1000000x32xf32, #tpu.memory_space<hbm>> -> memref<1000000x32xf32, #tpu.memory_space<hbm>>
    tpu.enqueue_indirect_dma source(%dma_start3A_114 : memref<1000000x32xf32, #tpu.memory_space<hbm>>) target(%dma_start3A_109 : memref<64x32xf32, #tpu.memory_space<vmem>>) offsets(%dma_start3A_111 : memref<64xi32, #tpu.memory_space<vmem>>) semaphore(%arg12 : memref<!tpu.dma_semaphore, #tpu.memory_space<semaphore_mem>>)
    %dma_start3A_115 = arith.constant 832 : i32
    %dma_start3A_116 = arith.constant 0 : i32
    %dma_start3A_117 = tpu.memref_slice %arg7[%dma_start3A_115, %dma_start3A_116] : memref<1600x32xf32, #tpu.memory_space<vmem>> -> memref<64x32xf32, #tpu.memory_space<vmem>>
    %dma_start3A_118 = arith.constant 832 : i32
    %dma_start3A_119 = tpu.memref_slice %arg5[%dma_start3A_118] : memref<1664xi32, #tpu.memory_space<vmem>> -> memref<64xi32, #tpu.memory_space<vmem>>
    %dma_start3A_120 = arith.constant 0 : i32
    %dma_start3A_121 = arith.constant 0 : i32
    %dma_start3A_122 = tpu.memref_slice %arg3[%dma_start3A_120, %dma_start3A_121] : memref<1000000x32xf32, #tpu.memory_space<hbm>> -> memref<1000000x32xf32, #tpu.memory_space<hbm>>
    tpu.enqueue_indirect_dma source(%dma_start3A_122 : memref<1000000x32xf32, #tpu.memory_space<hbm>>) target(%dma_start3A_117 : memref<64x32xf32, #tpu.memory_space<vmem>>) offsets(%dma_start3A_119 : memref<64xi32, #tpu.memory_space<vmem>>) semaphore(%arg12 : memref<!tpu.dma_semaphore, #tpu.memory_space<semaphore_mem>>)
    %dma_start3A_123 = arith.constant 896 : i32
    %dma_start3A_124 = arith.constant 0 : i32
    %dma_start3A_125 = tpu.memref_slice %arg7[%dma_start3A_123, %dma_start3A_124] : memref<1600x32xf32, #tpu.memory_space<vmem>> -> memref<64x32xf32, #tpu.memory_space<vmem>>
    %dma_start3A_126 = arith.constant 896 : i32
    %dma_start3A_127 = tpu.memref_slice %arg5[%dma_start3A_126] : memref<1664xi32, #tpu.memory_space<vmem>> -> memref<64xi32, #tpu.memory_space<vmem>>
    %dma_start3A_128 = arith.constant 0 : i32
    %dma_start3A_129 = arith.constant 0 : i32
    %dma_start3A_130 = tpu.memref_slice %arg3[%dma_start3A_128, %dma_start3A_129] : memref<1000000x32xf32, #tpu.memory_space<hbm>> -> memref<1000000x32xf32, #tpu.memory_space<hbm>>
    tpu.enqueue_indirect_dma source(%dma_start3A_130 : memref<1000000x32xf32, #tpu.memory_space<hbm>>) target(%dma_start3A_125 : memref<64x32xf32, #tpu.memory_space<vmem>>) offsets(%dma_start3A_127 : memref<64xi32, #tpu.memory_space<vmem>>) semaphore(%arg12 : memref<!tpu.dma_semaphore, #tpu.memory_space<semaphore_mem>>)
    %dma_start3A_131 = arith.constant 960 : i32
    %dma_start3A_132 = arith.constant 0 : i32
    %dma_start3A_133 = tpu.memref_slice %arg7[%dma_start3A_131, %dma_start3A_132] : memref<1600x32xf32, #tpu.memory_space<vmem>> -> memref<64x32xf32, #tpu.memory_space<vmem>>
    %dma_start3A_134 = arith.constant 960 : i32
    %dma_start3A_135 = tpu.memref_slice %arg5[%dma_start3A_134] : memref<1664xi32, #tpu.memory_space<vmem>> -> memref<64xi32, #tpu.memory_space<vmem>>
    %dma_start3A_136 = arith.constant 0 : i32
    %dma_start3A_137 = arith.constant 0 : i32
    %dma_start3A_138 = tpu.memref_slice %arg3[%dma_start3A_136, %dma_start3A_137] : memref<1000000x32xf32, #tpu.memory_space<hbm>> -> memref<1000000x32xf32, #tpu.memory_space<hbm>>
    tpu.enqueue_indirect_dma source(%dma_start3A_138 : memref<1000000x32xf32, #tpu.memory_space<hbm>>) target(%dma_start3A_133 : memref<64x32xf32, #tpu.memory_space<vmem>>) offsets(%dma_start3A_135 : memref<64xi32, #tpu.memory_space<vmem>>) semaphore(%arg12 : memref<!tpu.dma_semaphore, #tpu.memory_space<semaphore_mem>>)
    %dma_start3A_139 = arith.constant 1024 : i32
    %dma_start3A_140 = arith.constant 0 : i32
    %dma_start3A_141 = tpu.memref_slice %arg7[%dma_start3A_139, %dma_start3A_140] : memref<1600x32xf32, #tpu.memory_space<vmem>> -> memref<64x32xf32, #tpu.memory_space<vmem>>
    %dma_start3A_142 = arith.constant 1024 : i32
    %dma_start3A_143 = tpu.memref_slice %arg5[%dma_start3A_142] : memref<1664xi32, #tpu.memory_space<vmem>> -> memref<64xi32, #tpu.memory_space<vmem>>
    %dma_start3A_144 = arith.constant 0 : i32
    %dma_start3A_145 = arith.constant 0 : i32
    %dma_start3A_146 = tpu.memref_slice %arg3[%dma_start3A_144, %dma_start3A_145] : memref<1000000x32xf32, #tpu.memory_space<hbm>> -> memref<1000000x32xf32, #tpu.memory_space<hbm>>
    tpu.enqueue_indirect_dma source(%dma_start3A_146 : memref<1000000x32xf32, #tpu.memory_space<hbm>>) target(%dma_start3A_141 : memref<64x32xf32, #tpu.memory_space<vmem>>) offsets(%dma_start3A_143 : memref<64xi32, #tpu.memory_space<vmem>>) semaphore(%arg12 : memref<!tpu.dma_semaphore, #tpu.memory_space<semaphore_mem>>)
    %dma_start3A_147 = arith.constant 1088 : i32
    %dma_start3A_148 = arith.constant 0 : i32
    %dma_start3A_149 = tpu.memref_slice %arg7[%dma_start3A_147, %dma_start3A_148] : memref<1600x32xf32, #tpu.memory_space<vmem>> -> memref<64x32xf32, #tpu.memory_space<vmem>>
    %dma_start3A_150 = arith.constant 1088 : i32
    %dma_start3A_151 = tpu.memref_slice %arg5[%dma_start3A_150] : memref<1664xi32, #tpu.memory_space<vmem>> -> memref<64xi32, #tpu.memory_space<vmem>>
    %dma_start3A_152 = arith.constant 0 : i32
    %dma_start3A_153 = arith.constant 0 : i32
    %dma_start3A_154 = tpu.memref_slice %arg3[%dma_start3A_152, %dma_start3A_153] : memref<1000000x32xf32, #tpu.memory_space<hbm>> -> memref<1000000x32xf32, #tpu.memory_space<hbm>>
    tpu.enqueue_indirect_dma source(%dma_start3A_154 : memref<1000000x32xf32, #tpu.memory_space<hbm>>) target(%dma_start3A_149 : memref<64x32xf32, #tpu.memory_space<vmem>>) offsets(%dma_start3A_151 : memref<64xi32, #tpu.memory_space<vmem>>) semaphore(%arg12 : memref<!tpu.dma_semaphore, #tpu.memory_space<semaphore_mem>>)
    %dma_start3A_155 = arith.constant 1152 : i32
    %dma_start3A_156 = arith.constant 0 : i32
    %dma_start3A_157 = tpu.memref_slice %arg7[%dma_start3A_155, %dma_start3A_156] : memref<1600x32xf32, #tpu.memory_space<vmem>> -> memref<64x32xf32, #tpu.memory_space<vmem>>
    %dma_start3A_158 = arith.constant 1152 : i32
    %dma_start3A_159 = tpu.memref_slice %arg5[%dma_start3A_158] : memref<1664xi32, #tpu.memory_space<vmem>> -> memref<64xi32, #tpu.memory_space<vmem>>
    %dma_start3A_160 = arith.constant 0 : i32
    %dma_start3A_161 = arith.constant 0 : i32
    %dma_start3A_162 = tpu.memref_slice %arg3[%dma_start3A_160, %dma_start3A_161] : memref<1000000x32xf32, #tpu.memory_space<hbm>> -> memref<1000000x32xf32, #tpu.memory_space<hbm>>
    tpu.enqueue_indirect_dma source(%dma_start3A_162 : memref<1000000x32xf32, #tpu.memory_space<hbm>>) target(%dma_start3A_157 : memref<64x32xf32, #tpu.memory_space<vmem>>) offsets(%dma_start3A_159 : memref<64xi32, #tpu.memory_space<vmem>>) semaphore(%arg12 : memref<!tpu.dma_semaphore, #tpu.memory_space<semaphore_mem>>)
    %dma_start3A_163 = arith.constant 1216 : i32
    %dma_start3A_164 = arith.constant 0 : i32
    %dma_start3A_165 = tpu.memref_slice %arg7[%dma_start3A_163, %dma_start3A_164] : memref<1600x32xf32, #tpu.memory_space<vmem>> -> memref<64x32xf32, #tpu.memory_space<vmem>>
    %dma_start3A_166 = arith.constant 1216 : i32
    %dma_start3A_167 = tpu.memref_slice %arg5[%dma_start3A_166] : memref<1664xi32, #tpu.memory_space<vmem>> -> memref<64xi32, #tpu.memory_space<vmem>>
    %dma_start3A_168 = arith.constant 0 : i32
    %dma_start3A_169 = arith.constant 0 : i32
    %dma_start3A_170 = tpu.memref_slice %arg3[%dma_start3A_168, %dma_start3A_169] : memref<1000000x32xf32, #tpu.memory_space<hbm>> -> memref<1000000x32xf32, #tpu.memory_space<hbm>>
    tpu.enqueue_indirect_dma source(%dma_start3A_170 : memref<1000000x32xf32, #tpu.memory_space<hbm>>) target(%dma_start3A_165 : memref<64x32xf32, #tpu.memory_space<vmem>>) offsets(%dma_start3A_167 : memref<64xi32, #tpu.memory_space<vmem>>) semaphore(%arg12 : memref<!tpu.dma_semaphore, #tpu.memory_space<semaphore_mem>>)
    %dma_start3A_171 = arith.constant 1280 : i32
    %dma_start3A_172 = arith.constant 0 : i32
    %dma_start3A_173 = tpu.memref_slice %arg7[%dma_start3A_171, %dma_start3A_172] : memref<1600x32xf32, #tpu.memory_space<vmem>> -> memref<64x32xf32, #tpu.memory_space<vmem>>
    %dma_start3A_174 = arith.constant 1280 : i32
    %dma_start3A_175 = tpu.memref_slice %arg5[%dma_start3A_174] : memref<1664xi32, #tpu.memory_space<vmem>> -> memref<64xi32, #tpu.memory_space<vmem>>
    %dma_start3A_176 = arith.constant 0 : i32
    %dma_start3A_177 = arith.constant 0 : i32
    %dma_start3A_178 = tpu.memref_slice %arg3[%dma_start3A_176, %dma_start3A_177] : memref<1000000x32xf32, #tpu.memory_space<hbm>> -> memref<1000000x32xf32, #tpu.memory_space<hbm>>
    tpu.enqueue_indirect_dma source(%dma_start3A_178 : memref<1000000x32xf32, #tpu.memory_space<hbm>>) target(%dma_start3A_173 : memref<64x32xf32, #tpu.memory_space<vmem>>) offsets(%dma_start3A_175 : memref<64xi32, #tpu.memory_space<vmem>>) semaphore(%arg12 : memref<!tpu.dma_semaphore, #tpu.memory_space<semaphore_mem>>)
    %dma_start3A_179 = arith.constant 1344 : i32
    %dma_start3A_180 = arith.constant 0 : i32
    %dma_start3A_181 = tpu.memref_slice %arg7[%dma_start3A_179, %dma_start3A_180] : memref<1600x32xf32, #tpu.memory_space<vmem>> -> memref<64x32xf32, #tpu.memory_space<vmem>>
    %dma_start3A_182 = arith.constant 1344 : i32
    %dma_start3A_183 = tpu.memref_slice %arg5[%dma_start3A_182] : memref<1664xi32, #tpu.memory_space<vmem>> -> memref<64xi32, #tpu.memory_space<vmem>>
    %dma_start3A_184 = arith.constant 0 : i32
    %dma_start3A_185 = arith.constant 0 : i32
    %dma_start3A_186 = tpu.memref_slice %arg3[%dma_start3A_184, %dma_start3A_185] : memref<1000000x32xf32, #tpu.memory_space<hbm>> -> memref<1000000x32xf32, #tpu.memory_space<hbm>>
    tpu.enqueue_indirect_dma source(%dma_start3A_186 : memref<1000000x32xf32, #tpu.memory_space<hbm>>) target(%dma_start3A_181 : memref<64x32xf32, #tpu.memory_space<vmem>>) offsets(%dma_start3A_183 : memref<64xi32, #tpu.memory_space<vmem>>) semaphore(%arg12 : memref<!tpu.dma_semaphore, #tpu.memory_space<semaphore_mem>>)
    %dma_start3A_187 = arith.constant 1408 : i32
    %dma_start3A_188 = arith.constant 0 : i32
    %dma_start3A_189 = tpu.memref_slice %arg7[%dma_start3A_187, %dma_start3A_188] : memref<1600x32xf32, #tpu.memory_space<vmem>> -> memref<64x32xf32, #tpu.memory_space<vmem>>
    %dma_start3A_190 = arith.constant 1408 : i32
    %dma_start3A_191 = tpu.memref_slice %arg5[%dma_start3A_190] : memref<1664xi32, #tpu.memory_space<vmem>> -> memref<64xi32, #tpu.memory_space<vmem>>
    %dma_start3A_192 = arith.constant 0 : i32
    %dma_start3A_193 = arith.constant 0 : i32
    %dma_start3A_194 = tpu.memref_slice %arg3[%dma_start3A_192, %dma_start3A_193] : memref<1000000x32xf32, #tpu.memory_space<hbm>> -> memref<1000000x32xf32, #tpu.memory_space<hbm>>
    tpu.enqueue_indirect_dma source(%dma_start3A_194 : memref<1000000x32xf32, #tpu.memory_space<hbm>>) target(%dma_start3A_189 : memref<64x32xf32, #tpu.memory_space<vmem>>) offsets(%dma_start3A_191 : memref<64xi32, #tpu.memory_space<vmem>>) semaphore(%arg12 : memref<!tpu.dma_semaphore, #tpu.memory_space<semaphore_mem>>)
    %dma_start3A_195 = arith.constant 1472 : i32
    %dma_start3A_196 = arith.constant 0 : i32
    %dma_start3A_197 = tpu.memref_slice %arg7[%dma_start3A_195, %dma_start3A_196] : memref<1600x32xf32, #tpu.memory_space<vmem>> -> memref<64x32xf32, #tpu.memory_space<vmem>>
    %dma_start3A_198 = arith.constant 1472 : i32
    %dma_start3A_199 = tpu.memref_slice %arg5[%dma_start3A_198] : memref<1664xi32, #tpu.memory_space<vmem>> -> memref<64xi32, #tpu.memory_space<vmem>>
    %dma_start3A_200 = arith.constant 0 : i32
    %dma_start3A_201 = arith.constant 0 : i32
    %dma_start3A_202 = tpu.memref_slice %arg3[%dma_start3A_200, %dma_start3A_201] : memref<1000000x32xf32, #tpu.memory_space<hbm>> -> memref<1000000x32xf32, #tpu.memory_space<hbm>>
    tpu.enqueue_indirect_dma source(%dma_start3A_202 : memref<1000000x32xf32, #tpu.memory_space<hbm>>) target(%dma_start3A_197 : memref<64x32xf32, #tpu.memory_space<vmem>>) offsets(%dma_start3A_199 : memref<64xi32, #tpu.memory_space<vmem>>) semaphore(%arg12 : memref<!tpu.dma_semaphore, #tpu.memory_space<semaphore_mem>>)
    %dma_start3A_203 = arith.constant 1536 : i32
    %dma_start3A_204 = arith.constant 0 : i32
    %dma_start3A_205 = tpu.memref_slice %arg7[%dma_start3A_203, %dma_start3A_204] : memref<1600x32xf32, #tpu.memory_space<vmem>> -> memref<64x32xf32, #tpu.memory_space<vmem>>
    %dma_start3A_206 = arith.constant 1536 : i32
    %dma_start3A_207 = tpu.memref_slice %arg5[%dma_start3A_206] : memref<1664xi32, #tpu.memory_space<vmem>> -> memref<64xi32, #tpu.memory_space<vmem>>
    %dma_start3A_208 = arith.constant 0 : i32
    %dma_start3A_209 = arith.constant 0 : i32
    %dma_start3A_210 = tpu.memref_slice %arg3[%dma_start3A_208, %dma_start3A_209] : memref<1000000x32xf32, #tpu.memory_space<hbm>> -> memref<1000000x32xf32, #tpu.memory_space<hbm>>
    tpu.enqueue_indirect_dma source(%dma_start3A_210 : memref<1000000x32xf32, #tpu.memory_space<hbm>>) target(%dma_start3A_205 : memref<64x32xf32, #tpu.memory_space<vmem>>) offsets(%dma_start3A_207 : memref<64xi32, #tpu.memory_space<vmem>>) semaphore(%arg12 : memref<!tpu.dma_semaphore, #tpu.memory_space<semaphore_mem>>)
    %scan3A = arith.constant 2.000000e-02 : f32
    %scan3A_211 = arith.constant 0 : i32
    %scan3A_212 = arith.constant 8 : i32
    %scan3A_213 = arith.addi %scan3A_211, %scan3A_212 : i32
    %scan3A_214 = arith.constant 1 : i32
    scf.for %scan3A_227 = %scan3A_211 to %scan3A_213 step %scan3A_214  : i32 {
      %mul3A_228 = arith.constant 2 : i32
      %mul3A_229 = arith.muli %scan3A_227, %mul3A_228 : i32
      %add3A_230 = arith.constant 0 : i32
      %add3A_231 = arith.addi %add3A_230, %mul3A_229 : i32
      %add3A_232 = arith.constant 0 : i32
      %add3A_233 = arith.addi %add3A_231, %add3A_232 : i32
      %add3A_234 = arith.constant 1 : i32
      %add3A_235 = arith.addi %add3A_233, %add3A_234 : i32
      %lt3A = arith.constant 16 : i32
      %lt3A_236 = arith.cmpi slt, %add3A_235, %lt3A : i32
      %convert_element_type3A = arith.extui %lt3A_236 : i1 to i32
      %cond3A = arith.constant 0 : i32
      %cond3A_237 = arith.cmpi ne, %convert_element_type3A, %cond3A : i32
      scf.if %cond3A_237 {
        %add3A_296 = arith.constant 1 : i32
        %add3A_297 = arith.addi %add3A_233, %add3A_296 : i32
        %mul3A_298 = arith.constant 25600 : i32
        %mul3A_299 = arith.muli %add3A, %mul3A_298 : i32
        %mul3A_300 = arith.constant 1600 : i32
        %mul3A_301 = arith.muli %add3A_297, %mul3A_300 : i32
        %add3A_302 = arith.addi %mul3A_299, %mul3A_301 : i32
        "tpu.region"() ({
          %run_scoped3A = tpu.sem_alloc : memref<!tpu.dma_semaphore, #tpu.memory_space<semaphore_mem>>
          %dma_start3A_503 = arith.constant 0 : i32
          %dma_start3A_504 = tpu.memref_slice %arg6[%dma_start3A_503] : memref<1664xi32, #tpu.memory_space<vmem>> -> memref<1600xi32, #tpu.memory_space<vmem>>
          %dma_start3A_505 = tpu.memref_slice %arg2[%add3A_302] : memref<819200xi32, #tpu.memory_space<hbm>> -> memref<1600xi32, #tpu.memory_space<hbm>>
          %dma_start3A_506 = arith.constant 0 : i32
          %dma_start3A_507 = tpu.memref_slice %arg6[%dma_start3A_506] : memref<1664xi32, #tpu.memory_space<vmem>> -> memref<1600xi32, #tpu.memory_space<vmem>>
          %dma_start3A_508 = tpu.memref_slice %arg2[%add3A_302] : memref<819200xi32, #tpu.memory_space<hbm>> -> memref<1600xi32, #tpu.memory_space<hbm>>
          tpu.enqueue_dma source(%dma_start3A_508 : memref<1600xi32, #tpu.memory_space<hbm>>) target(%dma_start3A_507 : memref<1600xi32, #tpu.memory_space<vmem>>) target_semaphore(%run_scoped3A : memref<!tpu.dma_semaphore, #tpu.memory_space<semaphore_mem>>)
          %dma_wait3A_509 = arith.constant 0 : i32
          %dma_wait3A_510 = tpu.memref_slice %arg6[%dma_wait3A_509] : memref<1664xi32, #tpu.memory_space<vmem>> -> memref<1600xi32, #tpu.memory_space<vmem>>
          %dma_wait3A_511 = tpu.memref_slice %arg2[%add3A_302] : memref<819200xi32, #tpu.memory_space<hbm>> -> memref<1600xi32, #tpu.memory_space<hbm>>
          %dma_wait3A_512 = arith.constant 0 : i32
          %dma_wait3A_513 = tpu.memref_slice %arg6[%dma_wait3A_512] : memref<1664xi32, #tpu.memory_space<vmem>> -> memref<1600xi32, #tpu.memory_space<vmem>>
          %dma_wait3A_514 = tpu.memref_slice %arg2[%add3A_302] : memref<819200xi32, #tpu.memory_space<hbm>> -> memref<1600xi32, #tpu.memory_space<hbm>>
          tpu.wait_dma2 semaphore(%run_scoped3A : memref<!tpu.dma_semaphore, #tpu.memory_space<semaphore_mem>>) src(%dma_wait3A_514 : memref<1600xi32, #tpu.memory_space<hbm>>) dst(%dma_wait3A_513 : memref<1600xi32, #tpu.memory_space<vmem>>)
          tpu.yield
        }) : () -> ()
        %dma_start3A_303 = arith.constant 0 : i32
        %dma_start3A_304 = arith.constant 0 : i32
        %dma_start3A_305 = tpu.memref_slice %arg8[%dma_start3A_303, %dma_start3A_304] : memref<1600x32xf32, #tpu.memory_space<vmem>> -> memref<64x32xf32, #tpu.memory_space<vmem>>
        %dma_start3A_306 = arith.constant 0 : i32
        %dma_start3A_307 = tpu.memref_slice %arg6[%dma_start3A_306] : memref<1664xi32, #tpu.memory_space<vmem>> -> memref<64xi32, #tpu.memory_space<vmem>>
        %dma_start3A_308 = arith.constant 0 : i32
        %dma_start3A_309 = arith.constant 0 : i32
        %dma_start3A_310 = tpu.memref_slice %arg3[%dma_start3A_308, %dma_start3A_309] : memref<1000000x32xf32, #tpu.memory_space<hbm>> -> memref<1000000x32xf32, #tpu.memory_space<hbm>>
        tpu.enqueue_indirect_dma source(%dma_start3A_310 : memref<1000000x32xf32, #tpu.memory_space<hbm>>) target(%dma_start3A_305 : memref<64x32xf32, #tpu.memory_space<vmem>>) offsets(%dma_start3A_307 : memref<64xi32, #tpu.memory_space<vmem>>) semaphore(%arg13 : memref<!tpu.dma_semaphore, #tpu.memory_space<semaphore_mem>>)
        %dma_start3A_311 = arith.constant 64 : i32
        %dma_start3A_312 = arith.constant 0 : i32
        %dma_start3A_313 = tpu.memref_slice %arg8[%dma_start3A_311, %dma_start3A_312] : memref<1600x32xf32, #tpu.memory_space<vmem>> -> memref<64x32xf32, #tpu.memory_space<vmem>>
        %dma_start3A_314 = arith.constant 64 : i32
        %dma_start3A_315 = tpu.memref_slice %arg6[%dma_start3A_314] : memref<1664xi32, #tpu.memory_space<vmem>> -> memref<64xi32, #tpu.memory_space<vmem>>
        %dma_start3A_316 = arith.constant 0 : i32
        %dma_start3A_317 = arith.constant 0 : i32
        %dma_start3A_318 = tpu.memref_slice %arg3[%dma_start3A_316, %dma_start3A_317] : memref<1000000x32xf32, #tpu.memory_space<hbm>> -> memref<1000000x32xf32, #tpu.memory_space<hbm>>
        tpu.enqueue_indirect_dma source(%dma_start3A_318 : memref<1000000x32xf32, #tpu.memory_space<hbm>>) target(%dma_start3A_313 : memref<64x32xf32, #tpu.memory_space<vmem>>) offsets(%dma_start3A_315 : memref<64xi32, #tpu.memory_space<vmem>>) semaphore(%arg13 : memref<!tpu.dma_semaphore, #tpu.memory_space<semaphore_mem>>)
        %dma_start3A_319 = arith.constant 128 : i32
        %dma_start3A_320 = arith.constant 0 : i32
        %dma_start3A_321 = tpu.memref_slice %arg8[%dma_start3A_319, %dma_start3A_320] : memref<1600x32xf32, #tpu.memory_space<vmem>> -> memref<64x32xf32, #tpu.memory_space<vmem>>
        %dma_start3A_322 = arith.constant 128 : i32
        %dma_start3A_323 = tpu.memref_slice %arg6[%dma_start3A_322] : memref<1664xi32, #tpu.memory_space<vmem>> -> memref<64xi32, #tpu.memory_space<vmem>>
        %dma_start3A_324 = arith.constant 0 : i32
        %dma_start3A_325 = arith.constant 0 : i32
        %dma_start3A_326 = tpu.memref_slice %arg3[%dma_start3A_324, %dma_start3A_325] : memref<1000000x32xf32, #tpu.memory_space<hbm>> -> memref<1000000x32xf32, #tpu.memory_space<hbm>>
        tpu.enqueue_indirect_dma source(%dma_start3A_326 : memref<1000000x32xf32, #tpu.memory_space<hbm>>) target(%dma_start3A_321 : memref<64x32xf32, #tpu.memory_space<vmem>>) offsets(%dma_start3A_323 : memref<64xi32, #tpu.memory_space<vmem>>) semaphore(%arg13 : memref<!tpu.dma_semaphore, #tpu.memory_space<semaphore_mem>>)
        %dma_start3A_327 = arith.constant 192 : i32
        %dma_start3A_328 = arith.constant 0 : i32
        %dma_start3A_329 = tpu.memref_slice %arg8[%dma_start3A_327, %dma_start3A_328] : memref<1600x32xf32, #tpu.memory_space<vmem>> -> memref<64x32xf32, #tpu.memory_space<vmem>>
        %dma_start3A_330 = arith.constant 192 : i32
        %dma_start3A_331 = tpu.memref_slice %arg6[%dma_start3A_330] : memref<1664xi32, #tpu.memory_space<vmem>> -> memref<64xi32, #tpu.memory_space<vmem>>
        %dma_start3A_332 = arith.constant 0 : i32
        %dma_start3A_333 = arith.constant 0 : i32
        %dma_start3A_334 = tpu.memref_slice %arg3[%dma_start3A_332, %dma_start3A_333] : memref<1000000x32xf32, #tpu.memory_space<hbm>> -> memref<1000000x32xf32, #tpu.memory_space<hbm>>
        tpu.enqueue_indirect_dma source(%dma_start3A_334 : memref<1000000x32xf32, #tpu.memory_space<hbm>>) target(%dma_start3A_329 : memref<64x32xf32, #tpu.memory_space<vmem>>) offsets(%dma_start3A_331 : memref<64xi32, #tpu.memory_space<vmem>>) semaphore(%arg13 : memref<!tpu.dma_semaphore, #tpu.memory_space<semaphore_mem>>)
        %dma_start3A_335 = arith.constant 256 : i32
        %dma_start3A_336 = arith.constant 0 : i32
        %dma_start3A_337 = tpu.memref_slice %arg8[%dma_start3A_335, %dma_start3A_336] : memref<1600x32xf32, #tpu.memory_space<vmem>> -> memref<64x32xf32, #tpu.memory_space<vmem>>
        %dma_start3A_338 = arith.constant 256 : i32
        %dma_start3A_339 = tpu.memref_slice %arg6[%dma_start3A_338] : memref<1664xi32, #tpu.memory_space<vmem>> -> memref<64xi32, #tpu.memory_space<vmem>>
        %dma_start3A_340 = arith.constant 0 : i32
        %dma_start3A_341 = arith.constant 0 : i32
        %dma_start3A_342 = tpu.memref_slice %arg3[%dma_start3A_340, %dma_start3A_341] : memref<1000000x32xf32, #tpu.memory_space<hbm>> -> memref<1000000x32xf32, #tpu.memory_space<hbm>>
        tpu.enqueue_indirect_dma source(%dma_start3A_342 : memref<1000000x32xf32, #tpu.memory_space<hbm>>) target(%dma_start3A_337 : memref<64x32xf32, #tpu.memory_space<vmem>>) offsets(%dma_start3A_339 : memref<64xi32, #tpu.memory_space<vmem>>) semaphore(%arg13 : memref<!tpu.dma_semaphore, #tpu.memory_space<semaphore_mem>>)
        %dma_start3A_343 = arith.constant 320 : i32
        %dma_start3A_344 = arith.constant 0 : i32
        %dma_start3A_345 = tpu.memref_slice %arg8[%dma_start3A_343, %dma_start3A_344] : memref<1600x32xf32, #tpu.memory_space<vmem>> -> memref<64x32xf32, #tpu.memory_space<vmem>>
        %dma_start3A_346 = arith.constant 320 : i32
        %dma_start3A_347 = tpu.memref_slice %arg6[%dma_start3A_346] : memref<1664xi32, #tpu.memory_space<vmem>> -> memref<64xi32, #tpu.memory_space<vmem>>
        %dma_start3A_348 = arith.constant 0 : i32
        %dma_start3A_349 = arith.constant 0 : i32
        %dma_start3A_350 = tpu.memref_slice %arg3[%dma_start3A_348, %dma_start3A_349] : memref<1000000x32xf32, #tpu.memory_space<hbm>> -> memref<1000000x32xf32, #tpu.memory_space<hbm>>
        tpu.enqueue_indirect_dma source(%dma_start3A_350 : memref<1000000x32xf32, #tpu.memory_space<hbm>>) target(%dma_start3A_345 : memref<64x32xf32, #tpu.memory_space<vmem>>) offsets(%dma_start3A_347 : memref<64xi32, #tpu.memory_space<vmem>>) semaphore(%arg13 : memref<!tpu.dma_semaphore, #tpu.memory_space<semaphore_mem>>)
        %dma_start3A_351 = arith.constant 384 : i32
        %dma_start3A_352 = arith.constant 0 : i32
        %dma_start3A_353 = tpu.memref_slice %arg8[%dma_start3A_351, %dma_start3A_352] : memref<1600x32xf32, #tpu.memory_space<vmem>> -> memref<64x32xf32, #tpu.memory_space<vmem>>
        %dma_start3A_354 = arith.constant 384 : i32
        %dma_start3A_355 = tpu.memref_slice %arg6[%dma_start3A_354] : memref<1664xi32, #tpu.memory_space<vmem>> -> memref<64xi32, #tpu.memory_space<vmem>>
        %dma_start3A_356 = arith.constant 0 : i32
        %dma_start3A_357 = arith.constant 0 : i32
        %dma_start3A_358 = tpu.memref_slice %arg3[%dma_start3A_356, %dma_start3A_357] : memref<1000000x32xf32, #tpu.memory_space<hbm>> -> memref<1000000x32xf32, #tpu.memory_space<hbm>>
        tpu.enqueue_indirect_dma source(%dma_start3A_358 : memref<1000000x32xf32, #tpu.memory_space<hbm>>) target(%dma_start3A_353 : memref<64x32xf32, #tpu.memory_space<vmem>>) offsets(%dma_start3A_355 : memref<64xi32, #tpu.memory_space<vmem>>) semaphore(%arg13 : memref<!tpu.dma_semaphore, #tpu.memory_space<semaphore_mem>>)
        %dma_start3A_359 = arith.constant 448 : i32
        %dma_start3A_360 = arith.constant 0 : i32
        %dma_start3A_361 = tpu.memref_slice %arg8[%dma_start3A_359, %dma_start3A_360] : memref<1600x32xf32, #tpu.memory_space<vmem>> -> memref<64x32xf32, #tpu.memory_space<vmem>>
        %dma_start3A_362 = arith.constant 448 : i32
        %dma_start3A_363 = tpu.memref_slice %arg6[%dma_start3A_362] : memref<1664xi32, #tpu.memory_space<vmem>> -> memref<64xi32, #tpu.memory_space<vmem>>
        %dma_start3A_364 = arith.constant 0 : i32
        %dma_start3A_365 = arith.constant 0 : i32
        %dma_start3A_366 = tpu.memref_slice %arg3[%dma_start3A_364, %dma_start3A_365] : memref<1000000x32xf32, #tpu.memory_space<hbm>> -> memref<1000000x32xf32, #tpu.memory_space<hbm>>
        tpu.enqueue_indirect_dma source(%dma_start3A_366 : memref<1000000x32xf32, #tpu.memory_space<hbm>>) target(%dma_start3A_361 : memref<64x32xf32, #tpu.memory_space<vmem>>) offsets(%dma_start3A_363 : memref<64xi32, #tpu.memory_space<vmem>>) semaphore(%arg13 : memref<!tpu.dma_semaphore, #tpu.memory_space<semaphore_mem>>)
        %dma_start3A_367 = arith.constant 512 : i32
        %dma_start3A_368 = arith.constant 0 : i32
        %dma_start3A_369 = tpu.memref_slice %arg8[%dma_start3A_367, %dma_start3A_368] : memref<1600x32xf32, #tpu.memory_space<vmem>> -> memref<64x32xf32, #tpu.memory_space<vmem>>
        %dma_start3A_370 = arith.constant 512 : i32
        %dma_start3A_371 = tpu.memref_slice %arg6[%dma_start3A_370] : memref<1664xi32, #tpu.memory_space<vmem>> -> memref<64xi32, #tpu.memory_space<vmem>>
        %dma_start3A_372 = arith.constant 0 : i32
        %dma_start3A_373 = arith.constant 0 : i32
        %dma_start3A_374 = tpu.memref_slice %arg3[%dma_start3A_372, %dma_start3A_373] : memref<1000000x32xf32, #tpu.memory_space<hbm>> -> memref<1000000x32xf32, #tpu.memory_space<hbm>>
        tpu.enqueue_indirect_dma source(%dma_start3A_374 : memref<1000000x32xf32, #tpu.memory_space<hbm>>) target(%dma_start3A_369 : memref<64x32xf32, #tpu.memory_space<vmem>>) offsets(%dma_start3A_371 : memref<64xi32, #tpu.memory_space<vmem>>) semaphore(%arg13 : memref<!tpu.dma_semaphore, #tpu.memory_space<semaphore_mem>>)
        %dma_start3A_375 = arith.constant 576 : i32
        %dma_start3A_376 = arith.constant 0 : i32
        %dma_start3A_377 = tpu.memref_slice %arg8[%dma_start3A_375, %dma_start3A_376] : memref<1600x32xf32, #tpu.memory_space<vmem>> -> memref<64x32xf32, #tpu.memory_space<vmem>>
        %dma_start3A_378 = arith.constant 576 : i32
        %dma_start3A_379 = tpu.memref_slice %arg6[%dma_start3A_378] : memref<1664xi32, #tpu.memory_space<vmem>> -> memref<64xi32, #tpu.memory_space<vmem>>
        %dma_start3A_380 = arith.constant 0 : i32
        %dma_start3A_381 = arith.constant 0 : i32
        %dma_start3A_382 = tpu.memref_slice %arg3[%dma_start3A_380, %dma_start3A_381] : memref<1000000x32xf32, #tpu.memory_space<hbm>> -> memref<1000000x32xf32, #tpu.memory_space<hbm>>
        tpu.enqueue_indirect_dma source(%dma_start3A_382 : memref<1000000x32xf32, #tpu.memory_space<hbm>>) target(%dma_start3A_377 : memref<64x32xf32, #tpu.memory_space<vmem>>) offsets(%dma_start3A_379 : memref<64xi32, #tpu.memory_space<vmem>>) semaphore(%arg13 : memref<!tpu.dma_semaphore, #tpu.memory_space<semaphore_mem>>)
        %dma_start3A_383 = arith.constant 640 : i32
        %dma_start3A_384 = arith.constant 0 : i32
        %dma_start3A_385 = tpu.memref_slice %arg8[%dma_start3A_383, %dma_start3A_384] : memref<1600x32xf32, #tpu.memory_space<vmem>> -> memref<64x32xf32, #tpu.memory_space<vmem>>
        %dma_start3A_386 = arith.constant 640 : i32
        %dma_start3A_387 = tpu.memref_slice %arg6[%dma_start3A_386] : memref<1664xi32, #tpu.memory_space<vmem>> -> memref<64xi32, #tpu.memory_space<vmem>>
        %dma_start3A_388 = arith.constant 0 : i32
        %dma_start3A_389 = arith.constant 0 : i32
        %dma_start3A_390 = tpu.memref_slice %arg3[%dma_start3A_388, %dma_start3A_389] : memref<1000000x32xf32, #tpu.memory_space<hbm>> -> memref<1000000x32xf32, #tpu.memory_space<hbm>>
        tpu.enqueue_indirect_dma source(%dma_start3A_390 : memref<1000000x32xf32, #tpu.memory_space<hbm>>) target(%dma_start3A_385 : memref<64x32xf32, #tpu.memory_space<vmem>>) offsets(%dma_start3A_387 : memref<64xi32, #tpu.memory_space<vmem>>) semaphore(%arg13 : memref<!tpu.dma_semaphore, #tpu.memory_space<semaphore_mem>>)
        %dma_start3A_391 = arith.constant 704 : i32
        %dma_start3A_392 = arith.constant 0 : i32
        %dma_start3A_393 = tpu.memref_slice %arg8[%dma_start3A_391, %dma_start3A_392] : memref<1600x32xf32, #tpu.memory_space<vmem>> -> memref<64x32xf32, #tpu.memory_space<vmem>>
        %dma_start3A_394 = arith.constant 704 : i32
        %dma_start3A_395 = tpu.memref_slice %arg6[%dma_start3A_394] : memref<1664xi32, #tpu.memory_space<vmem>> -> memref<64xi32, #tpu.memory_space<vmem>>
        %dma_start3A_396 = arith.constant 0 : i32
        %dma_start3A_397 = arith.constant 0 : i32
        %dma_start3A_398 = tpu.memref_slice %arg3[%dma_start3A_396, %dma_start3A_397] : memref<1000000x32xf32, #tpu.memory_space<hbm>> -> memref<1000000x32xf32, #tpu.memory_space<hbm>>
        tpu.enqueue_indirect_dma source(%dma_start3A_398 : memref<1000000x32xf32, #tpu.memory_space<hbm>>) target(%dma_start3A_393 : memref<64x32xf32, #tpu.memory_space<vmem>>) offsets(%dma_start3A_395 : memref<64xi32, #tpu.memory_space<vmem>>) semaphore(%arg13 : memref<!tpu.dma_semaphore, #tpu.memory_space<semaphore_mem>>)
        %dma_start3A_399 = arith.constant 768 : i32
        %dma_start3A_400 = arith.constant 0 : i32
        %dma_start3A_401 = tpu.memref_slice %arg8[%dma_start3A_399, %dma_start3A_400] : memref<1600x32xf32, #tpu.memory_space<vmem>> -> memref<64x32xf32, #tpu.memory_space<vmem>>
        %dma_start3A_402 = arith.constant 768 : i32
        %dma_start3A_403 = tpu.memref_slice %arg6[%dma_start3A_402] : memref<1664xi32, #tpu.memory_space<vmem>> -> memref<64xi32, #tpu.memory_space<vmem>>
        %dma_start3A_404 = arith.constant 0 : i32
        %dma_start3A_405 = arith.constant 0 : i32
        %dma_start3A_406 = tpu.memref_slice %arg3[%dma_start3A_404, %dma_start3A_405] : memref<1000000x32xf32, #tpu.memory_space<hbm>> -> memref<1000000x32xf32, #tpu.memory_space<hbm>>
        tpu.enqueue_indirect_dma source(%dma_start3A_406 : memref<1000000x32xf32, #tpu.memory_space<hbm>>) target(%dma_start3A_401 : memref<64x32xf32, #tpu.memory_space<vmem>>) offsets(%dma_start3A_403 : memref<64xi32, #tpu.memory_space<vmem>>) semaphore(%arg13 : memref<!tpu.dma_semaphore, #tpu.memory_space<semaphore_mem>>)
        %dma_start3A_407 = arith.constant 832 : i32
        %dma_start3A_408 = arith.constant 0 : i32
        %dma_start3A_409 = tpu.memref_slice %arg8[%dma_start3A_407, %dma_start3A_408] : memref<1600x32xf32, #tpu.memory_space<vmem>> -> memref<64x32xf32, #tpu.memory_space<vmem>>
        %dma_start3A_410 = arith.constant 832 : i32
        %dma_start3A_411 = tpu.memref_slice %arg6[%dma_start3A_410] : memref<1664xi32, #tpu.memory_space<vmem>> -> memref<64xi32, #tpu.memory_space<vmem>>
        %dma_start3A_412 = arith.constant 0 : i32
        %dma_start3A_413 = arith.constant 0 : i32
        %dma_start3A_414 = tpu.memref_slice %arg3[%dma_start3A_412, %dma_start3A_413] : memref<1000000x32xf32, #tpu.memory_space<hbm>> -> memref<1000000x32xf32, #tpu.memory_space<hbm>>
        tpu.enqueue_indirect_dma source(%dma_start3A_414 : memref<1000000x32xf32, #tpu.memory_space<hbm>>) target(%dma_start3A_409 : memref<64x32xf32, #tpu.memory_space<vmem>>) offsets(%dma_start3A_411 : memref<64xi32, #tpu.memory_space<vmem>>) semaphore(%arg13 : memref<!tpu.dma_semaphore, #tpu.memory_space<semaphore_mem>>)
        %dma_start3A_415 = arith.constant 896 : i32
        %dma_start3A_416 = arith.constant 0 : i32
        %dma_start3A_417 = tpu.memref_slice %arg8[%dma_start3A_415, %dma_start3A_416] : memref<1600x32xf32, #tpu.memory_space<vmem>> -> memref<64x32xf32, #tpu.memory_space<vmem>>
        %dma_start3A_418 = arith.constant 896 : i32
        %dma_start3A_419 = tpu.memref_slice %arg6[%dma_start3A_418] : memref<1664xi32, #tpu.memory_space<vmem>> -> memref<64xi32, #tpu.memory_space<vmem>>
        %dma_start3A_420 = arith.constant 0 : i32
        %dma_start3A_421 = arith.constant 0 : i32
        %dma_start3A_422 = tpu.memref_slice %arg3[%dma_start3A_420, %dma_start3A_421] : memref<1000000x32xf32, #tpu.memory_space<hbm>> -> memref<1000000x32xf32, #tpu.memory_space<hbm>>
        tpu.enqueue_indirect_dma source(%dma_start3A_422 : memref<1000000x32xf32, #tpu.memory_space<hbm>>) target(%dma_start3A_417 : memref<64x32xf32, #tpu.memory_space<vmem>>) offsets(%dma_start3A_419 : memref<64xi32, #tpu.memory_space<vmem>>) semaphore(%arg13 : memref<!tpu.dma_semaphore, #tpu.memory_space<semaphore_mem>>)
        %dma_start3A_423 = arith.constant 960 : i32
        %dma_start3A_424 = arith.constant 0 : i32
        %dma_start3A_425 = tpu.memref_slice %arg8[%dma_start3A_423, %dma_start3A_424] : memref<1600x32xf32, #tpu.memory_space<vmem>> -> memref<64x32xf32, #tpu.memory_space<vmem>>
        %dma_start3A_426 = arith.constant 960 : i32
        %dma_start3A_427 = tpu.memref_slice %arg6[%dma_start3A_426] : memref<1664xi32, #tpu.memory_space<vmem>> -> memref<64xi32, #tpu.memory_space<vmem>>
        %dma_start3A_428 = arith.constant 0 : i32
        %dma_start3A_429 = arith.constant 0 : i32
        %dma_start3A_430 = tpu.memref_slice %arg3[%dma_start3A_428, %dma_start3A_429] : memref<1000000x32xf32, #tpu.memory_space<hbm>> -> memref<1000000x32xf32, #tpu.memory_space<hbm>>
        tpu.enqueue_indirect_dma source(%dma_start3A_430 : memref<1000000x32xf32, #tpu.memory_space<hbm>>) target(%dma_start3A_425 : memref<64x32xf32, #tpu.memory_space<vmem>>) offsets(%dma_start3A_427 : memref<64xi32, #tpu.memory_space<vmem>>) semaphore(%arg13 : memref<!tpu.dma_semaphore, #tpu.memory_space<semaphore_mem>>)
        %dma_start3A_431 = arith.constant 1024 : i32
        %dma_start3A_432 = arith.constant 0 : i32
        %dma_start3A_433 = tpu.memref_slice %arg8[%dma_start3A_431, %dma_start3A_432] : memref<1600x32xf32, #tpu.memory_space<vmem>> -> memref<64x32xf32, #tpu.memory_space<vmem>>
        %dma_start3A_434 = arith.constant 1024 : i32
        %dma_start3A_435 = tpu.memref_slice %arg6[%dma_start3A_434] : memref<1664xi32, #tpu.memory_space<vmem>> -> memref<64xi32, #tpu.memory_space<vmem>>
        %dma_start3A_436 = arith.constant 0 : i32
        %dma_start3A_437 = arith.constant 0 : i32
        %dma_start3A_438 = tpu.memref_slice %arg3[%dma_start3A_436, %dma_start3A_437] : memref<1000000x32xf32, #tpu.memory_space<hbm>> -> memref<1000000x32xf32, #tpu.memory_space<hbm>>
        tpu.enqueue_indirect_dma source(%dma_start3A_438 : memref<1000000x32xf32, #tpu.memory_space<hbm>>) target(%dma_start3A_433 : memref<64x32xf32, #tpu.memory_space<vmem>>) offsets(%dma_start3A_435 : memref<64xi32, #tpu.memory_space<vmem>>) semaphore(%arg13 : memref<!tpu.dma_semaphore, #tpu.memory_space<semaphore_mem>>)
        %dma_start3A_439 = arith.constant 1088 : i32
        %dma_start3A_440 = arith.constant 0 : i32
        %dma_start3A_441 = tpu.memref_slice %arg8[%dma_start3A_439, %dma_start3A_440] : memref<1600x32xf32, #tpu.memory_space<vmem>> -> memref<64x32xf32, #tpu.memory_space<vmem>>
        %dma_start3A_442 = arith.constant 1088 : i32
        %dma_start3A_443 = tpu.memref_slice %arg6[%dma_start3A_442] : memref<1664xi32, #tpu.memory_space<vmem>> -> memref<64xi32, #tpu.memory_space<vmem>>
        %dma_start3A_444 = arith.constant 0 : i32
        %dma_start3A_445 = arith.constant 0 : i32
        %dma_start3A_446 = tpu.memref_slice %arg3[%dma_start3A_444, %dma_start3A_445] : memref<1000000x32xf32, #tpu.memory_space<hbm>> -> memref<1000000x32xf32, #tpu.memory_space<hbm>>
        tpu.enqueue_indirect_dma source(%dma_start3A_446 : memref<1000000x32xf32, #tpu.memory_space<hbm>>) target(%dma_start3A_441 : memref<64x32xf32, #tpu.memory_space<vmem>>) offsets(%dma_start3A_443 : memref<64xi32, #tpu.memory_space<vmem>>) semaphore(%arg13 : memref<!tpu.dma_semaphore, #tpu.memory_space<semaphore_mem>>)
        %dma_start3A_447 = arith.constant 1152 : i32
        %dma_start3A_448 = arith.constant 0 : i32
        %dma_start3A_449 = tpu.memref_slice %arg8[%dma_start3A_447, %dma_start3A_448] : memref<1600x32xf32, #tpu.memory_space<vmem>> -> memref<64x32xf32, #tpu.memory_space<vmem>>
        %dma_start3A_450 = arith.constant 1152 : i32
        %dma_start3A_451 = tpu.memref_slice %arg6[%dma_start3A_450] : memref<1664xi32, #tpu.memory_space<vmem>> -> memref<64xi32, #tpu.memory_space<vmem>>
        %dma_start3A_452 = arith.constant 0 : i32
        %dma_start3A_453 = arith.constant 0 : i32
        %dma_start3A_454 = tpu.memref_slice %arg3[%dma_start3A_452, %dma_start3A_453] : memref<1000000x32xf32, #tpu.memory_space<hbm>> -> memref<1000000x32xf32, #tpu.memory_space<hbm>>
        tpu.enqueue_indirect_dma source(%dma_start3A_454 : memref<1000000x32xf32, #tpu.memory_space<hbm>>) target(%dma_start3A_449 : memref<64x32xf32, #tpu.memory_space<vmem>>) offsets(%dma_start3A_451 : memref<64xi32, #tpu.memory_space<vmem>>) semaphore(%arg13 : memref<!tpu.dma_semaphore, #tpu.memory_space<semaphore_mem>>)
        %dma_start3A_455 = arith.constant 1216 : i32
        %dma_start3A_456 = arith.constant 0 : i32
        %dma_start3A_457 = tpu.memref_slice %arg8[%dma_start3A_455, %dma_start3A_456] : memref<1600x32xf32, #tpu.memory_space<vmem>> -> memref<64x32xf32, #tpu.memory_space<vmem>>
        %dma_start3A_458 = arith.constant 1216 : i32
        %dma_start3A_459 = tpu.memref_slice %arg6[%dma_start3A_458] : memref<1664xi32, #tpu.memory_space<vmem>> -> memref<64xi32, #tpu.memory_space<vmem>>
        %dma_start3A_460 = arith.constant 0 : i32
        %dma_start3A_461 = arith.constant 0 : i32
        %dma_start3A_462 = tpu.memref_slice %arg3[%dma_start3A_460, %dma_start3A_461] : memref<1000000x32xf32, #tpu.memory_space<hbm>> -> memref<1000000x32xf32, #tpu.memory_space<hbm>>
        tpu.enqueue_indirect_dma source(%dma_start3A_462 : memref<1000000x32xf32, #tpu.memory_space<hbm>>) target(%dma_start3A_457 : memref<64x32xf32, #tpu.memory_space<vmem>>) offsets(%dma_start3A_459 : memref<64xi32, #tpu.memory_space<vmem>>) semaphore(%arg13 : memref<!tpu.dma_semaphore, #tpu.memory_space<semaphore_mem>>)
        %dma_start3A_463 = arith.constant 1280 : i32
        %dma_start3A_464 = arith.constant 0 : i32
        %dma_start3A_465 = tpu.memref_slice %arg8[%dma_start3A_463, %dma_start3A_464] : memref<1600x32xf32, #tpu.memory_space<vmem>> -> memref<64x32xf32, #tpu.memory_space<vmem>>
        %dma_start3A_466 = arith.constant 1280 : i32
        %dma_start3A_467 = tpu.memref_slice %arg6[%dma_start3A_466] : memref<1664xi32, #tpu.memory_space<vmem>> -> memref<64xi32, #tpu.memory_space<vmem>>
        %dma_start3A_468 = arith.constant 0 : i32
        %dma_start3A_469 = arith.constant 0 : i32
        %dma_start3A_470 = tpu.memref_slice %arg3[%dma_start3A_468, %dma_start3A_469] : memref<1000000x32xf32, #tpu.memory_space<hbm>> -> memref<1000000x32xf32, #tpu.memory_space<hbm>>
        tpu.enqueue_indirect_dma source(%dma_start3A_470 : memref<1000000x32xf32, #tpu.memory_space<hbm>>) target(%dma_start3A_465 : memref<64x32xf32, #tpu.memory_space<vmem>>) offsets(%dma_start3A_467 : memref<64xi32, #tpu.memory_space<vmem>>) semaphore(%arg13 : memref<!tpu.dma_semaphore, #tpu.memory_space<semaphore_mem>>)
        %dma_start3A_471 = arith.constant 1344 : i32
        %dma_start3A_472 = arith.constant 0 : i32
        %dma_start3A_473 = tpu.memref_slice %arg8[%dma_start3A_471, %dma_start3A_472] : memref<1600x32xf32, #tpu.memory_space<vmem>> -> memref<64x32xf32, #tpu.memory_space<vmem>>
        %dma_start3A_474 = arith.constant 1344 : i32
        %dma_start3A_475 = tpu.memref_slice %arg6[%dma_start3A_474] : memref<1664xi32, #tpu.memory_space<vmem>> -> memref<64xi32, #tpu.memory_space<vmem>>
        %dma_start3A_476 = arith.constant 0 : i32
        %dma_start3A_477 = arith.constant 0 : i32
        %dma_start3A_478 = tpu.memref_slice %arg3[%dma_start3A_476, %dma_start3A_477] : memref<1000000x32xf32, #tpu.memory_space<hbm>> -> memref<1000000x32xf32, #tpu.memory_space<hbm>>
        tpu.enqueue_indirect_dma source(%dma_start3A_478 : memref<1000000x32xf32, #tpu.memory_space<hbm>>) target(%dma_start3A_473 : memref<64x32xf32, #tpu.memory_space<vmem>>) offsets(%dma_start3A_475 : memref<64xi32, #tpu.memory_space<vmem>>) semaphore(%arg13 : memref<!tpu.dma_semaphore, #tpu.memory_space<semaphore_mem>>)
        %dma_start3A_479 = arith.constant 1408 : i32
        %dma_start3A_480 = arith.constant 0 : i32
        %dma_start3A_481 = tpu.memref_slice %arg8[%dma_start3A_479, %dma_start3A_480] : memref<1600x32xf32, #tpu.memory_space<vmem>> -> memref<64x32xf32, #tpu.memory_space<vmem>>
        %dma_start3A_482 = arith.constant 1408 : i32
        %dma_start3A_483 = tpu.memref_slice %arg6[%dma_start3A_482] : memref<1664xi32, #tpu.memory_space<vmem>> -> memref<64xi32, #tpu.memory_space<vmem>>
        %dma_start3A_484 = arith.constant 0 : i32
        %dma_start3A_485 = arith.constant 0 : i32
        %dma_start3A_486 = tpu.memref_slice %arg3[%dma_start3A_484, %dma_start3A_485] : memref<1000000x32xf32, #tpu.memory_space<hbm>> -> memref<1000000x32xf32, #tpu.memory_space<hbm>>
        tpu.enqueue_indirect_dma source(%dma_start3A_486 : memref<1000000x32xf32, #tpu.memory_space<hbm>>) target(%dma_start3A_481 : memref<64x32xf32, #tpu.memory_space<vmem>>) offsets(%dma_start3A_483 : memref<64xi32, #tpu.memory_space<vmem>>) semaphore(%arg13 : memref<!tpu.dma_semaphore, #tpu.memory_space<semaphore_mem>>)
        %dma_start3A_487 = arith.constant 1472 : i32
        %dma_start3A_488 = arith.constant 0 : i32
        %dma_start3A_489 = tpu.memref_slice %arg8[%dma_start3A_487, %dma_start3A_488] : memref<1600x32xf32, #tpu.memory_space<vmem>> -> memref<64x32xf32, #tpu.memory_space<vmem>>
        %dma_start3A_490 = arith.constant 1472 : i32
        %dma_start3A_491 = tpu.memref_slice %arg6[%dma_start3A_490] : memref<1664xi32, #tpu.memory_space<vmem>> -> memref<64xi32, #tpu.memory_space<vmem>>
        %dma_start3A_492 = arith.constant 0 : i32
        %dma_start3A_493 = arith.constant 0 : i32
        %dma_start3A_494 = tpu.memref_slice %arg3[%dma_start3A_492, %dma_start3A_493] : memref<1000000x32xf32, #tpu.memory_space<hbm>> -> memref<1000000x32xf32, #tpu.memory_space<hbm>>
        tpu.enqueue_indirect_dma source(%dma_start3A_494 : memref<1000000x32xf32, #tpu.memory_space<hbm>>) target(%dma_start3A_489 : memref<64x32xf32, #tpu.memory_space<vmem>>) offsets(%dma_start3A_491 : memref<64xi32, #tpu.memory_space<vmem>>) semaphore(%arg13 : memref<!tpu.dma_semaphore, #tpu.memory_space<semaphore_mem>>)
        %dma_start3A_495 = arith.constant 1536 : i32
        %dma_start3A_496 = arith.constant 0 : i32
        %dma_start3A_497 = tpu.memref_slice %arg8[%dma_start3A_495, %dma_start3A_496] : memref<1600x32xf32, #tpu.memory_space<vmem>> -> memref<64x32xf32, #tpu.memory_space<vmem>>
        %dma_start3A_498 = arith.constant 1536 : i32
        %dma_start3A_499 = tpu.memref_slice %arg6[%dma_start3A_498] : memref<1664xi32, #tpu.memory_space<vmem>> -> memref<64xi32, #tpu.memory_space<vmem>>
        %dma_start3A_500 = arith.constant 0 : i32
        %dma_start3A_501 = arith.constant 0 : i32
        %dma_start3A_502 = tpu.memref_slice %arg3[%dma_start3A_500, %dma_start3A_501] : memref<1000000x32xf32, #tpu.memory_space<hbm>> -> memref<1000000x32xf32, #tpu.memory_space<hbm>>
        tpu.enqueue_indirect_dma source(%dma_start3A_502 : memref<1000000x32xf32, #tpu.memory_space<hbm>>) target(%dma_start3A_497 : memref<64x32xf32, #tpu.memory_space<vmem>>) offsets(%dma_start3A_499 : memref<64xi32, #tpu.memory_space<vmem>>) semaphore(%arg13 : memref<!tpu.dma_semaphore, #tpu.memory_space<semaphore_mem>>)
      } else {
      }
      %ge3A = arith.constant 2 : i32
      %ge3A_238 = arith.cmpi sge, %add3A_233, %ge3A : i32
      %convert_element_type3A_239 = arith.extui %ge3A_238 : i1 to i32
      %cond3A_240 = arith.constant 0 : i32
      %cond3A_241 = arith.cmpi ne, %convert_element_type3A_239, %cond3A_240 : i32
      scf.if %cond3A_241 {
        %dma_wait3A_296 = arith.constant 0 : i32
        %dma_wait3A_297 = arith.constant 0 : i32
        %dma_wait3A_298 = tpu.memref_slice %arg4[%dma_wait3A_296, %dma_wait3A_297] : memref<16384x32xf32, #tpu.memory_space<hbm>> -> memref<32x32xf32, #tpu.memory_space<hbm>>
        %dma_wait3A_299 = arith.constant 0 : i32
        %dma_wait3A_300 = arith.constant 0 : i32
        %dma_wait3A_301 = tpu.memref_slice %arg4[%dma_wait3A_299, %dma_wait3A_300] : memref<16384x32xf32, #tpu.memory_space<hbm>> -> memref<32x32xf32, #tpu.memory_space<hbm>>
        tpu.wait_dma2 semaphore(%arg14 : memref<!tpu.dma_semaphore, #tpu.memory_space<semaphore_mem>>) src(%dma_wait3A_301 : memref<32x32xf32, #tpu.memory_space<hbm>>) dst(%arg9 : memref<32x32xf32, #tpu.memory_space<vmem>>)
      } else {
      }
      %dma_wait3A_242 = arith.constant 0 : i32
      %dma_wait3A_243 = arith.constant 0 : i32
      %dma_wait3A_244 = tpu.memref_slice %arg3[%dma_wait3A_242, %dma_wait3A_243] : memref<1000000x32xf32, #tpu.memory_space<hbm>> -> memref<1600x32xf32, #tpu.memory_space<hbm>>
      %dma_wait3A_245 = arith.constant 0 : i32
      %dma_wait3A_246 = arith.constant 0 : i32
      %dma_wait3A_247 = tpu.memref_slice %arg3[%dma_wait3A_245, %dma_wait3A_246] : memref<1000000x32xf32, #tpu.memory_space<hbm>> -> memref<1600x32xf32, #tpu.memory_space<hbm>>
      tpu.wait_dma2 semaphore(%arg12 : memref<!tpu.dma_semaphore, #tpu.memory_space<semaphore_mem>>) src(%dma_wait3A_247 : memref<1600x32xf32, #tpu.memory_space<hbm>>) dst(%arg7 : memref<1600x32xf32, #tpu.memory_space<vmem>>)
      %scan3A_248 = arith.constant 0 : i32
      %scan3A_249 = arith.constant 32 : i32
      %scan3A_250 = arith.addi %scan3A_248, %scan3A_249 : i32
      %scan3A_251 = arith.constant 1 : i32
      scf.for %scan3A_296 = %scan3A_248 to %scan3A_250 step %scan3A_251  : i32 {
        %mul3A_297 = arith.constant 1 : i32
        %mul3A_298 = arith.muli %scan3A_296, %mul3A_297 : i32
        %add3A_299 = arith.constant 0 : i32
        %add3A_300 = arith.addi %add3A_299, %mul3A_298 : i32
        %mul3A_301 = arith.constant 50 : i32
        %mul3A_302 = arith.muli %add3A_300, %mul3A_301 : i32
        %add3A_303 = arith.constant 0 : i32
        %add3A_304 = arith.addi %mul3A_302, %add3A_303 : i32
        %get3A_305 = arith.index_cast %add3A_304 : i32 to index
        %get3A_306 = arith.constant 0 : index
        %get3A_307 = tpu.vector_load %arg7[%get3A_305, %get3A_306] {strides = array<i32>} : memref<1600x32xf32, #tpu.memory_space<vmem>>, vector<16xf32>,
        %add3A_308 = arith.constant 1 : i32
        %add3A_309 = arith.addi %mul3A_302, %add3A_308 : i32
        %get3A_310 = arith.index_cast %add3A_309 : i32 to index
        %get3A_311 = arith.constant 0 : index
        %get3A_312 = tpu.vector_load %arg7[%get3A_310, %get3A_311] {strides = array<i32>} : memref<1600x32xf32, #tpu.memory_space<vmem>>, vector<16xf32>,
        %add3A_313 = arith.constant 2 : i32
        %add3A_314 = arith.addi %mul3A_302, %add3A_313 : i32
        %get3A_315 = arith.index_cast %add3A_314 : i32 to index
        %get3A_316 = arith.constant 0 : index
        %get3A_317 = tpu.vector_load %arg7[%get3A_315, %get3A_316] {strides = array<i32>} : memref<1600x32xf32, #tpu.memory_space<vmem>>, vector<16xf32>,
        %add3A_318 = arith.constant 3 : i32
        %add3A_319 = arith.addi %mul3A_302, %add3A_318 : i32
        %get3A_320 = arith.index_cast %add3A_319 : i32 to index
        %get3A_321 = arith.constant 0 : index
        %get3A_322 = tpu.vector_load %arg7[%get3A_320, %get3A_321] {strides = array<i32>} : memref<1600x32xf32, #tpu.memory_space<vmem>>, vector<16xf32>,
        %add3A_323 = arith.constant 4 : i32
        %add3A_324 = arith.addi %mul3A_302, %add3A_323 : i32
        %get3A_325 = arith.index_cast %add3A_324 : i32 to index
        %get3A_326 = arith.constant 0 : index
        %get3A_327 = tpu.vector_load %arg7[%get3A_325, %get3A_326] {strides = array<i32>} : memref<1600x32xf32, #tpu.memory_space<vmem>>, vector<16xf32>,
        %add3A_328 = arith.constant 5 : i32
        %add3A_329 = arith.addi %mul3A_302, %add3A_328 : i32
        %get3A_330 = arith.index_cast %add3A_329 : i32 to index
        %get3A_331 = arith.constant 0 : index
        %get3A_332 = tpu.vector_load %arg7[%get3A_330, %get3A_331] {strides = array<i32>} : memref<1600x32xf32, #tpu.memory_space<vmem>>, vector<16xf32>,
        %add3A_333 = arith.constant 6 : i32
        %add3A_334 = arith.addi %mul3A_302, %add3A_333 : i32
        %get3A_335 = arith.index_cast %add3A_334 : i32 to index
        %get3A_336 = arith.constant 0 : index
        %get3A_337 = tpu.vector_load %arg7[%get3A_335, %get3A_336] {strides = array<i32>} : memref<1600x32xf32, #tpu.memory_space<vmem>>, vector<16xf32>,
        %add3A_338 = arith.constant 7 : i32
        %add3A_339 = arith.addi %mul3A_302, %add3A_338 : i32
        %get3A_340 = arith.index_cast %add3A_339 : i32 to index
        %get3A_341 = arith.constant 0 : index
        %get3A_342 = tpu.vector_load %arg7[%get3A_340, %get3A_341] {strides = array<i32>} : memref<1600x32xf32, #tpu.memory_space<vmem>>, vector<16xf32>,
        %add3A_343 = arith.constant 8 : i32
        %add3A_344 = arith.addi %mul3A_302, %add3A_343 : i32
        %get3A_345 = arith.index_cast %add3A_344 : i32 to index
        %get3A_346 = arith.constant 0 : index
        %get3A_347 = tpu.vector_load %arg7[%get3A_345, %get3A_346] {strides = array<i32>} : memref<1600x32xf32, #tpu.memory_space<vmem>>, vector<16xf32>,
        %add3A_348 = arith.constant 9 : i32
        %add3A_349 = arith.addi %mul3A_302, %add3A_348 : i32
        %get3A_350 = arith.index_cast %add3A_349 : i32 to index
        %get3A_351 = arith.constant 0 : index
        %get3A_352 = tpu.vector_load %arg7[%get3A_350, %get3A_351] {strides = array<i32>} : memref<1600x32xf32, #tpu.memory_space<vmem>>, vector<16xf32>,
        %add3A_353 = arith.constant 10 : i32
        %add3A_354 = arith.addi %mul3A_302, %add3A_353 : i32
        %get3A_355 = arith.index_cast %add3A_354 : i32 to index
        %get3A_356 = arith.constant 0 : index
        %get3A_357 = tpu.vector_load %arg7[%get3A_355, %get3A_356] {strides = array<i32>} : memref<1600x32xf32, #tpu.memory_space<vmem>>, vector<16xf32>,
        %add3A_358 = arith.constant 11 : i32
        %add3A_359 = arith.addi %mul3A_302, %add3A_358 : i32
        %get3A_360 = arith.index_cast %add3A_359 : i32 to index
        %get3A_361 = arith.constant 0 : index
        %get3A_362 = tpu.vector_load %arg7[%get3A_360, %get3A_361] {strides = array<i32>} : memref<1600x32xf32, #tpu.memory_space<vmem>>, vector<16xf32>,
        %add3A_363 = arith.constant 12 : i32
        %add3A_364 = arith.addi %mul3A_302, %add3A_363 : i32
        %get3A_365 = arith.index_cast %add3A_364 : i32 to index
        %get3A_366 = arith.constant 0 : index
        %get3A_367 = tpu.vector_load %arg7[%get3A_365, %get3A_366] {strides = array<i32>} : memref<1600x32xf32, #tpu.memory_space<vmem>>, vector<16xf32>,
        %add3A_368 = arith.constant 13 : i32
        %add3A_369 = arith.addi %mul3A_302, %add3A_368 : i32
        %get3A_370 = arith.index_cast %add3A_369 : i32 to index
        %get3A_371 = arith.constant 0 : index
        %get3A_372 = tpu.vector_load %arg7[%get3A_370, %get3A_371] {strides = array<i32>} : memref<1600x32xf32, #tpu.memory_space<vmem>>, vector<16xf32>,
        %add3A_373 = arith.constant 14 : i32
        %add3A_374 = arith.addi %mul3A_302, %add3A_373 : i32
        %get3A_375 = arith.index_cast %add3A_374 : i32 to index
        %get3A_376 = arith.constant 0 : index
        %get3A_377 = tpu.vector_load %arg7[%get3A_375, %get3A_376] {strides = array<i32>} : memref<1600x32xf32, #tpu.memory_space<vmem>>, vector<16xf32>,
        %add3A_378 = arith.constant 15 : i32
        %add3A_379 = arith.addi %mul3A_302, %add3A_378 : i32
        %get3A_380 = arith.index_cast %add3A_379 : i32 to index
        %get3A_381 = arith.constant 0 : index
        %get3A_382 = tpu.vector_load %arg7[%get3A_380, %get3A_381] {strides = array<i32>} : memref<1600x32xf32, #tpu.memory_space<vmem>>, vector<16xf32>,
        %add3A_383 = arith.constant 16 : i32
        %add3A_384 = arith.addi %mul3A_302, %add3A_383 : i32
        %get3A_385 = arith.index_cast %add3A_384 : i32 to index
        %get3A_386 = arith.constant 0 : index
        %get3A_387 = tpu.vector_load %arg7[%get3A_385, %get3A_386] {strides = array<i32>} : memref<1600x32xf32, #tpu.memory_space<vmem>>, vector<16xf32>,
        %add3A_388 = arith.constant 17 : i32
        %add3A_389 = arith.addi %mul3A_302, %add3A_388 : i32
        %get3A_390 = arith.index_cast %add3A_389 : i32 to index
        %get3A_391 = arith.constant 0 : index
        %get3A_392 = tpu.vector_load %arg7[%get3A_390, %get3A_391] {strides = array<i32>} : memref<1600x32xf32, #tpu.memory_space<vmem>>, vector<16xf32>,
        %add3A_393 = arith.constant 18 : i32
        %add3A_394 = arith.addi %mul3A_302, %add3A_393 : i32
        %get3A_395 = arith.index_cast %add3A_394 : i32 to index
        %get3A_396 = arith.constant 0 : index
        %get3A_397 = tpu.vector_load %arg7[%get3A_395, %get3A_396] {strides = array<i32>} : memref<1600x32xf32, #tpu.memory_space<vmem>>, vector<16xf32>,
        %add3A_398 = arith.constant 19 : i32
        %add3A_399 = arith.addi %mul3A_302, %add3A_398 : i32
        %get3A_400 = arith.index_cast %add3A_399 : i32 to index
        %get3A_401 = arith.constant 0 : index
        %get3A_402 = tpu.vector_load %arg7[%get3A_400, %get3A_401] {strides = array<i32>} : memref<1600x32xf32, #tpu.memory_space<vmem>>, vector<16xf32>,
        %add3A_403 = arith.constant 20 : i32
        %add3A_404 = arith.addi %mul3A_302, %add3A_403 : i32
        %get3A_405 = arith.index_cast %add3A_404 : i32 to index
        %get3A_406 = arith.constant 0 : index
        %get3A_407 = tpu.vector_load %arg7[%get3A_405, %get3A_406] {strides = array<i32>} : memref<1600x32xf32, #tpu.memory_space<vmem>>, vector<16xf32>,
        %add3A_408 = arith.constant 21 : i32
        %add3A_409 = arith.addi %mul3A_302, %add3A_408 : i32
        %get3A_410 = arith.index_cast %add3A_409 : i32 to index
        %get3A_411 = arith.constant 0 : index
        %get3A_412 = tpu.vector_load %arg7[%get3A_410, %get3A_411] {strides = array<i32>} : memref<1600x32xf32, #tpu.memory_space<vmem>>, vector<16xf32>,
        %add3A_413 = arith.constant 22 : i32
        %add3A_414 = arith.addi %mul3A_302, %add3A_413 : i32
        %get3A_415 = arith.index_cast %add3A_414 : i32 to index
        %get3A_416 = arith.constant 0 : index
        %get3A_417 = tpu.vector_load %arg7[%get3A_415, %get3A_416] {strides = array<i32>} : memref<1600x32xf32, #tpu.memory_space<vmem>>, vector<16xf32>,
        %add3A_418 = arith.constant 23 : i32
        %add3A_419 = arith.addi %mul3A_302, %add3A_418 : i32
        %get3A_420 = arith.index_cast %add3A_419 : i32 to index
        %get3A_421 = arith.constant 0 : index
        %get3A_422 = tpu.vector_load %arg7[%get3A_420, %get3A_421] {strides = array<i32>} : memref<1600x32xf32, #tpu.memory_space<vmem>>, vector<16xf32>,
        %add3A_423 = arith.constant 24 : i32
        %add3A_424 = arith.addi %mul3A_302, %add3A_423 : i32
        %get3A_425 = arith.index_cast %add3A_424 : i32 to index
        %get3A_426 = arith.constant 0 : index
        %get3A_427 = tpu.vector_load %arg7[%get3A_425, %get3A_426] {strides = array<i32>} : memref<1600x32xf32, #tpu.memory_space<vmem>>, vector<16xf32>,
        %add3A_428 = arith.constant 25 : i32
        %add3A_429 = arith.addi %mul3A_302, %add3A_428 : i32
        %get3A_430 = arith.index_cast %add3A_429 : i32 to index
        %get3A_431 = arith.constant 0 : index
        %get3A_432 = tpu.vector_load %arg7[%get3A_430, %get3A_431] {strides = array<i32>} : memref<1600x32xf32, #tpu.memory_space<vmem>>, vector<16xf32>,
        %add3A_433 = arith.constant 26 : i32
        %add3A_434 = arith.addi %mul3A_302, %add3A_433 : i32
        %get3A_435 = arith.index_cast %add3A_434 : i32 to index
        %get3A_436 = arith.constant 0 : index
        %get3A_437 = tpu.vector_load %arg7[%get3A_435, %get3A_436] {strides = array<i32>} : memref<1600x32xf32, #tpu.memory_space<vmem>>, vector<16xf32>,
        %add3A_438 = arith.constant 27 : i32
        %add3A_439 = arith.addi %mul3A_302, %add3A_438 : i32
        %get3A_440 = arith.index_cast %add3A_439 : i32 to index
        %get3A_441 = arith.constant 0 : index
        %get3A_442 = tpu.vector_load %arg7[%get3A_440, %get3A_441] {strides = array<i32>} : memref<1600x32xf32, #tpu.memory_space<vmem>>, vector<16xf32>,
        %add3A_443 = arith.constant 28 : i32
        %add3A_444 = arith.addi %mul3A_302, %add3A_443 : i32
        %get3A_445 = arith.index_cast %add3A_444 : i32 to index
        %get3A_446 = arith.constant 0 : index
        %get3A_447 = tpu.vector_load %arg7[%get3A_445, %get3A_446] {strides = array<i32>} : memref<1600x32xf32, #tpu.memory_space<vmem>>, vector<16xf32>,
        %add3A_448 = arith.constant 29 : i32
        %add3A_449 = arith.addi %mul3A_302, %add3A_448 : i32
        %get3A_450 = arith.index_cast %add3A_449 : i32 to index
        %get3A_451 = arith.constant 0 : index
        %get3A_452 = tpu.vector_load %arg7[%get3A_450, %get3A_451] {strides = array<i32>} : memref<1600x32xf32, #tpu.memory_space<vmem>>, vector<16xf32>,
        %add3A_453 = arith.constant 30 : i32
        %add3A_454 = arith.addi %mul3A_302, %add3A_453 : i32
        %get3A_455 = arith.index_cast %add3A_454 : i32 to index
        %get3A_456 = arith.constant 0 : index
        %get3A_457 = tpu.vector_load %arg7[%get3A_455, %get3A_456] {strides = array<i32>} : memref<1600x32xf32, #tpu.memory_space<vmem>>, vector<16xf32>,
        %add3A_458 = arith.constant 31 : i32
        %add3A_459 = arith.addi %mul3A_302, %add3A_458 : i32
        %get3A_460 = arith.index_cast %add3A_459 : i32 to index
        %get3A_461 = arith.constant 0 : index
        %get3A_462 = tpu.vector_load %arg7[%get3A_460, %get3A_461] {strides = array<i32>} : memref<1600x32xf32, #tpu.memory_space<vmem>>, vector<16xf32>,
        %add3A_463 = arith.constant 32 : i32
        %add3A_464 = arith.addi %mul3A_302, %add3A_463 : i32
        %get3A_465 = arith.index_cast %add3A_464 : i32 to index
        %get3A_466 = arith.constant 0 : index
        %get3A_467 = tpu.vector_load %arg7[%get3A_465, %get3A_466] {strides = array<i32>} : memref<1600x32xf32, #tpu.memory_space<vmem>>, vector<16xf32>,
        %add3A_468 = arith.constant 33 : i32
        %add3A_469 = arith.addi %mul3A_302, %add3A_468 : i32
        %get3A_470 = arith.index_cast %add3A_469 : i32 to index
        %get3A_471 = arith.constant 0 : index
        %get3A_472 = tpu.vector_load %arg7[%get3A_470, %get3A_471] {strides = array<i32>} : memref<1600x32xf32, #tpu.memory_space<vmem>>, vector<16xf32>,
        %add3A_473 = arith.constant 34 : i32
        %add3A_474 = arith.addi %mul3A_302, %add3A_473 : i32
        %get3A_475 = arith.index_cast %add3A_474 : i32 to index
        %get3A_476 = arith.constant 0 : index
        %get3A_477 = tpu.vector_load %arg7[%get3A_475, %get3A_476] {strides = array<i32>} : memref<1600x32xf32, #tpu.memory_space<vmem>>, vector<16xf32>,
        %add3A_478 = arith.constant 35 : i32
        %add3A_479 = arith.addi %mul3A_302, %add3A_478 : i32
        %get3A_480 = arith.index_cast %add3A_479 : i32 to index
        %get3A_481 = arith.constant 0 : index
        %get3A_482 = tpu.vector_load %arg7[%get3A_480, %get3A_481] {strides = array<i32>} : memref<1600x32xf32, #tpu.memory_space<vmem>>, vector<16xf32>,
        %add3A_483 = arith.constant 36 : i32
        %add3A_484 = arith.addi %mul3A_302, %add3A_483 : i32
        %get3A_485 = arith.index_cast %add3A_484 : i32 to index
        %get3A_486 = arith.constant 0 : index
        %get3A_487 = tpu.vector_load %arg7[%get3A_485, %get3A_486] {strides = array<i32>} : memref<1600x32xf32, #tpu.memory_space<vmem>>, vector<16xf32>,
        %add3A_488 = arith.constant 37 : i32
        %add3A_489 = arith.addi %mul3A_302, %add3A_488 : i32
        %get3A_490 = arith.index_cast %add3A_489 : i32 to index
        %get3A_491 = arith.constant 0 : index
        %get3A_492 = tpu.vector_load %arg7[%get3A_490, %get3A_491] {strides = array<i32>} : memref<1600x32xf32, #tpu.memory_space<vmem>>, vector<16xf32>,
        %add3A_493 = arith.constant 38 : i32
        %add3A_494 = arith.addi %mul3A_302, %add3A_493 : i32
        %get3A_495 = arith.index_cast %add3A_494 : i32 to index
        %get3A_496 = arith.constant 0 : index
        %get3A_497 = tpu.vector_load %arg7[%get3A_495, %get3A_496] {strides = array<i32>} : memref<1600x32xf32, #tpu.memory_space<vmem>>, vector<16xf32>,
        %add3A_498 = arith.constant 39 : i32
        %add3A_499 = arith.addi %mul3A_302, %add3A_498 : i32
        %get3A_500 = arith.index_cast %add3A_499 : i32 to index
        %get3A_501 = arith.constant 0 : index
        %get3A_502 = tpu.vector_load %arg7[%get3A_500, %get3A_501] {strides = array<i32>} : memref<1600x32xf32, #tpu.memory_space<vmem>>, vector<16xf32>,
        %add3A_503 = arith.constant 40 : i32
        %add3A_504 = arith.addi %mul3A_302, %add3A_503 : i32
        %get3A_505 = arith.index_cast %add3A_504 : i32 to index
        %get3A_506 = arith.constant 0 : index
        %get3A_507 = tpu.vector_load %arg7[%get3A_505, %get3A_506] {strides = array<i32>} : memref<1600x32xf32, #tpu.memory_space<vmem>>, vector<16xf32>,
        %add3A_508 = arith.constant 41 : i32
        %add3A_509 = arith.addi %mul3A_302, %add3A_508 : i32
        %get3A_510 = arith.index_cast %add3A_509 : i32 to index
        %get3A_511 = arith.constant 0 : index
        %get3A_512 = tpu.vector_load %arg7[%get3A_510, %get3A_511] {strides = array<i32>} : memref<1600x32xf32, #tpu.memory_space<vmem>>, vector<16xf32>,
        %add3A_513 = arith.constant 42 : i32
        %add3A_514 = arith.addi %mul3A_302, %add3A_513 : i32
        %get3A_515 = arith.index_cast %add3A_514 : i32 to index
        %get3A_516 = arith.constant 0 : index
        %get3A_517 = tpu.vector_load %arg7[%get3A_515, %get3A_516] {strides = array<i32>} : memref<1600x32xf32, #tpu.memory_space<vmem>>, vector<16xf32>,
        %add3A_518 = arith.constant 43 : i32
        %add3A_519 = arith.addi %mul3A_302, %add3A_518 : i32
        %get3A_520 = arith.index_cast %add3A_519 : i32 to index
        %get3A_521 = arith.constant 0 : index
        %get3A_522 = tpu.vector_load %arg7[%get3A_520, %get3A_521] {strides = array<i32>} : memref<1600x32xf32, #tpu.memory_space<vmem>>, vector<16xf32>,
        %add3A_523 = arith.constant 44 : i32
        %add3A_524 = arith.addi %mul3A_302, %add3A_523 : i32
        %get3A_525 = arith.index_cast %add3A_524 : i32 to index
        %get3A_526 = arith.constant 0 : index
        %get3A_527 = tpu.vector_load %arg7[%get3A_525, %get3A_526] {strides = array<i32>} : memref<1600x32xf32, #tpu.memory_space<vmem>>, vector<16xf32>,
        %add3A_528 = arith.constant 45 : i32
        %add3A_529 = arith.addi %mul3A_302, %add3A_528 : i32
        %get3A_530 = arith.index_cast %add3A_529 : i32 to index
        %get3A_531 = arith.constant 0 : index
        %get3A_532 = tpu.vector_load %arg7[%get3A_530, %get3A_531] {strides = array<i32>} : memref<1600x32xf32, #tpu.memory_space<vmem>>, vector<16xf32>,
        %add3A_533 = arith.constant 46 : i32
        %add3A_534 = arith.addi %mul3A_302, %add3A_533 : i32
        %get3A_535 = arith.index_cast %add3A_534 : i32 to index
        %get3A_536 = arith.constant 0 : index
        %get3A_537 = tpu.vector_load %arg7[%get3A_535, %get3A_536] {strides = array<i32>} : memref<1600x32xf32, #tpu.memory_space<vmem>>, vector<16xf32>,
        %add3A_538 = arith.constant 47 : i32
        %add3A_539 = arith.addi %mul3A_302, %add3A_538 : i32
        %get3A_540 = arith.index_cast %add3A_539 : i32 to index
        %get3A_541 = arith.constant 0 : index
        %get3A_542 = tpu.vector_load %arg7[%get3A_540, %get3A_541] {strides = array<i32>} : memref<1600x32xf32, #tpu.memory_space<vmem>>, vector<16xf32>,
        %add3A_543 = arith.constant 48 : i32
        %add3A_544 = arith.addi %mul3A_302, %add3A_543 : i32
        %get3A_545 = arith.index_cast %add3A_544 : i32 to index
        %get3A_546 = arith.constant 0 : index
        %get3A_547 = tpu.vector_load %arg7[%get3A_545, %get3A_546] {strides = array<i32>} : memref<1600x32xf32, #tpu.memory_space<vmem>>, vector<16xf32>,
        %add3A_548 = arith.constant 49 : i32
        %add3A_549 = arith.addi %mul3A_302, %add3A_548 : i32
        %get3A_550 = arith.index_cast %add3A_549 : i32 to index
        %get3A_551 = arith.constant 0 : index
        %get3A_552 = tpu.vector_load %arg7[%get3A_550, %get3A_551] {strides = array<i32>} : memref<1600x32xf32, #tpu.memory_space<vmem>>, vector<16xf32>,
        %add3A_553 = arith.constant 0 : i32
        %add3A_554 = arith.addi %mul3A_302, %add3A_553 : i32
        %get3A_555 = arith.index_cast %add3A_554 : i32 to index
        %get3A_556 = arith.constant 16 : index
        %get3A_557 = tpu.vector_load %arg7[%get3A_555, %get3A_556] {strides = array<i32>} : memref<1600x32xf32, #tpu.memory_space<vmem>>, vector<16xf32>,
        %add3A_558 = arith.constant 1 : i32
        %add3A_559 = arith.addi %mul3A_302, %add3A_558 : i32
        %get3A_560 = arith.index_cast %add3A_559 : i32 to index
        %get3A_561 = arith.constant 16 : index
        %get3A_562 = tpu.vector_load %arg7[%get3A_560, %get3A_561] {strides = array<i32>} : memref<1600x32xf32, #tpu.memory_space<vmem>>, vector<16xf32>,
        %add3A_563 = arith.constant 2 : i32
        %add3A_564 = arith.addi %mul3A_302, %add3A_563 : i32
        %get3A_565 = arith.index_cast %add3A_564 : i32 to index
        %get3A_566 = arith.constant 16 : index
        %get3A_567 = tpu.vector_load %arg7[%get3A_565, %get3A_566] {strides = array<i32>} : memref<1600x32xf32, #tpu.memory_space<vmem>>, vector<16xf32>,
        %add3A_568 = arith.constant 3 : i32
        %add3A_569 = arith.addi %mul3A_302, %add3A_568 : i32
        %get3A_570 = arith.index_cast %add3A_569 : i32 to index
        %get3A_571 = arith.constant 16 : index
        %get3A_572 = tpu.vector_load %arg7[%get3A_570, %get3A_571] {strides = array<i32>} : memref<1600x32xf32, #tpu.memory_space<vmem>>, vector<16xf32>,
        %add3A_573 = arith.constant 4 : i32
        %add3A_574 = arith.addi %mul3A_302, %add3A_573 : i32
        %get3A_575 = arith.index_cast %add3A_574 : i32 to index
        %get3A_576 = arith.constant 16 : index
        %get3A_577 = tpu.vector_load %arg7[%get3A_575, %get3A_576] {strides = array<i32>} : memref<1600x32xf32, #tpu.memory_space<vmem>>, vector<16xf32>,
        %add3A_578 = arith.constant 5 : i32
        %add3A_579 = arith.addi %mul3A_302, %add3A_578 : i32
        %get3A_580 = arith.index_cast %add3A_579 : i32 to index
        %get3A_581 = arith.constant 16 : index
        %get3A_582 = tpu.vector_load %arg7[%get3A_580, %get3A_581] {strides = array<i32>} : memref<1600x32xf32, #tpu.memory_space<vmem>>, vector<16xf32>,
        %add3A_583 = arith.constant 6 : i32
        %add3A_584 = arith.addi %mul3A_302, %add3A_583 : i32
        %get3A_585 = arith.index_cast %add3A_584 : i32 to index
        %get3A_586 = arith.constant 16 : index
        %get3A_587 = tpu.vector_load %arg7[%get3A_585, %get3A_586] {strides = array<i32>} : memref<1600x32xf32, #tpu.memory_space<vmem>>, vector<16xf32>,
        %add3A_588 = arith.constant 7 : i32
        %add3A_589 = arith.addi %mul3A_302, %add3A_588 : i32
        %get3A_590 = arith.index_cast %add3A_589 : i32 to index
        %get3A_591 = arith.constant 16 : index
        %get3A_592 = tpu.vector_load %arg7[%get3A_590, %get3A_591] {strides = array<i32>} : memref<1600x32xf32, #tpu.memory_space<vmem>>, vector<16xf32>,
        %add3A_593 = arith.constant 8 : i32
        %add3A_594 = arith.addi %mul3A_302, %add3A_593 : i32
        %get3A_595 = arith.index_cast %add3A_594 : i32 to index
        %get3A_596 = arith.constant 16 : index
        %get3A_597 = tpu.vector_load %arg7[%get3A_595, %get3A_596] {strides = array<i32>} : memref<1600x32xf32, #tpu.memory_space<vmem>>, vector<16xf32>,
        %add3A_598 = arith.constant 9 : i32
        %add3A_599 = arith.addi %mul3A_302, %add3A_598 : i32
        %get3A_600 = arith.index_cast %add3A_599 : i32 to index
        %get3A_601 = arith.constant 16 : index
        %get3A_602 = tpu.vector_load %arg7[%get3A_600, %get3A_601] {strides = array<i32>} : memref<1600x32xf32, #tpu.memory_space<vmem>>, vector<16xf32>,
        %add3A_603 = arith.constant 10 : i32
        %add3A_604 = arith.addi %mul3A_302, %add3A_603 : i32
        %get3A_605 = arith.index_cast %add3A_604 : i32 to index
        %get3A_606 = arith.constant 16 : index
        %get3A_607 = tpu.vector_load %arg7[%get3A_605, %get3A_606] {strides = array<i32>} : memref<1600x32xf32, #tpu.memory_space<vmem>>, vector<16xf32>,
        %add3A_608 = arith.constant 11 : i32
        %add3A_609 = arith.addi %mul3A_302, %add3A_608 : i32
        %get3A_610 = arith.index_cast %add3A_609 : i32 to index
        %get3A_611 = arith.constant 16 : index
        %get3A_612 = tpu.vector_load %arg7[%get3A_610, %get3A_611] {strides = array<i32>} : memref<1600x32xf32, #tpu.memory_space<vmem>>, vector<16xf32>,
        %add3A_613 = arith.constant 12 : i32
        %add3A_614 = arith.addi %mul3A_302, %add3A_613 : i32
        %get3A_615 = arith.index_cast %add3A_614 : i32 to index
        %get3A_616 = arith.constant 16 : index
        %get3A_617 = tpu.vector_load %arg7[%get3A_615, %get3A_616] {strides = array<i32>} : memref<1600x32xf32, #tpu.memory_space<vmem>>, vector<16xf32>,
        %add3A_618 = arith.constant 13 : i32
        %add3A_619 = arith.addi %mul3A_302, %add3A_618 : i32
        %get3A_620 = arith.index_cast %add3A_619 : i32 to index
        %get3A_621 = arith.constant 16 : index
        %get3A_622 = tpu.vector_load %arg7[%get3A_620, %get3A_621] {strides = array<i32>} : memref<1600x32xf32, #tpu.memory_space<vmem>>, vector<16xf32>,
        %add3A_623 = arith.constant 14 : i32
        %add3A_624 = arith.addi %mul3A_302, %add3A_623 : i32
        %get3A_625 = arith.index_cast %add3A_624 : i32 to index
        %get3A_626 = arith.constant 16 : index
        %get3A_627 = tpu.vector_load %arg7[%get3A_625, %get3A_626] {strides = array<i32>} : memref<1600x32xf32, #tpu.memory_space<vmem>>, vector<16xf32>,
        %add3A_628 = arith.constant 15 : i32
        %add3A_629 = arith.addi %mul3A_302, %add3A_628 : i32
        %get3A_630 = arith.index_cast %add3A_629 : i32 to index
        %get3A_631 = arith.constant 16 : index
        %get3A_632 = tpu.vector_load %arg7[%get3A_630, %get3A_631] {strides = array<i32>} : memref<1600x32xf32, #tpu.memory_space<vmem>>, vector<16xf32>,
        %add3A_633 = arith.constant 16 : i32
        %add3A_634 = arith.addi %mul3A_302, %add3A_633 : i32
        %get3A_635 = arith.index_cast %add3A_634 : i32 to index
        %get3A_636 = arith.constant 16 : index
        %get3A_637 = tpu.vector_load %arg7[%get3A_635, %get3A_636] {strides = array<i32>} : memref<1600x32xf32, #tpu.memory_space<vmem>>, vector<16xf32>,
        %add3A_638 = arith.constant 17 : i32
        %add3A_639 = arith.addi %mul3A_302, %add3A_638 : i32
        %get3A_640 = arith.index_cast %add3A_639 : i32 to index
        %get3A_641 = arith.constant 16 : index
        %get3A_642 = tpu.vector_load %arg7[%get3A_640, %get3A_641] {strides = array<i32>} : memref<1600x32xf32, #tpu.memory_space<vmem>>, vector<16xf32>,
        %add3A_643 = arith.constant 18 : i32
        %add3A_644 = arith.addi %mul3A_302, %add3A_643 : i32
        %get3A_645 = arith.index_cast %add3A_644 : i32 to index
        %get3A_646 = arith.constant 16 : index
        %get3A_647 = tpu.vector_load %arg7[%get3A_645, %get3A_646] {strides = array<i32>} : memref<1600x32xf32, #tpu.memory_space<vmem>>, vector<16xf32>,
        %add3A_648 = arith.constant 19 : i32
        %add3A_649 = arith.addi %mul3A_302, %add3A_648 : i32
        %get3A_650 = arith.index_cast %add3A_649 : i32 to index
        %get3A_651 = arith.constant 16 : index
        %get3A_652 = tpu.vector_load %arg7[%get3A_650, %get3A_651] {strides = array<i32>} : memref<1600x32xf32, #tpu.memory_space<vmem>>, vector<16xf32>,
        %add3A_653 = arith.constant 20 : i32
        %add3A_654 = arith.addi %mul3A_302, %add3A_653 : i32
        %get3A_655 = arith.index_cast %add3A_654 : i32 to index
        %get3A_656 = arith.constant 16 : index
        %get3A_657 = tpu.vector_load %arg7[%get3A_655, %get3A_656] {strides = array<i32>} : memref<1600x32xf32, #tpu.memory_space<vmem>>, vector<16xf32>,
        %add3A_658 = arith.constant 21 : i32
        %add3A_659 = arith.addi %mul3A_302, %add3A_658 : i32
        %get3A_660 = arith.index_cast %add3A_659 : i32 to index
        %get3A_661 = arith.constant 16 : index
        %get3A_662 = tpu.vector_load %arg7[%get3A_660, %get3A_661] {strides = array<i32>} : memref<1600x32xf32, #tpu.memory_space<vmem>>, vector<16xf32>,
        %add3A_663 = arith.constant 22 : i32
        %add3A_664 = arith.addi %mul3A_302, %add3A_663 : i32
        %get3A_665 = arith.index_cast %add3A_664 : i32 to index
        %get3A_666 = arith.constant 16 : index
        %get3A_667 = tpu.vector_load %arg7[%get3A_665, %get3A_666] {strides = array<i32>} : memref<1600x32xf32, #tpu.memory_space<vmem>>, vector<16xf32>,
        %add3A_668 = arith.constant 23 : i32
        %add3A_669 = arith.addi %mul3A_302, %add3A_668 : i32
        %get3A_670 = arith.index_cast %add3A_669 : i32 to index
        %get3A_671 = arith.constant 16 : index
        %get3A_672 = tpu.vector_load %arg7[%get3A_670, %get3A_671] {strides = array<i32>} : memref<1600x32xf32, #tpu.memory_space<vmem>>, vector<16xf32>,
        %add3A_673 = arith.constant 24 : i32
        %add3A_674 = arith.addi %mul3A_302, %add3A_673 : i32
        %get3A_675 = arith.index_cast %add3A_674 : i32 to index
        %get3A_676 = arith.constant 16 : index
        %get3A_677 = tpu.vector_load %arg7[%get3A_675, %get3A_676] {strides = array<i32>} : memref<1600x32xf32, #tpu.memory_space<vmem>>, vector<16xf32>,
        %add3A_678 = arith.constant 25 : i32
        %add3A_679 = arith.addi %mul3A_302, %add3A_678 : i32
        %get3A_680 = arith.index_cast %add3A_679 : i32 to index
        %get3A_681 = arith.constant 16 : index
        %get3A_682 = tpu.vector_load %arg7[%get3A_680, %get3A_681] {strides = array<i32>} : memref<1600x32xf32, #tpu.memory_space<vmem>>, vector<16xf32>,
        %add3A_683 = arith.constant 26 : i32
        %add3A_684 = arith.addi %mul3A_302, %add3A_683 : i32
        %get3A_685 = arith.index_cast %add3A_684 : i32 to index
        %get3A_686 = arith.constant 16 : index
        %get3A_687 = tpu.vector_load %arg7[%get3A_685, %get3A_686] {strides = array<i32>} : memref<1600x32xf32, #tpu.memory_space<vmem>>, vector<16xf32>,
        %add3A_688 = arith.constant 27 : i32
        %add3A_689 = arith.addi %mul3A_302, %add3A_688 : i32
        %get3A_690 = arith.index_cast %add3A_689 : i32 to index
        %get3A_691 = arith.constant 16 : index
        %get3A_692 = tpu.vector_load %arg7[%get3A_690, %get3A_691] {strides = array<i32>} : memref<1600x32xf32, #tpu.memory_space<vmem>>, vector<16xf32>,
        %add3A_693 = arith.constant 28 : i32
        %add3A_694 = arith.addi %mul3A_302, %add3A_693 : i32
        %get3A_695 = arith.index_cast %add3A_694 : i32 to index
        %get3A_696 = arith.constant 16 : index
        %get3A_697 = tpu.vector_load %arg7[%get3A_695, %get3A_696] {strides = array<i32>} : memref<1600x32xf32, #tpu.memory_space<vmem>>, vector<16xf32>,
        %add3A_698 = arith.constant 29 : i32
        %add3A_699 = arith.addi %mul3A_302, %add3A_698 : i32
        %get3A_700 = arith.index_cast %add3A_699 : i32 to index
        %get3A_701 = arith.constant 16 : index
        %get3A_702 = tpu.vector_load %arg7[%get3A_700, %get3A_701] {strides = array<i32>} : memref<1600x32xf32, #tpu.memory_space<vmem>>, vector<16xf32>,
        %add3A_703 = arith.constant 30 : i32
        %add3A_704 = arith.addi %mul3A_302, %add3A_703 : i32
        %get3A_705 = arith.index_cast %add3A_704 : i32 to index
        %get3A_706 = arith.constant 16 : index
        %get3A_707 = tpu.vector_load %arg7[%get3A_705, %get3A_706] {strides = array<i32>} : memref<1600x32xf32, #tpu.memory_space<vmem>>, vector<16xf32>,
        %add3A_708 = arith.constant 31 : i32
        %add3A_709 = arith.addi %mul3A_302, %add3A_708 : i32
        %get3A_710 = arith.index_cast %add3A_709 : i32 to index
        %get3A_711 = arith.constant 16 : index
        %get3A_712 = tpu.vector_load %arg7[%get3A_710, %get3A_711] {strides = array<i32>} : memref<1600x32xf32, #tpu.memory_space<vmem>>, vector<16xf32>,
        %add3A_713 = arith.constant 32 : i32
        %add3A_714 = arith.addi %mul3A_302, %add3A_713 : i32
        %get3A_715 = arith.index_cast %add3A_714 : i32 to index
        %get3A_716 = arith.constant 16 : index
        %get3A_717 = tpu.vector_load %arg7[%get3A_715, %get3A_716] {strides = array<i32>} : memref<1600x32xf32, #tpu.memory_space<vmem>>, vector<16xf32>,
        %add3A_718 = arith.constant 33 : i32
        %add3A_719 = arith.addi %mul3A_302, %add3A_718 : i32
        %get3A_720 = arith.index_cast %add3A_719 : i32 to index
        %get3A_721 = arith.constant 16 : index
        %get3A_722 = tpu.vector_load %arg7[%get3A_720, %get3A_721] {strides = array<i32>} : memref<1600x32xf32, #tpu.memory_space<vmem>>, vector<16xf32>,
        %add3A_723 = arith.constant 34 : i32
        %add3A_724 = arith.addi %mul3A_302, %add3A_723 : i32
        %get3A_725 = arith.index_cast %add3A_724 : i32 to index
        %get3A_726 = arith.constant 16 : index
        %get3A_727 = tpu.vector_load %arg7[%get3A_725, %get3A_726] {strides = array<i32>} : memref<1600x32xf32, #tpu.memory_space<vmem>>, vector<16xf32>,
        %add3A_728 = arith.constant 35 : i32
        %add3A_729 = arith.addi %mul3A_302, %add3A_728 : i32
        %get3A_730 = arith.index_cast %add3A_729 : i32 to index
        %get3A_731 = arith.constant 16 : index
        %get3A_732 = tpu.vector_load %arg7[%get3A_730, %get3A_731] {strides = array<i32>} : memref<1600x32xf32, #tpu.memory_space<vmem>>, vector<16xf32>,
        %add3A_733 = arith.constant 36 : i32
        %add3A_734 = arith.addi %mul3A_302, %add3A_733 : i32
        %get3A_735 = arith.index_cast %add3A_734 : i32 to index
        %get3A_736 = arith.constant 16 : index
        %get3A_737 = tpu.vector_load %arg7[%get3A_735, %get3A_736] {strides = array<i32>} : memref<1600x32xf32, #tpu.memory_space<vmem>>, vector<16xf32>,
        %add3A_738 = arith.constant 37 : i32
        %add3A_739 = arith.addi %mul3A_302, %add3A_738 : i32
        %get3A_740 = arith.index_cast %add3A_739 : i32 to index
        %get3A_741 = arith.constant 16 : index
        %get3A_742 = tpu.vector_load %arg7[%get3A_740, %get3A_741] {strides = array<i32>} : memref<1600x32xf32, #tpu.memory_space<vmem>>, vector<16xf32>,
        %add3A_743 = arith.constant 38 : i32
        %add3A_744 = arith.addi %mul3A_302, %add3A_743 : i32
        %get3A_745 = arith.index_cast %add3A_744 : i32 to index
        %get3A_746 = arith.constant 16 : index
        %get3A_747 = tpu.vector_load %arg7[%get3A_745, %get3A_746] {strides = array<i32>} : memref<1600x32xf32, #tpu.memory_space<vmem>>, vector<16xf32>,
        %add3A_748 = arith.constant 39 : i32
        %add3A_749 = arith.addi %mul3A_302, %add3A_748 : i32
        %get3A_750 = arith.index_cast %add3A_749 : i32 to index
        %get3A_751 = arith.constant 16 : index
        %get3A_752 = tpu.vector_load %arg7[%get3A_750, %get3A_751] {strides = array<i32>} : memref<1600x32xf32, #tpu.memory_space<vmem>>, vector<16xf32>,
        %add3A_753 = arith.constant 40 : i32
        %add3A_754 = arith.addi %mul3A_302, %add3A_753 : i32
        %get3A_755 = arith.index_cast %add3A_754 : i32 to index
        %get3A_756 = arith.constant 16 : index
        %get3A_757 = tpu.vector_load %arg7[%get3A_755, %get3A_756] {strides = array<i32>} : memref<1600x32xf32, #tpu.memory_space<vmem>>, vector<16xf32>,
        %add3A_758 = arith.constant 41 : i32
        %add3A_759 = arith.addi %mul3A_302, %add3A_758 : i32
        %get3A_760 = arith.index_cast %add3A_759 : i32 to index
        %get3A_761 = arith.constant 16 : index
        %get3A_762 = tpu.vector_load %arg7[%get3A_760, %get3A_761] {strides = array<i32>} : memref<1600x32xf32, #tpu.memory_space<vmem>>, vector<16xf32>,
        %add3A_763 = arith.constant 42 : i32
        %add3A_764 = arith.addi %mul3A_302, %add3A_763 : i32
        %get3A_765 = arith.index_cast %add3A_764 : i32 to index
        %get3A_766 = arith.constant 16 : index
        %get3A_767 = tpu.vector_load %arg7[%get3A_765, %get3A_766] {strides = array<i32>} : memref<1600x32xf32, #tpu.memory_space<vmem>>, vector<16xf32>,
        %add3A_768 = arith.constant 43 : i32
        %add3A_769 = arith.addi %mul3A_302, %add3A_768 : i32
        %get3A_770 = arith.index_cast %add3A_769 : i32 to index
        %get3A_771 = arith.constant 16 : index
        %get3A_772 = tpu.vector_load %arg7[%get3A_770, %get3A_771] {strides = array<i32>} : memref<1600x32xf32, #tpu.memory_space<vmem>>, vector<16xf32>,
        %add3A_773 = arith.constant 44 : i32
        %add3A_774 = arith.addi %mul3A_302, %add3A_773 : i32
        %get3A_775 = arith.index_cast %add3A_774 : i32 to index
        %get3A_776 = arith.constant 16 : index
        %get3A_777 = tpu.vector_load %arg7[%get3A_775, %get3A_776] {strides = array<i32>} : memref<1600x32xf32, #tpu.memory_space<vmem>>, vector<16xf32>,
        %add3A_778 = arith.constant 45 : i32
        %add3A_779 = arith.addi %mul3A_302, %add3A_778 : i32
        %get3A_780 = arith.index_cast %add3A_779 : i32 to index
        %get3A_781 = arith.constant 16 : index
        %get3A_782 = tpu.vector_load %arg7[%get3A_780, %get3A_781] {strides = array<i32>} : memref<1600x32xf32, #tpu.memory_space<vmem>>, vector<16xf32>,
        %add3A_783 = arith.constant 46 : i32
        %add3A_784 = arith.addi %mul3A_302, %add3A_783 : i32
        %get3A_785 = arith.index_cast %add3A_784 : i32 to index
        %get3A_786 = arith.constant 16 : index
        %get3A_787 = tpu.vector_load %arg7[%get3A_785, %get3A_786] {strides = array<i32>} : memref<1600x32xf32, #tpu.memory_space<vmem>>, vector<16xf32>,
        %add3A_788 = arith.constant 47 : i32
        %add3A_789 = arith.addi %mul3A_302, %add3A_788 : i32
        %get3A_790 = arith.index_cast %add3A_789 : i32 to index
        %get3A_791 = arith.constant 16 : index
        %get3A_792 = tpu.vector_load %arg7[%get3A_790, %get3A_791] {strides = array<i32>} : memref<1600x32xf32, #tpu.memory_space<vmem>>, vector<16xf32>,
        %add3A_793 = arith.constant 48 : i32
        %add3A_794 = arith.addi %mul3A_302, %add3A_793 : i32
        %get3A_795 = arith.index_cast %add3A_794 : i32 to index
        %get3A_796 = arith.constant 16 : index
        %get3A_797 = tpu.vector_load %arg7[%get3A_795, %get3A_796] {strides = array<i32>} : memref<1600x32xf32, #tpu.memory_space<vmem>>, vector<16xf32>,
        %add3A_798 = arith.constant 49 : i32
        %add3A_799 = arith.addi %mul3A_302, %add3A_798 : i32
        %get3A_800 = arith.index_cast %add3A_799 : i32 to index
        %get3A_801 = arith.constant 16 : index
        %get3A_802 = tpu.vector_load %arg7[%get3A_800, %get3A_801] {strides = array<i32>} : memref<1600x32xf32, #tpu.memory_space<vmem>>, vector<16xf32>,
        %add3A_803 = arith.addf %get3A_307, %get3A_312 : vector<16xf32>
        %add3A_804 = arith.addf %get3A_317, %get3A_322 : vector<16xf32>
        %add3A_805 = arith.addf %get3A_327, %get3A_332 : vector<16xf32>
        %add3A_806 = arith.addf %get3A_337, %get3A_342 : vector<16xf32>
        %add3A_807 = arith.addf %get3A_347, %get3A_352 : vector<16xf32>
        %add3A_808 = arith.addf %get3A_357, %get3A_362 : vector<16xf32>
        %add3A_809 = arith.addf %get3A_367, %get3A_372 : vector<16xf32>
        %add3A_810 = arith.addf %get3A_377, %get3A_382 : vector<16xf32>
        %add3A_811 = arith.addf %get3A_387, %get3A_392 : vector<16xf32>
        %add3A_812 = arith.addf %get3A_397, %get3A_402 : vector<16xf32>
        %add3A_813 = arith.addf %get3A_407, %get3A_412 : vector<16xf32>
        %add3A_814 = arith.addf %get3A_417, %get3A_422 : vector<16xf32>
        %add3A_815 = arith.addf %get3A_427, %get3A_432 : vector<16xf32>
        %add3A_816 = arith.addf %get3A_437, %get3A_442 : vector<16xf32>
        %add3A_817 = arith.addf %get3A_447, %get3A_452 : vector<16xf32>
        %add3A_818 = arith.addf %get3A_457, %get3A_462 : vector<16xf32>
        %add3A_819 = arith.addf %get3A_467, %get3A_472 : vector<16xf32>
        %add3A_820 = arith.addf %get3A_477, %get3A_482 : vector<16xf32>
        %add3A_821 = arith.addf %get3A_487, %get3A_492 : vector<16xf32>
        %add3A_822 = arith.addf %get3A_497, %get3A_502 : vector<16xf32>
        %add3A_823 = arith.addf %get3A_507, %get3A_512 : vector<16xf32>
        %add3A_824 = arith.addf %get3A_517, %get3A_522 : vector<16xf32>
        %add3A_825 = arith.addf %get3A_527, %get3A_532 : vector<16xf32>
        %add3A_826 = arith.addf %get3A_537, %get3A_542 : vector<16xf32>
        %add3A_827 = arith.addf %get3A_547, %get3A_552 : vector<16xf32>
        %add3A_828 = arith.addf %add3A_803, %add3A_804 : vector<16xf32>
        %add3A_829 = arith.addf %add3A_805, %add3A_806 : vector<16xf32>
        %add3A_830 = arith.addf %add3A_807, %add3A_808 : vector<16xf32>
        %add3A_831 = arith.addf %add3A_809, %add3A_810 : vector<16xf32>
        %add3A_832 = arith.addf %add3A_811, %add3A_812 : vector<16xf32>
        %add3A_833 = arith.addf %add3A_813, %add3A_814 : vector<16xf32>
        %add3A_834 = arith.addf %add3A_815, %add3A_816 : vector<16xf32>
        %add3A_835 = arith.addf %add3A_817, %add3A_818 : vector<16xf32>
        %add3A_836 = arith.addf %add3A_819, %add3A_820 : vector<16xf32>
        %add3A_837 = arith.addf %add3A_821, %add3A_822 : vector<16xf32>
        %add3A_838 = arith.addf %add3A_823, %add3A_824 : vector<16xf32>
        %add3A_839 = arith.addf %add3A_825, %add3A_826 : vector<16xf32>
        %add3A_840 = arith.addf %add3A_828, %add3A_829 : vector<16xf32>
        %add3A_841 = arith.addf %add3A_830, %add3A_831 : vector<16xf32>
        %add3A_842 = arith.addf %add3A_832, %add3A_833 : vector<16xf32>
        %add3A_843 = arith.addf %add3A_834, %add3A_835 : vector<16xf32>
        %add3A_844 = arith.addf %add3A_836, %add3A_837 : vector<16xf32>
        %add3A_845 = arith.addf %add3A_838, %add3A_839 : vector<16xf32>
        %add3A_846 = arith.addf %add3A_840, %add3A_841 : vector<16xf32>
        %add3A_847 = arith.addf %add3A_842, %add3A_843 : vector<16xf32>
        %add3A_848 = arith.addf %add3A_844, %add3A_845 : vector<16xf32>
        %add3A_849 = arith.addf %add3A_846, %add3A_847 : vector<16xf32>
        %add3A_850 = arith.addf %add3A_848, %add3A_827 : vector<16xf32>
        %add3A_851 = arith.addf %add3A_849, %add3A_850 : vector<16xf32>
        %add3A_852 = arith.addf %get3A_557, %get3A_562 : vector<16xf32>
        %add3A_853 = arith.addf %get3A_567, %get3A_572 : vector<16xf32>
        %add3A_854 = arith.addf %get3A_577, %get3A_582 : vector<16xf32>
        %add3A_855 = arith.addf %get3A_587, %get3A_592 : vector<16xf32>
        %add3A_856 = arith.addf %get3A_597, %get3A_602 : vector<16xf32>
        %add3A_857 = arith.addf %get3A_607, %get3A_612 : vector<16xf32>
        %add3A_858 = arith.addf %get3A_617, %get3A_622 : vector<16xf32>
        %add3A_859 = arith.addf %get3A_627, %get3A_632 : vector<16xf32>
        %add3A_860 = arith.addf %get3A_637, %get3A_642 : vector<16xf32>
        %add3A_861 = arith.addf %get3A_647, %get3A_652 : vector<16xf32>
        %add3A_862 = arith.addf %get3A_657, %get3A_662 : vector<16xf32>
        %add3A_863 = arith.addf %get3A_667, %get3A_672 : vector<16xf32>
        %add3A_864 = arith.addf %get3A_677, %get3A_682 : vector<16xf32>
        %add3A_865 = arith.addf %get3A_687, %get3A_692 : vector<16xf32>
        %add3A_866 = arith.addf %get3A_697, %get3A_702 : vector<16xf32>
        %add3A_867 = arith.addf %get3A_707, %get3A_712 : vector<16xf32>
        %add3A_868 = arith.addf %get3A_717, %get3A_722 : vector<16xf32>
        %add3A_869 = arith.addf %get3A_727, %get3A_732 : vector<16xf32>
        %add3A_870 = arith.addf %get3A_737, %get3A_742 : vector<16xf32>
        %add3A_871 = arith.addf %get3A_747, %get3A_752 : vector<16xf32>
        %add3A_872 = arith.addf %get3A_757, %get3A_762 : vector<16xf32>
        %add3A_873 = arith.addf %get3A_767, %get3A_772 : vector<16xf32>
        %add3A_874 = arith.addf %get3A_777, %get3A_782 : vector<16xf32>
        %add3A_875 = arith.addf %get3A_787, %get3A_792 : vector<16xf32>
        %add3A_876 = arith.addf %get3A_797, %get3A_802 : vector<16xf32>
        %add3A_877 = arith.addf %add3A_852, %add3A_853 : vector<16xf32>
        %add3A_878 = arith.addf %add3A_854, %add3A_855 : vector<16xf32>
        %add3A_879 = arith.addf %add3A_856, %add3A_857 : vector<16xf32>
        %add3A_880 = arith.addf %add3A_858, %add3A_859 : vector<16xf32>
        %add3A_881 = arith.addf %add3A_860, %add3A_861 : vector<16xf32>
        %add3A_882 = arith.addf %add3A_862, %add3A_863 : vector<16xf32>
        %add3A_883 = arith.addf %add3A_864, %add3A_865 : vector<16xf32>
        %add3A_884 = arith.addf %add3A_866, %add3A_867 : vector<16xf32>
        %add3A_885 = arith.addf %add3A_868, %add3A_869 : vector<16xf32>
        %add3A_886 = arith.addf %add3A_870, %add3A_871 : vector<16xf32>
        %add3A_887 = arith.addf %add3A_872, %add3A_873 : vector<16xf32>
        %add3A_888 = arith.addf %add3A_874, %add3A_875 : vector<16xf32>
        %add3A_889 = arith.addf %add3A_877, %add3A_878 : vector<16xf32>
        %add3A_890 = arith.addf %add3A_879, %add3A_880 : vector<16xf32>
        %add3A_891 = arith.addf %add3A_881, %add3A_882 : vector<16xf32>
        %add3A_892 = arith.addf %add3A_883, %add3A_884 : vector<16xf32>
        %add3A_893 = arith.addf %add3A_885, %add3A_886 : vector<16xf32>
        %add3A_894 = arith.addf %add3A_887, %add3A_888 : vector<16xf32>
        %add3A_895 = arith.addf %add3A_889, %add3A_890 : vector<16xf32>
        %add3A_896 = arith.addf %add3A_891, %add3A_892 : vector<16xf32>
        %add3A_897 = arith.addf %add3A_893, %add3A_894 : vector<16xf32>
        %add3A_898 = arith.addf %add3A_895, %add3A_896 : vector<16xf32>
        %add3A_899 = arith.addf %add3A_897, %add3A_876 : vector<16xf32>
        %add3A_900 = arith.addf %add3A_898, %add3A_899 : vector<16xf32>
        %add3A_901 = arith.constant 0 : i32
        %add3A_902 = arith.addi %mul3A_302, %add3A_901 : i32
        %add3A_903 = vector.broadcast %add3A_902 : i32 to vector<16xi32>
        %add3A_904 = arith.addi %add3A_903, %iota3A : vector<16xi32>
        %gather3A = tpu.vector_load_idx %arg5[%add3A_904] : memref<1664xi32, #tpu.memory_space<vmem>>[vector<16xi32>], vector<16xi32>,
        %eq3A = arith.constant 0 : i32
        %eq3A_905 = vector.broadcast %eq3A : i32 to vector<16xi32>
        %eq3A_906 = arith.cmpi eq, %gather3A, %eq3A_905 : vector<16xi32>
        %jit3A = arith.constant 1.000000e+00 : f32
        %jit3A_907 = arith.constant 0.000000e+00 : f32
        %broadcast_in_dim3A = vector.broadcast %jit3A : f32 to vector<16xf32>
        %broadcast_in_dim3A_908 = vector.broadcast %jit3A_907 : f32 to vector<16xf32>
        %select_n3A = arith.select %eq3A_906, %broadcast_in_dim3A, %broadcast_in_dim3A_908 : vector<16xi1>, vector<16xf32>
        %reduce_sum3A = arith.constant true
        %reduce_sum3A_909 = vector.broadcast %reduce_sum3A : i1 to vector<16xi1>
        %reduce_sum3A_910 = tpu.scan <sum>, %select_n3A masked %reduce_sum3A_909 : vector<16xf32>, vector<16xi1> -> vector<16xf32>
        %reduce_sum3A_911 = vector.extract %reduce_sum3A_910[15] : f32 from vector<16xf32>
        %add3A_912 = arith.constant 0.000000e+00 : f32
        %add3A_913 = arith.addf %add3A_912, %reduce_sum3A_911 : f32
        %add3A_914 = arith.constant 16 : i32
        %add3A_915 = arith.addi %mul3A_302, %add3A_914 : i32
        %add3A_916 = vector.broadcast %add3A_915 : i32 to vector<16xi32>
        %add3A_917 = arith.addi %add3A_916, %iota3A : vector<16xi32>
        %gather3A_918 = tpu.vector_load_idx %arg5[%add3A_917] : memref<1664xi32, #tpu.memory_space<vmem>>[vector<16xi32>], vector<16xi32>,
        %eq3A_919 = arith.constant 0 : i32
        %eq3A_920 = vector.broadcast %eq3A_919 : i32 to vector<16xi32>
        %eq3A_921 = arith.cmpi eq, %gather3A_918, %eq3A_920 : vector<16xi32>
        %jit3A_922 = arith.constant 1.000000e+00 : f32
        %jit3A_923 = arith.constant 0.000000e+00 : f32
        %broadcast_in_dim3A_924 = vector.broadcast %jit3A_922 : f32 to vector<16xf32>
        %broadcast_in_dim3A_925 = vector.broadcast %jit3A_923 : f32 to vector<16xf32>
        %select_n3A_926 = arith.select %eq3A_921, %broadcast_in_dim3A_924, %broadcast_in_dim3A_925 : vector<16xi1>, vector<16xf32>
        %reduce_sum3A_927 = arith.constant true
        %reduce_sum3A_928 = vector.broadcast %reduce_sum3A_927 : i1 to vector<16xi1>
        %reduce_sum3A_929 = tpu.scan <sum>, %select_n3A_926 masked %reduce_sum3A_928 : vector<16xf32>, vector<16xi1> -> vector<16xf32>
        %reduce_sum3A_930 = vector.extract %reduce_sum3A_929[15] : f32 from vector<16xf32>
        %add3A_931 = arith.addf %add3A_913, %reduce_sum3A_930 : f32
        %add3A_932 = arith.constant 32 : i32
        %add3A_933 = arith.addi %mul3A_302, %add3A_932 : i32
        %add3A_934 = vector.broadcast %add3A_933 : i32 to vector<16xi32>
        %add3A_935 = arith.addi %add3A_934, %iota3A : vector<16xi32>
        %gather3A_936 = tpu.vector_load_idx %arg5[%add3A_935] : memref<1664xi32, #tpu.memory_space<vmem>>[vector<16xi32>], vector<16xi32>,
        %eq3A_937 = arith.constant 0 : i32
        %eq3A_938 = vector.broadcast %eq3A_937 : i32 to vector<16xi32>
        %eq3A_939 = arith.cmpi eq, %gather3A_936, %eq3A_938 : vector<16xi32>
        %jit3A_940 = arith.constant 1.000000e+00 : f32
        %jit3A_941 = arith.constant 0.000000e+00 : f32
        %broadcast_in_dim3A_942 = vector.broadcast %jit3A_940 : f32 to vector<16xf32>
        %broadcast_in_dim3A_943 = vector.broadcast %jit3A_941 : f32 to vector<16xf32>
        %select_n3A_944 = arith.select %eq3A_939, %broadcast_in_dim3A_942, %broadcast_in_dim3A_943 : vector<16xi1>, vector<16xf32>
        %reduce_sum3A_945 = arith.constant true
        %reduce_sum3A_946 = vector.broadcast %reduce_sum3A_945 : i1 to vector<16xi1>
        %reduce_sum3A_947 = tpu.scan <sum>, %select_n3A_944 masked %reduce_sum3A_946 : vector<16xf32>, vector<16xi1> -> vector<16xf32>
        %reduce_sum3A_948 = vector.extract %reduce_sum3A_947[15] : f32 from vector<16xf32>
        %add3A_949 = arith.addf %add3A_931, %reduce_sum3A_948 : f32
        %add3A_950 = arith.constant 48 : i32
        %add3A_951 = arith.addi %mul3A_302, %add3A_950 : i32
        %add3A_952 = vector.broadcast %add3A_951 : i32 to vector<16xi32>
        %add3A_953 = arith.addi %add3A_952, %iota3A : vector<16xi32>
        %lt3A_954 = arith.constant 2 : i32
        %lt3A_955 = vector.broadcast %lt3A_954 : i32 to vector<16xi32>
        %lt3A_956 = arith.cmpi slt, %iota3A, %lt3A_955 : vector<16xi32>
        %gather3A_957 = tpu.vector_load_idx %arg5[%add3A_953] masked %lt3A_956 : memref<1664xi32, #tpu.memory_space<vmem>>[vector<16xi32>], vector<16xi32>, vector<16xi1>
        %eq3A_958 = arith.constant 0 : i32
        %eq3A_959 = vector.broadcast %eq3A_958 : i32 to vector<16xi32>
        %eq3A_960 = arith.cmpi eq, %gather3A_957, %eq3A_959 : vector<16xi32>
        %and3A = arith.andi %eq3A_960, %lt3A_956 : vector<16xi1>
        %jit3A_961 = arith.constant 1.000000e+00 : f32
        %jit3A_962 = arith.constant 0.000000e+00 : f32
        %broadcast_in_dim3A_963 = vector.broadcast %jit3A_961 : f32 to vector<16xf32>
        %broadcast_in_dim3A_964 = vector.broadcast %jit3A_962 : f32 to vector<16xf32>
        %select_n3A_965 = arith.select %and3A, %broadcast_in_dim3A_963, %broadcast_in_dim3A_964 : vector<16xi1>, vector<16xf32>
        %reduce_sum3A_966 = arith.constant true
        %reduce_sum3A_967 = vector.broadcast %reduce_sum3A_966 : i1 to vector<16xi1>
        %reduce_sum3A_968 = tpu.scan <sum>, %select_n3A_965 masked %reduce_sum3A_967 : vector<16xf32>, vector<16xi1> -> vector<16xf32>
        %reduce_sum3A_969 = vector.extract %reduce_sum3A_968[15] : f32 from vector<16xf32>
        %add3A_970 = arith.addf %add3A_949, %reduce_sum3A_969 : f32
        %mul3A_971 = vector.broadcast %add3A_970 : f32 to vector<16xf32>
        %mul3A_972 = arith.mulf %mul3A_971, %get3A_3 : vector<16xf32>
        %sub3A = arith.subf %add3A_851, %mul3A_972 : vector<16xf32>
        %mul3A_973 = vector.broadcast %scan3A : f32 to vector<16xf32>
        %mul3A_974 = arith.mulf %sub3A, %mul3A_973 : vector<16xf32>
        %swap3A = arith.index_cast %add3A_300 : i32 to index
        %swap3A_975 = arith.constant 0 : index
        %swap3A_976 = tpu.vector_load %arg9[%swap3A, %swap3A_975] {strides = array<i32>} : memref<32x32xf32, #tpu.memory_space<vmem>>, vector<16xf32>,
        tpu.vector_store %arg9[%swap3A, %swap3A_975], %mul3A_974 {strides = array<i32>} : memref<32x32xf32, #tpu.memory_space<vmem>>, vector<16xf32>,
        %mul3A_977 = vector.broadcast %add3A_970 : f32 to vector<16xf32>
        %mul3A_978 = arith.mulf %mul3A_977, %get3A_7 : vector<16xf32>
        %sub3A_979 = arith.subf %add3A_900, %mul3A_978 : vector<16xf32>
        %mul3A_980 = vector.broadcast %scan3A : f32 to vector<16xf32>
        %mul3A_981 = arith.mulf %sub3A_979, %mul3A_980 : vector<16xf32>
        %swap3A_982 = arith.index_cast %add3A_300 : i32 to index
        %swap3A_983 = arith.constant 16 : index
        %swap3A_984 = tpu.vector_load %arg9[%swap3A_982, %swap3A_983] {strides = array<i32>} : memref<32x32xf32, #tpu.memory_space<vmem>>, vector<16xf32>,
        tpu.vector_store %arg9[%swap3A_982, %swap3A_983], %mul3A_981 {strides = array<i32>} : memref<32x32xf32, #tpu.memory_space<vmem>>, vector<16xf32>,
      }
      %scan3A_252 = arith.constant 32 : i32
      %mul3A_253 = arith.constant 512 : i32
      %mul3A_254 = arith.muli %add3A, %mul3A_253 : i32
      %mul3A_255 = arith.constant 32 : i32
      %mul3A_256 = arith.muli %add3A_233, %mul3A_255 : i32
      %add3A_257 = arith.addi %mul3A_254, %mul3A_256 : i32
      %dma_start3A_258 = arith.constant 0 : i32
      %dma_start3A_259 = tpu.memref_slice %arg4[%add3A_257, %dma_start3A_258] : memref<16384x32xf32, #tpu.memory_space<hbm>> -> memref<32x32xf32, #tpu.memory_space<hbm>>
      %dma_start3A_260 = arith.constant 0 : i32
      %dma_start3A_261 = tpu.memref_slice %arg4[%add3A_257, %dma_start3A_260] : memref<16384x32xf32, #tpu.memory_space<hbm>> -> memref<32x32xf32, #tpu.memory_space<hbm>>
      tpu.enqueue_dma source(%arg9 : memref<32x32xf32, #tpu.memory_space<vmem>>) target(%dma_start3A_261 : memref<32x32xf32, #tpu.memory_space<hbm>>) target_semaphore(%arg14 : memref<!tpu.dma_semaphore, #tpu.memory_space<semaphore_mem>>)
      %add3A_262 = arith.constant 1 : i32
      %add3A_263 = arith.addi %add3A_231, %add3A_262 : i32
      %add3A_264 = arith.constant 1 : i32
      %add3A_265 = arith.addi %add3A_263, %add3A_264 : i32
      %lt3A_266 = arith.constant 16 : i32
      %lt3A_267 = arith.cmpi slt, %add3A_265, %lt3A_266 : i32
      %convert_element_type3A_268 = arith.extui %lt3A_267 : i1 to i32
      %cond3A_269 = arith.constant 0 : i32
      %cond3A_270 = arith.cmpi ne, %convert_element_type3A_268, %cond3A_269 : i32
      scf.if %cond3A_270 {
        %add3A_296 = arith.constant 1 : i32
        %add3A_297 = arith.addi %add3A_263, %add3A_296 : i32
        %mul3A_298 = arith.constant 25600 : i32
        %mul3A_299 = arith.muli %add3A, %mul3A_298 : i32
        %mul3A_300 = arith.constant 1600 : i32
        %mul3A_301 = arith.muli %add3A_297, %mul3A_300 : i32
        %add3A_302 = arith.addi %mul3A_299, %mul3A_301 : i32
        "tpu.region"() ({
          %run_scoped3A = tpu.sem_alloc : memref<!tpu.dma_semaphore, #tpu.memory_space<semaphore_mem>>
          %dma_start3A_503 = arith.constant 0 : i32
          %dma_start3A_504 = tpu.memref_slice %arg5[%dma_start3A_503] : memref<1664xi32, #tpu.memory_space<vmem>> -> memref<1600xi32, #tpu.memory_space<vmem>>
          %dma_start3A_505 = tpu.memref_slice %arg2[%add3A_302] : memref<819200xi32, #tpu.memory_space<hbm>> -> memref<1600xi32, #tpu.memory_space<hbm>>
          %dma_start3A_506 = arith.constant 0 : i32
          %dma_start3A_507 = tpu.memref_slice %arg5[%dma_start3A_506] : memref<1664xi32, #tpu.memory_space<vmem>> -> memref<1600xi32, #tpu.memory_space<vmem>>
          %dma_start3A_508 = tpu.memref_slice %arg2[%add3A_302] : memref<819200xi32, #tpu.memory_space<hbm>> -> memref<1600xi32, #tpu.memory_space<hbm>>
          tpu.enqueue_dma source(%dma_start3A_508 : memref<1600xi32, #tpu.memory_space<hbm>>) target(%dma_start3A_507 : memref<1600xi32, #tpu.memory_space<vmem>>) target_semaphore(%run_scoped3A : memref<!tpu.dma_semaphore, #tpu.memory_space<semaphore_mem>>)
          %dma_wait3A_509 = arith.constant 0 : i32
          %dma_wait3A_510 = tpu.memref_slice %arg5[%dma_wait3A_509] : memref<1664xi32, #tpu.memory_space<vmem>> -> memref<1600xi32, #tpu.memory_space<vmem>>
          %dma_wait3A_511 = tpu.memref_slice %arg2[%add3A_302] : memref<819200xi32, #tpu.memory_space<hbm>> -> memref<1600xi32, #tpu.memory_space<hbm>>
          %dma_wait3A_512 = arith.constant 0 : i32
          %dma_wait3A_513 = tpu.memref_slice %arg5[%dma_wait3A_512] : memref<1664xi32, #tpu.memory_space<vmem>> -> memref<1600xi32, #tpu.memory_space<vmem>>
          %dma_wait3A_514 = tpu.memref_slice %arg2[%add3A_302] : memref<819200xi32, #tpu.memory_space<hbm>> -> memref<1600xi32, #tpu.memory_space<hbm>>
          tpu.wait_dma2 semaphore(%run_scoped3A : memref<!tpu.dma_semaphore, #tpu.memory_space<semaphore_mem>>) src(%dma_wait3A_514 : memref<1600xi32, #tpu.memory_space<hbm>>) dst(%dma_wait3A_513 : memref<1600xi32, #tpu.memory_space<vmem>>)
          tpu.yield
        }) : () -> ()
        %dma_start3A_303 = arith.constant 0 : i32
        %dma_start3A_304 = arith.constant 0 : i32
        %dma_start3A_305 = tpu.memref_slice %arg7[%dma_start3A_303, %dma_start3A_304] : memref<1600x32xf32, #tpu.memory_space<vmem>> -> memref<64x32xf32, #tpu.memory_space<vmem>>
        %dma_start3A_306 = arith.constant 0 : i32
        %dma_start3A_307 = tpu.memref_slice %arg5[%dma_start3A_306] : memref<1664xi32, #tpu.memory_space<vmem>> -> memref<64xi32, #tpu.memory_space<vmem>>
        %dma_start3A_308 = arith.constant 0 : i32
        %dma_start3A_309 = arith.constant 0 : i32
        %dma_start3A_310 = tpu.memref_slice %arg3[%dma_start3A_308, %dma_start3A_309] : memref<1000000x32xf32, #tpu.memory_space<hbm>> -> memref<1000000x32xf32, #tpu.memory_space<hbm>>
        tpu.enqueue_indirect_dma source(%dma_start3A_310 : memref<1000000x32xf32, #tpu.memory_space<hbm>>) target(%dma_start3A_305 : memref<64x32xf32, #tpu.memory_space<vmem>>) offsets(%dma_start3A_307 : memref<64xi32, #tpu.memory_space<vmem>>) semaphore(%arg12 : memref<!tpu.dma_semaphore, #tpu.memory_space<semaphore_mem>>)
        %dma_start3A_311 = arith.constant 64 : i32
        %dma_start3A_312 = arith.constant 0 : i32
        %dma_start3A_313 = tpu.memref_slice %arg7[%dma_start3A_311, %dma_start3A_312] : memref<1600x32xf32, #tpu.memory_space<vmem>> -> memref<64x32xf32, #tpu.memory_space<vmem>>
        %dma_start3A_314 = arith.constant 64 : i32
        %dma_start3A_315 = tpu.memref_slice %arg5[%dma_start3A_314] : memref<1664xi32, #tpu.memory_space<vmem>> -> memref<64xi32, #tpu.memory_space<vmem>>
        %dma_start3A_316 = arith.constant 0 : i32
        %dma_start3A_317 = arith.constant 0 : i32
        %dma_start3A_318 = tpu.memref_slice %arg3[%dma_start3A_316, %dma_start3A_317] : memref<1000000x32xf32, #tpu.memory_space<hbm>> -> memref<1000000x32xf32, #tpu.memory_space<hbm>>
        tpu.enqueue_indirect_dma source(%dma_start3A_318 : memref<1000000x32xf32, #tpu.memory_space<hbm>>) target(%dma_start3A_313 : memref<64x32xf32, #tpu.memory_space<vmem>>) offsets(%dma_start3A_315 : memref<64xi32, #tpu.memory_space<vmem>>) semaphore(%arg12 : memref<!tpu.dma_semaphore, #tpu.memory_space<semaphore_mem>>)
        %dma_start3A_319 = arith.constant 128 : i32
        %dma_start3A_320 = arith.constant 0 : i32
        %dma_start3A_321 = tpu.memref_slice %arg7[%dma_start3A_319, %dma_start3A_320] : memref<1600x32xf32, #tpu.memory_space<vmem>> -> memref<64x32xf32, #tpu.memory_space<vmem>>
        %dma_start3A_322 = arith.constant 128 : i32
        %dma_start3A_323 = tpu.memref_slice %arg5[%dma_start3A_322] : memref<1664xi32, #tpu.memory_space<vmem>> -> memref<64xi32, #tpu.memory_space<vmem>>
        %dma_start3A_324 = arith.constant 0 : i32
        %dma_start3A_325 = arith.constant 0 : i32
        %dma_start3A_326 = tpu.memref_slice %arg3[%dma_start3A_324, %dma_start3A_325] : memref<1000000x32xf32, #tpu.memory_space<hbm>> -> memref<1000000x32xf32, #tpu.memory_space<hbm>>
        tpu.enqueue_indirect_dma source(%dma_start3A_326 : memref<1000000x32xf32, #tpu.memory_space<hbm>>) target(%dma_start3A_321 : memref<64x32xf32, #tpu.memory_space<vmem>>) offsets(%dma_start3A_323 : memref<64xi32, #tpu.memory_space<vmem>>) semaphore(%arg12 : memref<!tpu.dma_semaphore, #tpu.memory_space<semaphore_mem>>)
        %dma_start3A_327 = arith.constant 192 : i32
        %dma_start3A_328 = arith.constant 0 : i32
        %dma_start3A_329 = tpu.memref_slice %arg7[%dma_start3A_327, %dma_start3A_328] : memref<1600x32xf32, #tpu.memory_space<vmem>> -> memref<64x32xf32, #tpu.memory_space<vmem>>
        %dma_start3A_330 = arith.constant 192 : i32
        %dma_start3A_331 = tpu.memref_slice %arg5[%dma_start3A_330] : memref<1664xi32, #tpu.memory_space<vmem>> -> memref<64xi32, #tpu.memory_space<vmem>>
        %dma_start3A_332 = arith.constant 0 : i32
        %dma_start3A_333 = arith.constant 0 : i32
        %dma_start3A_334 = tpu.memref_slice %arg3[%dma_start3A_332, %dma_start3A_333] : memref<1000000x32xf32, #tpu.memory_space<hbm>> -> memref<1000000x32xf32, #tpu.memory_space<hbm>>
        tpu.enqueue_indirect_dma source(%dma_start3A_334 : memref<1000000x32xf32, #tpu.memory_space<hbm>>) target(%dma_start3A_329 : memref<64x32xf32, #tpu.memory_space<vmem>>) offsets(%dma_start3A_331 : memref<64xi32, #tpu.memory_space<vmem>>) semaphore(%arg12 : memref<!tpu.dma_semaphore, #tpu.memory_space<semaphore_mem>>)
        %dma_start3A_335 = arith.constant 256 : i32
        %dma_start3A_336 = arith.constant 0 : i32
        %dma_start3A_337 = tpu.memref_slice %arg7[%dma_start3A_335, %dma_start3A_336] : memref<1600x32xf32, #tpu.memory_space<vmem>> -> memref<64x32xf32, #tpu.memory_space<vmem>>
        %dma_start3A_338 = arith.constant 256 : i32
        %dma_start3A_339 = tpu.memref_slice %arg5[%dma_start3A_338] : memref<1664xi32, #tpu.memory_space<vmem>> -> memref<64xi32, #tpu.memory_space<vmem>>
        %dma_start3A_340 = arith.constant 0 : i32
        %dma_start3A_341 = arith.constant 0 : i32
        %dma_start3A_342 = tpu.memref_slice %arg3[%dma_start3A_340, %dma_start3A_341] : memref<1000000x32xf32, #tpu.memory_space<hbm>> -> memref<1000000x32xf32, #tpu.memory_space<hbm>>
        tpu.enqueue_indirect_dma source(%dma_start3A_342 : memref<1000000x32xf32, #tpu.memory_space<hbm>>) target(%dma_start3A_337 : memref<64x32xf32, #tpu.memory_space<vmem>>) offsets(%dma_start3A_339 : memref<64xi32, #tpu.memory_space<vmem>>) semaphore(%arg12 : memref<!tpu.dma_semaphore, #tpu.memory_space<semaphore_mem>>)
        %dma_start3A_343 = arith.constant 320 : i32
        %dma_start3A_344 = arith.constant 0 : i32
        %dma_start3A_345 = tpu.memref_slice %arg7[%dma_start3A_343, %dma_start3A_344] : memref<1600x32xf32, #tpu.memory_space<vmem>> -> memref<64x32xf32, #tpu.memory_space<vmem>>
        %dma_start3A_346 = arith.constant 320 : i32
        %dma_start3A_347 = tpu.memref_slice %arg5[%dma_start3A_346] : memref<1664xi32, #tpu.memory_space<vmem>> -> memref<64xi32, #tpu.memory_space<vmem>>
        %dma_start3A_348 = arith.constant 0 : i32
        %dma_start3A_349 = arith.constant 0 : i32
        %dma_start3A_350 = tpu.memref_slice %arg3[%dma_start3A_348, %dma_start3A_349] : memref<1000000x32xf32, #tpu.memory_space<hbm>> -> memref<1000000x32xf32, #tpu.memory_space<hbm>>
        tpu.enqueue_indirect_dma source(%dma_start3A_350 : memref<1000000x32xf32, #tpu.memory_space<hbm>>) target(%dma_start3A_345 : memref<64x32xf32, #tpu.memory_space<vmem>>) offsets(%dma_start3A_347 : memref<64xi32, #tpu.memory_space<vmem>>) semaphore(%arg12 : memref<!tpu.dma_semaphore, #tpu.memory_space<semaphore_mem>>)
        %dma_start3A_351 = arith.constant 384 : i32
        %dma_start3A_352 = arith.constant 0 : i32
        %dma_start3A_353 = tpu.memref_slice %arg7[%dma_start3A_351, %dma_start3A_352] : memref<1600x32xf32, #tpu.memory_space<vmem>> -> memref<64x32xf32, #tpu.memory_space<vmem>>
        %dma_start3A_354 = arith.constant 384 : i32
        %dma_start3A_355 = tpu.memref_slice %arg5[%dma_start3A_354] : memref<1664xi32, #tpu.memory_space<vmem>> -> memref<64xi32, #tpu.memory_space<vmem>>
        %dma_start3A_356 = arith.constant 0 : i32
        %dma_start3A_357 = arith.constant 0 : i32
        %dma_start3A_358 = tpu.memref_slice %arg3[%dma_start3A_356, %dma_start3A_357] : memref<1000000x32xf32, #tpu.memory_space<hbm>> -> memref<1000000x32xf32, #tpu.memory_space<hbm>>
        tpu.enqueue_indirect_dma source(%dma_start3A_358 : memref<1000000x32xf32, #tpu.memory_space<hbm>>) target(%dma_start3A_353 : memref<64x32xf32, #tpu.memory_space<vmem>>) offsets(%dma_start3A_355 : memref<64xi32, #tpu.memory_space<vmem>>) semaphore(%arg12 : memref<!tpu.dma_semaphore, #tpu.memory_space<semaphore_mem>>)
        %dma_start3A_359 = arith.constant 448 : i32
        %dma_start3A_360 = arith.constant 0 : i32
        %dma_start3A_361 = tpu.memref_slice %arg7[%dma_start3A_359, %dma_start3A_360] : memref<1600x32xf32, #tpu.memory_space<vmem>> -> memref<64x32xf32, #tpu.memory_space<vmem>>
        %dma_start3A_362 = arith.constant 448 : i32
        %dma_start3A_363 = tpu.memref_slice %arg5[%dma_start3A_362] : memref<1664xi32, #tpu.memory_space<vmem>> -> memref<64xi32, #tpu.memory_space<vmem>>
        %dma_start3A_364 = arith.constant 0 : i32
        %dma_start3A_365 = arith.constant 0 : i32
        %dma_start3A_366 = tpu.memref_slice %arg3[%dma_start3A_364, %dma_start3A_365] : memref<1000000x32xf32, #tpu.memory_space<hbm>> -> memref<1000000x32xf32, #tpu.memory_space<hbm>>
        tpu.enqueue_indirect_dma source(%dma_start3A_366 : memref<1000000x32xf32, #tpu.memory_space<hbm>>) target(%dma_start3A_361 : memref<64x32xf32, #tpu.memory_space<vmem>>) offsets(%dma_start3A_363 : memref<64xi32, #tpu.memory_space<vmem>>) semaphore(%arg12 : memref<!tpu.dma_semaphore, #tpu.memory_space<semaphore_mem>>)
        %dma_start3A_367 = arith.constant 512 : i32
        %dma_start3A_368 = arith.constant 0 : i32
        %dma_start3A_369 = tpu.memref_slice %arg7[%dma_start3A_367, %dma_start3A_368] : memref<1600x32xf32, #tpu.memory_space<vmem>> -> memref<64x32xf32, #tpu.memory_space<vmem>>
        %dma_start3A_370 = arith.constant 512 : i32
        %dma_start3A_371 = tpu.memref_slice %arg5[%dma_start3A_370] : memref<1664xi32, #tpu.memory_space<vmem>> -> memref<64xi32, #tpu.memory_space<vmem>>
        %dma_start3A_372 = arith.constant 0 : i32
        %dma_start3A_373 = arith.constant 0 : i32
        %dma_start3A_374 = tpu.memref_slice %arg3[%dma_start3A_372, %dma_start3A_373] : memref<1000000x32xf32, #tpu.memory_space<hbm>> -> memref<1000000x32xf32, #tpu.memory_space<hbm>>
        tpu.enqueue_indirect_dma source(%dma_start3A_374 : memref<1000000x32xf32, #tpu.memory_space<hbm>>) target(%dma_start3A_369 : memref<64x32xf32, #tpu.memory_space<vmem>>) offsets(%dma_start3A_371 : memref<64xi32, #tpu.memory_space<vmem>>) semaphore(%arg12 : memref<!tpu.dma_semaphore, #tpu.memory_space<semaphore_mem>>)
        %dma_start3A_375 = arith.constant 576 : i32
        %dma_start3A_376 = arith.constant 0 : i32
        %dma_start3A_377 = tpu.memref_slice %arg7[%dma_start3A_375, %dma_start3A_376] : memref<1600x32xf32, #tpu.memory_space<vmem>> -> memref<64x32xf32, #tpu.memory_space<vmem>>
        %dma_start3A_378 = arith.constant 576 : i32
        %dma_start3A_379 = tpu.memref_slice %arg5[%dma_start3A_378] : memref<1664xi32, #tpu.memory_space<vmem>> -> memref<64xi32, #tpu.memory_space<vmem>>
        %dma_start3A_380 = arith.constant 0 : i32
        %dma_start3A_381 = arith.constant 0 : i32
        %dma_start3A_382 = tpu.memref_slice %arg3[%dma_start3A_380, %dma_start3A_381] : memref<1000000x32xf32, #tpu.memory_space<hbm>> -> memref<1000000x32xf32, #tpu.memory_space<hbm>>
        tpu.enqueue_indirect_dma source(%dma_start3A_382 : memref<1000000x32xf32, #tpu.memory_space<hbm>>) target(%dma_start3A_377 : memref<64x32xf32, #tpu.memory_space<vmem>>) offsets(%dma_start3A_379 : memref<64xi32, #tpu.memory_space<vmem>>) semaphore(%arg12 : memref<!tpu.dma_semaphore, #tpu.memory_space<semaphore_mem>>)
        %dma_start3A_383 = arith.constant 640 : i32
        %dma_start3A_384 = arith.constant 0 : i32
        %dma_start3A_385 = tpu.memref_slice %arg7[%dma_start3A_383, %dma_start3A_384] : memref<1600x32xf32, #tpu.memory_space<vmem>> -> memref<64x32xf32, #tpu.memory_space<vmem>>
        %dma_start3A_386 = arith.constant 640 : i32
        %dma_start3A_387 = tpu.memref_slice %arg5[%dma_start3A_386] : memref<1664xi32, #tpu.memory_space<vmem>> -> memref<64xi32, #tpu.memory_space<vmem>>
        %dma_start3A_388 = arith.constant 0 : i32
        %dma_start3A_389 = arith.constant 0 : i32
        %dma_start3A_390 = tpu.memref_slice %arg3[%dma_start3A_388, %dma_start3A_389] : memref<1000000x32xf32, #tpu.memory_space<hbm>> -> memref<1000000x32xf32, #tpu.memory_space<hbm>>
        tpu.enqueue_indirect_dma source(%dma_start3A_390 : memref<1000000x32xf32, #tpu.memory_space<hbm>>) target(%dma_start3A_385 : memref<64x32xf32, #tpu.memory_space<vmem>>) offsets(%dma_start3A_387 : memref<64xi32, #tpu.memory_space<vmem>>) semaphore(%arg12 : memref<!tpu.dma_semaphore, #tpu.memory_space<semaphore_mem>>)
        %dma_start3A_391 = arith.constant 704 : i32
        %dma_start3A_392 = arith.constant 0 : i32
        %dma_start3A_393 = tpu.memref_slice %arg7[%dma_start3A_391, %dma_start3A_392] : memref<1600x32xf32, #tpu.memory_space<vmem>> -> memref<64x32xf32, #tpu.memory_space<vmem>>
        %dma_start3A_394 = arith.constant 704 : i32
        %dma_start3A_395 = tpu.memref_slice %arg5[%dma_start3A_394] : memref<1664xi32, #tpu.memory_space<vmem>> -> memref<64xi32, #tpu.memory_space<vmem>>
        %dma_start3A_396 = arith.constant 0 : i32
        %dma_start3A_397 = arith.constant 0 : i32
        %dma_start3A_398 = tpu.memref_slice %arg3[%dma_start3A_396, %dma_start3A_397] : memref<1000000x32xf32, #tpu.memory_space<hbm>> -> memref<1000000x32xf32, #tpu.memory_space<hbm>>
        tpu.enqueue_indirect_dma source(%dma_start3A_398 : memref<1000000x32xf32, #tpu.memory_space<hbm>>) target(%dma_start3A_393 : memref<64x32xf32, #tpu.memory_space<vmem>>) offsets(%dma_start3A_395 : memref<64xi32, #tpu.memory_space<vmem>>) semaphore(%arg12 : memref<!tpu.dma_semaphore, #tpu.memory_space<semaphore_mem>>)
        %dma_start3A_399 = arith.constant 768 : i32
        %dma_start3A_400 = arith.constant 0 : i32
        %dma_start3A_401 = tpu.memref_slice %arg7[%dma_start3A_399, %dma_start3A_400] : memref<1600x32xf32, #tpu.memory_space<vmem>> -> memref<64x32xf32, #tpu.memory_space<vmem>>
        %dma_start3A_402 = arith.constant 768 : i32
        %dma_start3A_403 = tpu.memref_slice %arg5[%dma_start3A_402] : memref<1664xi32, #tpu.memory_space<vmem>> -> memref<64xi32, #tpu.memory_space<vmem>>
        %dma_start3A_404 = arith.constant 0 : i32
        %dma_start3A_405 = arith.constant 0 : i32
        %dma_start3A_406 = tpu.memref_slice %arg3[%dma_start3A_404, %dma_start3A_405] : memref<1000000x32xf32, #tpu.memory_space<hbm>> -> memref<1000000x32xf32, #tpu.memory_space<hbm>>
        tpu.enqueue_indirect_dma source(%dma_start3A_406 : memref<1000000x32xf32, #tpu.memory_space<hbm>>) target(%dma_start3A_401 : memref<64x32xf32, #tpu.memory_space<vmem>>) offsets(%dma_start3A_403 : memref<64xi32, #tpu.memory_space<vmem>>) semaphore(%arg12 : memref<!tpu.dma_semaphore, #tpu.memory_space<semaphore_mem>>)
        %dma_start3A_407 = arith.constant 832 : i32
        %dma_start3A_408 = arith.constant 0 : i32
        %dma_start3A_409 = tpu.memref_slice %arg7[%dma_start3A_407, %dma_start3A_408] : memref<1600x32xf32, #tpu.memory_space<vmem>> -> memref<64x32xf32, #tpu.memory_space<vmem>>
        %dma_start3A_410 = arith.constant 832 : i32
        %dma_start3A_411 = tpu.memref_slice %arg5[%dma_start3A_410] : memref<1664xi32, #tpu.memory_space<vmem>> -> memref<64xi32, #tpu.memory_space<vmem>>
        %dma_start3A_412 = arith.constant 0 : i32
        %dma_start3A_413 = arith.constant 0 : i32
        %dma_start3A_414 = tpu.memref_slice %arg3[%dma_start3A_412, %dma_start3A_413] : memref<1000000x32xf32, #tpu.memory_space<hbm>> -> memref<1000000x32xf32, #tpu.memory_space<hbm>>
        tpu.enqueue_indirect_dma source(%dma_start3A_414 : memref<1000000x32xf32, #tpu.memory_space<hbm>>) target(%dma_start3A_409 : memref<64x32xf32, #tpu.memory_space<vmem>>) offsets(%dma_start3A_411 : memref<64xi32, #tpu.memory_space<vmem>>) semaphore(%arg12 : memref<!tpu.dma_semaphore, #tpu.memory_space<semaphore_mem>>)
        %dma_start3A_415 = arith.constant 896 : i32
        %dma_start3A_416 = arith.constant 0 : i32
        %dma_start3A_417 = tpu.memref_slice %arg7[%dma_start3A_415, %dma_start3A_416] : memref<1600x32xf32, #tpu.memory_space<vmem>> -> memref<64x32xf32, #tpu.memory_space<vmem>>
        %dma_start3A_418 = arith.constant 896 : i32
        %dma_start3A_419 = tpu.memref_slice %arg5[%dma_start3A_418] : memref<1664xi32, #tpu.memory_space<vmem>> -> memref<64xi32, #tpu.memory_space<vmem>>
        %dma_start3A_420 = arith.constant 0 : i32
        %dma_start3A_421 = arith.constant 0 : i32
        %dma_start3A_422 = tpu.memref_slice %arg3[%dma_start3A_420, %dma_start3A_421] : memref<1000000x32xf32, #tpu.memory_space<hbm>> -> memref<1000000x32xf32, #tpu.memory_space<hbm>>
        tpu.enqueue_indirect_dma source(%dma_start3A_422 : memref<1000000x32xf32, #tpu.memory_space<hbm>>) target(%dma_start3A_417 : memref<64x32xf32, #tpu.memory_space<vmem>>) offsets(%dma_start3A_419 : memref<64xi32, #tpu.memory_space<vmem>>) semaphore(%arg12 : memref<!tpu.dma_semaphore, #tpu.memory_space<semaphore_mem>>)
        %dma_start3A_423 = arith.constant 960 : i32
        %dma_start3A_424 = arith.constant 0 : i32
        %dma_start3A_425 = tpu.memref_slice %arg7[%dma_start3A_423, %dma_start3A_424] : memref<1600x32xf32, #tpu.memory_space<vmem>> -> memref<64x32xf32, #tpu.memory_space<vmem>>
        %dma_start3A_426 = arith.constant 960 : i32
        %dma_start3A_427 = tpu.memref_slice %arg5[%dma_start3A_426] : memref<1664xi32, #tpu.memory_space<vmem>> -> memref<64xi32, #tpu.memory_space<vmem>>
        %dma_start3A_428 = arith.constant 0 : i32
        %dma_start3A_429 = arith.constant 0 : i32
        %dma_start3A_430 = tpu.memref_slice %arg3[%dma_start3A_428, %dma_start3A_429] : memref<1000000x32xf32, #tpu.memory_space<hbm>> -> memref<1000000x32xf32, #tpu.memory_space<hbm>>
        tpu.enqueue_indirect_dma source(%dma_start3A_430 : memref<1000000x32xf32, #tpu.memory_space<hbm>>) target(%dma_start3A_425 : memref<64x32xf32, #tpu.memory_space<vmem>>) offsets(%dma_start3A_427 : memref<64xi32, #tpu.memory_space<vmem>>) semaphore(%arg12 : memref<!tpu.dma_semaphore, #tpu.memory_space<semaphore_mem>>)
        %dma_start3A_431 = arith.constant 1024 : i32
        %dma_start3A_432 = arith.constant 0 : i32
        %dma_start3A_433 = tpu.memref_slice %arg7[%dma_start3A_431, %dma_start3A_432] : memref<1600x32xf32, #tpu.memory_space<vmem>> -> memref<64x32xf32, #tpu.memory_space<vmem>>
        %dma_start3A_434 = arith.constant 1024 : i32
        %dma_start3A_435 = tpu.memref_slice %arg5[%dma_start3A_434] : memref<1664xi32, #tpu.memory_space<vmem>> -> memref<64xi32, #tpu.memory_space<vmem>>
        %dma_start3A_436 = arith.constant 0 : i32
        %dma_start3A_437 = arith.constant 0 : i32
        %dma_start3A_438 = tpu.memref_slice %arg3[%dma_start3A_436, %dma_start3A_437] : memref<1000000x32xf32, #tpu.memory_space<hbm>> -> memref<1000000x32xf32, #tpu.memory_space<hbm>>
        tpu.enqueue_indirect_dma source(%dma_start3A_438 : memref<1000000x32xf32, #tpu.memory_space<hbm>>) target(%dma_start3A_433 : memref<64x32xf32, #tpu.memory_space<vmem>>) offsets(%dma_start3A_435 : memref<64xi32, #tpu.memory_space<vmem>>) semaphore(%arg12 : memref<!tpu.dma_semaphore, #tpu.memory_space<semaphore_mem>>)
        %dma_start3A_439 = arith.constant 1088 : i32
        %dma_start3A_440 = arith.constant 0 : i32
        %dma_start3A_441 = tpu.memref_slice %arg7[%dma_start3A_439, %dma_start3A_440] : memref<1600x32xf32, #tpu.memory_space<vmem>> -> memref<64x32xf32, #tpu.memory_space<vmem>>
        %dma_start3A_442 = arith.constant 1088 : i32
        %dma_start3A_443 = tpu.memref_slice %arg5[%dma_start3A_442] : memref<1664xi32, #tpu.memory_space<vmem>> -> memref<64xi32, #tpu.memory_space<vmem>>
        %dma_start3A_444 = arith.constant 0 : i32
        %dma_start3A_445 = arith.constant 0 : i32
        %dma_start3A_446 = tpu.memref_slice %arg3[%dma_start3A_444, %dma_start3A_445] : memref<1000000x32xf32, #tpu.memory_space<hbm>> -> memref<1000000x32xf32, #tpu.memory_space<hbm>>
        tpu.enqueue_indirect_dma source(%dma_start3A_446 : memref<1000000x32xf32, #tpu.memory_space<hbm>>) target(%dma_start3A_441 : memref<64x32xf32, #tpu.memory_space<vmem>>) offsets(%dma_start3A_443 : memref<64xi32, #tpu.memory_space<vmem>>) semaphore(%arg12 : memref<!tpu.dma_semaphore, #tpu.memory_space<semaphore_mem>>)
        %dma_start3A_447 = arith.constant 1152 : i32
        %dma_start3A_448 = arith.constant 0 : i32
        %dma_start3A_449 = tpu.memref_slice %arg7[%dma_start3A_447, %dma_start3A_448] : memref<1600x32xf32, #tpu.memory_space<vmem>> -> memref<64x32xf32, #tpu.memory_space<vmem>>
        %dma_start3A_450 = arith.constant 1152 : i32
        %dma_start3A_451 = tpu.memref_slice %arg5[%dma_start3A_450] : memref<1664xi32, #tpu.memory_space<vmem>> -> memref<64xi32, #tpu.memory_space<vmem>>
        %dma_start3A_452 = arith.constant 0 : i32
        %dma_start3A_453 = arith.constant 0 : i32
        %dma_start3A_454 = tpu.memref_slice %arg3[%dma_start3A_452, %dma_start3A_453] : memref<1000000x32xf32, #tpu.memory_space<hbm>> -> memref<1000000x32xf32, #tpu.memory_space<hbm>>
        tpu.enqueue_indirect_dma source(%dma_start3A_454 : memref<1000000x32xf32, #tpu.memory_space<hbm>>) target(%dma_start3A_449 : memref<64x32xf32, #tpu.memory_space<vmem>>) offsets(%dma_start3A_451 : memref<64xi32, #tpu.memory_space<vmem>>) semaphore(%arg12 : memref<!tpu.dma_semaphore, #tpu.memory_space<semaphore_mem>>)
        %dma_start3A_455 = arith.constant 1216 : i32
        %dma_start3A_456 = arith.constant 0 : i32
        %dma_start3A_457 = tpu.memref_slice %arg7[%dma_start3A_455, %dma_start3A_456] : memref<1600x32xf32, #tpu.memory_space<vmem>> -> memref<64x32xf32, #tpu.memory_space<vmem>>
        %dma_start3A_458 = arith.constant 1216 : i32
        %dma_start3A_459 = tpu.memref_slice %arg5[%dma_start3A_458] : memref<1664xi32, #tpu.memory_space<vmem>> -> memref<64xi32, #tpu.memory_space<vmem>>
        %dma_start3A_460 = arith.constant 0 : i32
        %dma_start3A_461 = arith.constant 0 : i32
        %dma_start3A_462 = tpu.memref_slice %arg3[%dma_start3A_460, %dma_start3A_461] : memref<1000000x32xf32, #tpu.memory_space<hbm>> -> memref<1000000x32xf32, #tpu.memory_space<hbm>>
        tpu.enqueue_indirect_dma source(%dma_start3A_462 : memref<1000000x32xf32, #tpu.memory_space<hbm>>) target(%dma_start3A_457 : memref<64x32xf32, #tpu.memory_space<vmem>>) offsets(%dma_start3A_459 : memref<64xi32, #tpu.memory_space<vmem>>) semaphore(%arg12 : memref<!tpu.dma_semaphore, #tpu.memory_space<semaphore_mem>>)
        %dma_start3A_463 = arith.constant 1280 : i32
        %dma_start3A_464 = arith.constant 0 : i32
        %dma_start3A_465 = tpu.memref_slice %arg7[%dma_start3A_463, %dma_start3A_464] : memref<1600x32xf32, #tpu.memory_space<vmem>> -> memref<64x32xf32, #tpu.memory_space<vmem>>
        %dma_start3A_466 = arith.constant 1280 : i32
        %dma_start3A_467 = tpu.memref_slice %arg5[%dma_start3A_466] : memref<1664xi32, #tpu.memory_space<vmem>> -> memref<64xi32, #tpu.memory_space<vmem>>
        %dma_start3A_468 = arith.constant 0 : i32
        %dma_start3A_469 = arith.constant 0 : i32
        %dma_start3A_470 = tpu.memref_slice %arg3[%dma_start3A_468, %dma_start3A_469] : memref<1000000x32xf32, #tpu.memory_space<hbm>> -> memref<1000000x32xf32, #tpu.memory_space<hbm>>
        tpu.enqueue_indirect_dma source(%dma_start3A_470 : memref<1000000x32xf32, #tpu.memory_space<hbm>>) target(%dma_start3A_465 : memref<64x32xf32, #tpu.memory_space<vmem>>) offsets(%dma_start3A_467 : memref<64xi32, #tpu.memory_space<vmem>>) semaphore(%arg12 : memref<!tpu.dma_semaphore, #tpu.memory_space<semaphore_mem>>)
        %dma_start3A_471 = arith.constant 1344 : i32
        %dma_start3A_472 = arith.constant 0 : i32
        %dma_start3A_473 = tpu.memref_slice %arg7[%dma_start3A_471, %dma_start3A_472] : memref<1600x32xf32, #tpu.memory_space<vmem>> -> memref<64x32xf32, #tpu.memory_space<vmem>>
        %dma_start3A_474 = arith.constant 1344 : i32
        %dma_start3A_475 = tpu.memref_slice %arg5[%dma_start3A_474] : memref<1664xi32, #tpu.memory_space<vmem>> -> memref<64xi32, #tpu.memory_space<vmem>>
        %dma_start3A_476 = arith.constant 0 : i32
        %dma_start3A_477 = arith.constant 0 : i32
        %dma_start3A_478 = tpu.memref_slice %arg3[%dma_start3A_476, %dma_start3A_477] : memref<1000000x32xf32, #tpu.memory_space<hbm>> -> memref<1000000x32xf32, #tpu.memory_space<hbm>>
        tpu.enqueue_indirect_dma source(%dma_start3A_478 : memref<1000000x32xf32, #tpu.memory_space<hbm>>) target(%dma_start3A_473 : memref<64x32xf32, #tpu.memory_space<vmem>>) offsets(%dma_start3A_475 : memref<64xi32, #tpu.memory_space<vmem>>) semaphore(%arg12 : memref<!tpu.dma_semaphore, #tpu.memory_space<semaphore_mem>>)
        %dma_start3A_479 = arith.constant 1408 : i32
        %dma_start3A_480 = arith.constant 0 : i32
        %dma_start3A_481 = tpu.memref_slice %arg7[%dma_start3A_479, %dma_start3A_480] : memref<1600x32xf32, #tpu.memory_space<vmem>> -> memref<64x32xf32, #tpu.memory_space<vmem>>
        %dma_start3A_482 = arith.constant 1408 : i32
        %dma_start3A_483 = tpu.memref_slice %arg5[%dma_start3A_482] : memref<1664xi32, #tpu.memory_space<vmem>> -> memref<64xi32, #tpu.memory_space<vmem>>
        %dma_start3A_484 = arith.constant 0 : i32
        %dma_start3A_485 = arith.constant 0 : i32
        %dma_start3A_486 = tpu.memref_slice %arg3[%dma_start3A_484, %dma_start3A_485] : memref<1000000x32xf32, #tpu.memory_space<hbm>> -> memref<1000000x32xf32, #tpu.memory_space<hbm>>
        tpu.enqueue_indirect_dma source(%dma_start3A_486 : memref<1000000x32xf32, #tpu.memory_space<hbm>>) target(%dma_start3A_481 : memref<64x32xf32, #tpu.memory_space<vmem>>) offsets(%dma_start3A_483 : memref<64xi32, #tpu.memory_space<vmem>>) semaphore(%arg12 : memref<!tpu.dma_semaphore, #tpu.memory_space<semaphore_mem>>)
        %dma_start3A_487 = arith.constant 1472 : i32
        %dma_start3A_488 = arith.constant 0 : i32
        %dma_start3A_489 = tpu.memref_slice %arg7[%dma_start3A_487, %dma_start3A_488] : memref<1600x32xf32, #tpu.memory_space<vmem>> -> memref<64x32xf32, #tpu.memory_space<vmem>>
        %dma_start3A_490 = arith.constant 1472 : i32
        %dma_start3A_491 = tpu.memref_slice %arg5[%dma_start3A_490] : memref<1664xi32, #tpu.memory_space<vmem>> -> memref<64xi32, #tpu.memory_space<vmem>>
        %dma_start3A_492 = arith.constant 0 : i32
        %dma_start3A_493 = arith.constant 0 : i32
        %dma_start3A_494 = tpu.memref_slice %arg3[%dma_start3A_492, %dma_start3A_493] : memref<1000000x32xf32, #tpu.memory_space<hbm>> -> memref<1000000x32xf32, #tpu.memory_space<hbm>>
        tpu.enqueue_indirect_dma source(%dma_start3A_494 : memref<1000000x32xf32, #tpu.memory_space<hbm>>) target(%dma_start3A_489 : memref<64x32xf32, #tpu.memory_space<vmem>>) offsets(%dma_start3A_491 : memref<64xi32, #tpu.memory_space<vmem>>) semaphore(%arg12 : memref<!tpu.dma_semaphore, #tpu.memory_space<semaphore_mem>>)
        %dma_start3A_495 = arith.constant 1536 : i32
        %dma_start3A_496 = arith.constant 0 : i32
        %dma_start3A_497 = tpu.memref_slice %arg7[%dma_start3A_495, %dma_start3A_496] : memref<1600x32xf32, #tpu.memory_space<vmem>> -> memref<64x32xf32, #tpu.memory_space<vmem>>
        %dma_start3A_498 = arith.constant 1536 : i32
        %dma_start3A_499 = tpu.memref_slice %arg5[%dma_start3A_498] : memref<1664xi32, #tpu.memory_space<vmem>> -> memref<64xi32, #tpu.memory_space<vmem>>
        %dma_start3A_500 = arith.constant 0 : i32
        %dma_start3A_501 = arith.constant 0 : i32
        %dma_start3A_502 = tpu.memref_slice %arg3[%dma_start3A_500, %dma_start3A_501] : memref<1000000x32xf32, #tpu.memory_space<hbm>> -> memref<1000000x32xf32, #tpu.memory_space<hbm>>
        tpu.enqueue_indirect_dma source(%dma_start3A_502 : memref<1000000x32xf32, #tpu.memory_space<hbm>>) target(%dma_start3A_497 : memref<64x32xf32, #tpu.memory_space<vmem>>) offsets(%dma_start3A_499 : memref<64xi32, #tpu.memory_space<vmem>>) semaphore(%arg12 : memref<!tpu.dma_semaphore, #tpu.memory_space<semaphore_mem>>)
      } else {
      }
      %ge3A_271 = arith.constant 2 : i32
      %ge3A_272 = arith.cmpi sge, %add3A_263, %ge3A_271 : i32
      %convert_element_type3A_273 = arith.extui %ge3A_272 : i1 to i32
      %cond3A_274 = arith.constant 0 : i32
      %cond3A_275 = arith.cmpi ne, %convert_element_type3A_273, %cond3A_274 : i32
      scf.if %cond3A_275 {
        %dma_wait3A_296 = arith.constant 0 : i32
        %dma_wait3A_297 = arith.constant 0 : i32
        %dma_wait3A_298 = tpu.memref_slice %arg4[%dma_wait3A_296, %dma_wait3A_297] : memref<16384x32xf32, #tpu.memory_space<hbm>> -> memref<32x32xf32, #tpu.memory_space<hbm>>
        %dma_wait3A_299 = arith.constant 0 : i32
        %dma_wait3A_300 = arith.constant 0 : i32
        %dma_wait3A_301 = tpu.memref_slice %arg4[%dma_wait3A_299, %dma_wait3A_300] : memref<16384x32xf32, #tpu.memory_space<hbm>> -> memref<32x32xf32, #tpu.memory_space<hbm>>
        tpu.wait_dma2 semaphore(%arg15 : memref<!tpu.dma_semaphore, #tpu.memory_space<semaphore_mem>>) src(%dma_wait3A_301 : memref<32x32xf32, #tpu.memory_space<hbm>>) dst(%arg10 : memref<32x32xf32, #tpu.memory_space<vmem>>)
      } else {
      }
      %dma_wait3A_276 = arith.constant 0 : i32
      %dma_wait3A_277 = arith.constant 0 : i32
      %dma_wait3A_278 = tpu.memref_slice %arg3[%dma_wait3A_276, %dma_wait3A_277] : memref<1000000x32xf32, #tpu.memory_space<hbm>> -> memref<1600x32xf32, #tpu.memory_space<hbm>>
      %dma_wait3A_279 = arith.constant 0 : i32
      %dma_wait3A_280 = arith.constant 0 : i32
      %dma_wait3A_281 = tpu.memref_slice %arg3[%dma_wait3A_279, %dma_wait3A_280] : memref<1000000x32xf32, #tpu.memory_space<hbm>> -> memref<1600x32xf32, #tpu.memory_space<hbm>>
      tpu.wait_dma2 semaphore(%arg13 : memref<!tpu.dma_semaphore, #tpu.memory_space<semaphore_mem>>) src(%dma_wait3A_281 : memref<1600x32xf32, #tpu.memory_space<hbm>>) dst(%arg8 : memref<1600x32xf32, #tpu.memory_space<vmem>>)
      %scan3A_282 = arith.constant 0 : i32
      %scan3A_283 = arith.constant 32 : i32
      %scan3A_284 = arith.addi %scan3A_282, %scan3A_283 : i32
      %scan3A_285 = arith.constant 1 : i32
      scf.for %scan3A_296 = %scan3A_282 to %scan3A_284 step %scan3A_285  : i32 {
        %mul3A_297 = arith.constant 1 : i32
        %mul3A_298 = arith.muli %scan3A_296, %mul3A_297 : i32
        %add3A_299 = arith.constant 0 : i32
        %add3A_300 = arith.addi %add3A_299, %mul3A_298 : i32
        %mul3A_301 = arith.constant 50 : i32
        %mul3A_302 = arith.muli %add3A_300, %mul3A_301 : i32
        %add3A_303 = arith.constant 0 : i32
        %add3A_304 = arith.addi %mul3A_302, %add3A_303 : i32
        %get3A_305 = arith.index_cast %add3A_304 : i32 to index
        %get3A_306 = arith.constant 0 : index
        %get3A_307 = tpu.vector_load %arg8[%get3A_305, %get3A_306] {strides = array<i32>} : memref<1600x32xf32, #tpu.memory_space<vmem>>, vector<16xf32>,
        %add3A_308 = arith.constant 1 : i32
        %add3A_309 = arith.addi %mul3A_302, %add3A_308 : i32
        %get3A_310 = arith.index_cast %add3A_309 : i32 to index
        %get3A_311 = arith.constant 0 : index
        %get3A_312 = tpu.vector_load %arg8[%get3A_310, %get3A_311] {strides = array<i32>} : memref<1600x32xf32, #tpu.memory_space<vmem>>, vector<16xf32>,
        %add3A_313 = arith.constant 2 : i32
        %add3A_314 = arith.addi %mul3A_302, %add3A_313 : i32
        %get3A_315 = arith.index_cast %add3A_314 : i32 to index
        %get3A_316 = arith.constant 0 : index
        %get3A_317 = tpu.vector_load %arg8[%get3A_315, %get3A_316] {strides = array<i32>} : memref<1600x32xf32, #tpu.memory_space<vmem>>, vector<16xf32>,
        %add3A_318 = arith.constant 3 : i32
        %add3A_319 = arith.addi %mul3A_302, %add3A_318 : i32
        %get3A_320 = arith.index_cast %add3A_319 : i32 to index
        %get3A_321 = arith.constant 0 : index
        %get3A_322 = tpu.vector_load %arg8[%get3A_320, %get3A_321] {strides = array<i32>} : memref<1600x32xf32, #tpu.memory_space<vmem>>, vector<16xf32>,
        %add3A_323 = arith.constant 4 : i32
        %add3A_324 = arith.addi %mul3A_302, %add3A_323 : i32
        %get3A_325 = arith.index_cast %add3A_324 : i32 to index
        %get3A_326 = arith.constant 0 : index
        %get3A_327 = tpu.vector_load %arg8[%get3A_325, %get3A_326] {strides = array<i32>} : memref<1600x32xf32, #tpu.memory_space<vmem>>, vector<16xf32>,
        %add3A_328 = arith.constant 5 : i32
        %add3A_329 = arith.addi %mul3A_302, %add3A_328 : i32
        %get3A_330 = arith.index_cast %add3A_329 : i32 to index
        %get3A_331 = arith.constant 0 : index
        %get3A_332 = tpu.vector_load %arg8[%get3A_330, %get3A_331] {strides = array<i32>} : memref<1600x32xf32, #tpu.memory_space<vmem>>, vector<16xf32>,
        %add3A_333 = arith.constant 6 : i32
        %add3A_334 = arith.addi %mul3A_302, %add3A_333 : i32
        %get3A_335 = arith.index_cast %add3A_334 : i32 to index
        %get3A_336 = arith.constant 0 : index
        %get3A_337 = tpu.vector_load %arg8[%get3A_335, %get3A_336] {strides = array<i32>} : memref<1600x32xf32, #tpu.memory_space<vmem>>, vector<16xf32>,
        %add3A_338 = arith.constant 7 : i32
        %add3A_339 = arith.addi %mul3A_302, %add3A_338 : i32
        %get3A_340 = arith.index_cast %add3A_339 : i32 to index
        %get3A_341 = arith.constant 0 : index
        %get3A_342 = tpu.vector_load %arg8[%get3A_340, %get3A_341] {strides = array<i32>} : memref<1600x32xf32, #tpu.memory_space<vmem>>, vector<16xf32>,
        %add3A_343 = arith.constant 8 : i32
        %add3A_344 = arith.addi %mul3A_302, %add3A_343 : i32
        %get3A_345 = arith.index_cast %add3A_344 : i32 to index
        %get3A_346 = arith.constant 0 : index
        %get3A_347 = tpu.vector_load %arg8[%get3A_345, %get3A_346] {strides = array<i32>} : memref<1600x32xf32, #tpu.memory_space<vmem>>, vector<16xf32>,
        %add3A_348 = arith.constant 9 : i32
        %add3A_349 = arith.addi %mul3A_302, %add3A_348 : i32
        %get3A_350 = arith.index_cast %add3A_349 : i32 to index
        %get3A_351 = arith.constant 0 : index
        %get3A_352 = tpu.vector_load %arg8[%get3A_350, %get3A_351] {strides = array<i32>} : memref<1600x32xf32, #tpu.memory_space<vmem>>, vector<16xf32>,
        %add3A_353 = arith.constant 10 : i32
        %add3A_354 = arith.addi %mul3A_302, %add3A_353 : i32
        %get3A_355 = arith.index_cast %add3A_354 : i32 to index
        %get3A_356 = arith.constant 0 : index
        %get3A_357 = tpu.vector_load %arg8[%get3A_355, %get3A_356] {strides = array<i32>} : memref<1600x32xf32, #tpu.memory_space<vmem>>, vector<16xf32>,
        %add3A_358 = arith.constant 11 : i32
        %add3A_359 = arith.addi %mul3A_302, %add3A_358 : i32
        %get3A_360 = arith.index_cast %add3A_359 : i32 to index
        %get3A_361 = arith.constant 0 : index
        %get3A_362 = tpu.vector_load %arg8[%get3A_360, %get3A_361] {strides = array<i32>} : memref<1600x32xf32, #tpu.memory_space<vmem>>, vector<16xf32>,
        %add3A_363 = arith.constant 12 : i32
        %add3A_364 = arith.addi %mul3A_302, %add3A_363 : i32
        %get3A_365 = arith.index_cast %add3A_364 : i32 to index
        %get3A_366 = arith.constant 0 : index
        %get3A_367 = tpu.vector_load %arg8[%get3A_365, %get3A_366] {strides = array<i32>} : memref<1600x32xf32, #tpu.memory_space<vmem>>, vector<16xf32>,
        %add3A_368 = arith.constant 13 : i32
        %add3A_369 = arith.addi %mul3A_302, %add3A_368 : i32
        %get3A_370 = arith.index_cast %add3A_369 : i32 to index
        %get3A_371 = arith.constant 0 : index
        %get3A_372 = tpu.vector_load %arg8[%get3A_370, %get3A_371] {strides = array<i32>} : memref<1600x32xf32, #tpu.memory_space<vmem>>, vector<16xf32>,
        %add3A_373 = arith.constant 14 : i32
        %add3A_374 = arith.addi %mul3A_302, %add3A_373 : i32
        %get3A_375 = arith.index_cast %add3A_374 : i32 to index
        %get3A_376 = arith.constant 0 : index
        %get3A_377 = tpu.vector_load %arg8[%get3A_375, %get3A_376] {strides = array<i32>} : memref<1600x32xf32, #tpu.memory_space<vmem>>, vector<16xf32>,
        %add3A_378 = arith.constant 15 : i32
        %add3A_379 = arith.addi %mul3A_302, %add3A_378 : i32
        %get3A_380 = arith.index_cast %add3A_379 : i32 to index
        %get3A_381 = arith.constant 0 : index
        %get3A_382 = tpu.vector_load %arg8[%get3A_380, %get3A_381] {strides = array<i32>} : memref<1600x32xf32, #tpu.memory_space<vmem>>, vector<16xf32>,
        %add3A_383 = arith.constant 16 : i32
        %add3A_384 = arith.addi %mul3A_302, %add3A_383 : i32
        %get3A_385 = arith.index_cast %add3A_384 : i32 to index
        %get3A_386 = arith.constant 0 : index
        %get3A_387 = tpu.vector_load %arg8[%get3A_385, %get3A_386] {strides = array<i32>} : memref<1600x32xf32, #tpu.memory_space<vmem>>, vector<16xf32>,
        %add3A_388 = arith.constant 17 : i32
        %add3A_389 = arith.addi %mul3A_302, %add3A_388 : i32
        %get3A_390 = arith.index_cast %add3A_389 : i32 to index
        %get3A_391 = arith.constant 0 : index
        %get3A_392 = tpu.vector_load %arg8[%get3A_390, %get3A_391] {strides = array<i32>} : memref<1600x32xf32, #tpu.memory_space<vmem>>, vector<16xf32>,
        %add3A_393 = arith.constant 18 : i32
        %add3A_394 = arith.addi %mul3A_302, %add3A_393 : i32
        %get3A_395 = arith.index_cast %add3A_394 : i32 to index
        %get3A_396 = arith.constant 0 : index
        %get3A_397 = tpu.vector_load %arg8[%get3A_395, %get3A_396] {strides = array<i32>} : memref<1600x32xf32, #tpu.memory_space<vmem>>, vector<16xf32>,
        %add3A_398 = arith.constant 19 : i32
        %add3A_399 = arith.addi %mul3A_302, %add3A_398 : i32
        %get3A_400 = arith.index_cast %add3A_399 : i32 to index
        %get3A_401 = arith.constant 0 : index
        %get3A_402 = tpu.vector_load %arg8[%get3A_400, %get3A_401] {strides = array<i32>} : memref<1600x32xf32, #tpu.memory_space<vmem>>, vector<16xf32>,
        %add3A_403 = arith.constant 20 : i32
        %add3A_404 = arith.addi %mul3A_302, %add3A_403 : i32
        %get3A_405 = arith.index_cast %add3A_404 : i32 to index
        %get3A_406 = arith.constant 0 : index
        %get3A_407 = tpu.vector_load %arg8[%get3A_405, %get3A_406] {strides = array<i32>} : memref<1600x32xf32, #tpu.memory_space<vmem>>, vector<16xf32>,
        %add3A_408 = arith.constant 21 : i32
        %add3A_409 = arith.addi %mul3A_302, %add3A_408 : i32
        %get3A_410 = arith.index_cast %add3A_409 : i32 to index
        %get3A_411 = arith.constant 0 : index
        %get3A_412 = tpu.vector_load %arg8[%get3A_410, %get3A_411] {strides = array<i32>} : memref<1600x32xf32, #tpu.memory_space<vmem>>, vector<16xf32>,
        %add3A_413 = arith.constant 22 : i32
        %add3A_414 = arith.addi %mul3A_302, %add3A_413 : i32
        %get3A_415 = arith.index_cast %add3A_414 : i32 to index
        %get3A_416 = arith.constant 0 : index
        %get3A_417 = tpu.vector_load %arg8[%get3A_415, %get3A_416] {strides = array<i32>} : memref<1600x32xf32, #tpu.memory_space<vmem>>, vector<16xf32>,
        %add3A_418 = arith.constant 23 : i32
        %add3A_419 = arith.addi %mul3A_302, %add3A_418 : i32
        %get3A_420 = arith.index_cast %add3A_419 : i32 to index
        %get3A_421 = arith.constant 0 : index
        %get3A_422 = tpu.vector_load %arg8[%get3A_420, %get3A_421] {strides = array<i32>} : memref<1600x32xf32, #tpu.memory_space<vmem>>, vector<16xf32>,
        %add3A_423 = arith.constant 24 : i32
        %add3A_424 = arith.addi %mul3A_302, %add3A_423 : i32
        %get3A_425 = arith.index_cast %add3A_424 : i32 to index
        %get3A_426 = arith.constant 0 : index
        %get3A_427 = tpu.vector_load %arg8[%get3A_425, %get3A_426] {strides = array<i32>} : memref<1600x32xf32, #tpu.memory_space<vmem>>, vector<16xf32>,
        %add3A_428 = arith.constant 25 : i32
        %add3A_429 = arith.addi %mul3A_302, %add3A_428 : i32
        %get3A_430 = arith.index_cast %add3A_429 : i32 to index
        %get3A_431 = arith.constant 0 : index
        %get3A_432 = tpu.vector_load %arg8[%get3A_430, %get3A_431] {strides = array<i32>} : memref<1600x32xf32, #tpu.memory_space<vmem>>, vector<16xf32>,
        %add3A_433 = arith.constant 26 : i32
        %add3A_434 = arith.addi %mul3A_302, %add3A_433 : i32
        %get3A_435 = arith.index_cast %add3A_434 : i32 to index
        %get3A_436 = arith.constant 0 : index
        %get3A_437 = tpu.vector_load %arg8[%get3A_435, %get3A_436] {strides = array<i32>} : memref<1600x32xf32, #tpu.memory_space<vmem>>, vector<16xf32>,
        %add3A_438 = arith.constant 27 : i32
        %add3A_439 = arith.addi %mul3A_302, %add3A_438 : i32
        %get3A_440 = arith.index_cast %add3A_439 : i32 to index
        %get3A_441 = arith.constant 0 : index
        %get3A_442 = tpu.vector_load %arg8[%get3A_440, %get3A_441] {strides = array<i32>} : memref<1600x32xf32, #tpu.memory_space<vmem>>, vector<16xf32>,
        %add3A_443 = arith.constant 28 : i32
        %add3A_444 = arith.addi %mul3A_302, %add3A_443 : i32
        %get3A_445 = arith.index_cast %add3A_444 : i32 to index
        %get3A_446 = arith.constant 0 : index
        %get3A_447 = tpu.vector_load %arg8[%get3A_445, %get3A_446] {strides = array<i32>} : memref<1600x32xf32, #tpu.memory_space<vmem>>, vector<16xf32>,
        %add3A_448 = arith.constant 29 : i32
        %add3A_449 = arith.addi %mul3A_302, %add3A_448 : i32
        %get3A_450 = arith.index_cast %add3A_449 : i32 to index
        %get3A_451 = arith.constant 0 : index
        %get3A_452 = tpu.vector_load %arg8[%get3A_450, %get3A_451] {strides = array<i32>} : memref<1600x32xf32, #tpu.memory_space<vmem>>, vector<16xf32>,
        %add3A_453 = arith.constant 30 : i32
        %add3A_454 = arith.addi %mul3A_302, %add3A_453 : i32
        %get3A_455 = arith.index_cast %add3A_454 : i32 to index
        %get3A_456 = arith.constant 0 : index
        %get3A_457 = tpu.vector_load %arg8[%get3A_455, %get3A_456] {strides = array<i32>} : memref<1600x32xf32, #tpu.memory_space<vmem>>, vector<16xf32>,
        %add3A_458 = arith.constant 31 : i32
        %add3A_459 = arith.addi %mul3A_302, %add3A_458 : i32
        %get3A_460 = arith.index_cast %add3A_459 : i32 to index
        %get3A_461 = arith.constant 0 : index
        %get3A_462 = tpu.vector_load %arg8[%get3A_460, %get3A_461] {strides = array<i32>} : memref<1600x32xf32, #tpu.memory_space<vmem>>, vector<16xf32>,
        %add3A_463 = arith.constant 32 : i32
        %add3A_464 = arith.addi %mul3A_302, %add3A_463 : i32
        %get3A_465 = arith.index_cast %add3A_464 : i32 to index
        %get3A_466 = arith.constant 0 : index
        %get3A_467 = tpu.vector_load %arg8[%get3A_465, %get3A_466] {strides = array<i32>} : memref<1600x32xf32, #tpu.memory_space<vmem>>, vector<16xf32>,
        %add3A_468 = arith.constant 33 : i32
        %add3A_469 = arith.addi %mul3A_302, %add3A_468 : i32
        %get3A_470 = arith.index_cast %add3A_469 : i32 to index
        %get3A_471 = arith.constant 0 : index
        %get3A_472 = tpu.vector_load %arg8[%get3A_470, %get3A_471] {strides = array<i32>} : memref<1600x32xf32, #tpu.memory_space<vmem>>, vector<16xf32>,
        %add3A_473 = arith.constant 34 : i32
        %add3A_474 = arith.addi %mul3A_302, %add3A_473 : i32
        %get3A_475 = arith.index_cast %add3A_474 : i32 to index
        %get3A_476 = arith.constant 0 : index
        %get3A_477 = tpu.vector_load %arg8[%get3A_475, %get3A_476] {strides = array<i32>} : memref<1600x32xf32, #tpu.memory_space<vmem>>, vector<16xf32>,
        %add3A_478 = arith.constant 35 : i32
        %add3A_479 = arith.addi %mul3A_302, %add3A_478 : i32
        %get3A_480 = arith.index_cast %add3A_479 : i32 to index
        %get3A_481 = arith.constant 0 : index
        %get3A_482 = tpu.vector_load %arg8[%get3A_480, %get3A_481] {strides = array<i32>} : memref<1600x32xf32, #tpu.memory_space<vmem>>, vector<16xf32>,
        %add3A_483 = arith.constant 36 : i32
        %add3A_484 = arith.addi %mul3A_302, %add3A_483 : i32
        %get3A_485 = arith.index_cast %add3A_484 : i32 to index
        %get3A_486 = arith.constant 0 : index
        %get3A_487 = tpu.vector_load %arg8[%get3A_485, %get3A_486] {strides = array<i32>} : memref<1600x32xf32, #tpu.memory_space<vmem>>, vector<16xf32>,
        %add3A_488 = arith.constant 37 : i32
        %add3A_489 = arith.addi %mul3A_302, %add3A_488 : i32
        %get3A_490 = arith.index_cast %add3A_489 : i32 to index
        %get3A_491 = arith.constant 0 : index
        %get3A_492 = tpu.vector_load %arg8[%get3A_490, %get3A_491] {strides = array<i32>} : memref<1600x32xf32, #tpu.memory_space<vmem>>, vector<16xf32>,
        %add3A_493 = arith.constant 38 : i32
        %add3A_494 = arith.addi %mul3A_302, %add3A_493 : i32
        %get3A_495 = arith.index_cast %add3A_494 : i32 to index
        %get3A_496 = arith.constant 0 : index
        %get3A_497 = tpu.vector_load %arg8[%get3A_495, %get3A_496] {strides = array<i32>} : memref<1600x32xf32, #tpu.memory_space<vmem>>, vector<16xf32>,
        %add3A_498 = arith.constant 39 : i32
        %add3A_499 = arith.addi %mul3A_302, %add3A_498 : i32
        %get3A_500 = arith.index_cast %add3A_499 : i32 to index
        %get3A_501 = arith.constant 0 : index
        %get3A_502 = tpu.vector_load %arg8[%get3A_500, %get3A_501] {strides = array<i32>} : memref<1600x32xf32, #tpu.memory_space<vmem>>, vector<16xf32>,
        %add3A_503 = arith.constant 40 : i32
        %add3A_504 = arith.addi %mul3A_302, %add3A_503 : i32
        %get3A_505 = arith.index_cast %add3A_504 : i32 to index
        %get3A_506 = arith.constant 0 : index
        %get3A_507 = tpu.vector_load %arg8[%get3A_505, %get3A_506] {strides = array<i32>} : memref<1600x32xf32, #tpu.memory_space<vmem>>, vector<16xf32>,
        %add3A_508 = arith.constant 41 : i32
        %add3A_509 = arith.addi %mul3A_302, %add3A_508 : i32
        %get3A_510 = arith.index_cast %add3A_509 : i32 to index
        %get3A_511 = arith.constant 0 : index
        %get3A_512 = tpu.vector_load %arg8[%get3A_510, %get3A_511] {strides = array<i32>} : memref<1600x32xf32, #tpu.memory_space<vmem>>, vector<16xf32>,
        %add3A_513 = arith.constant 42 : i32
        %add3A_514 = arith.addi %mul3A_302, %add3A_513 : i32
        %get3A_515 = arith.index_cast %add3A_514 : i32 to index
        %get3A_516 = arith.constant 0 : index
        %get3A_517 = tpu.vector_load %arg8[%get3A_515, %get3A_516] {strides = array<i32>} : memref<1600x32xf32, #tpu.memory_space<vmem>>, vector<16xf32>,
        %add3A_518 = arith.constant 43 : i32
        %add3A_519 = arith.addi %mul3A_302, %add3A_518 : i32
        %get3A_520 = arith.index_cast %add3A_519 : i32 to index
        %get3A_521 = arith.constant 0 : index
        %get3A_522 = tpu.vector_load %arg8[%get3A_520, %get3A_521] {strides = array<i32>} : memref<1600x32xf32, #tpu.memory_space<vmem>>, vector<16xf32>,
        %add3A_523 = arith.constant 44 : i32
        %add3A_524 = arith.addi %mul3A_302, %add3A_523 : i32
        %get3A_525 = arith.index_cast %add3A_524 : i32 to index
        %get3A_526 = arith.constant 0 : index
        %get3A_527 = tpu.vector_load %arg8[%get3A_525, %get3A_526] {strides = array<i32>} : memref<1600x32xf32, #tpu.memory_space<vmem>>, vector<16xf32>,
        %add3A_528 = arith.constant 45 : i32
        %add3A_529 = arith.addi %mul3A_302, %add3A_528 : i32
        %get3A_530 = arith.index_cast %add3A_529 : i32 to index
        %get3A_531 = arith.constant 0 : index
        %get3A_532 = tpu.vector_load %arg8[%get3A_530, %get3A_531] {strides = array<i32>} : memref<1600x32xf32, #tpu.memory_space<vmem>>, vector<16xf32>,
        %add3A_533 = arith.constant 46 : i32
        %add3A_534 = arith.addi %mul3A_302, %add3A_533 : i32
        %get3A_535 = arith.index_cast %add3A_534 : i32 to index
        %get3A_536 = arith.constant 0 : index
        %get3A_537 = tpu.vector_load %arg8[%get3A_535, %get3A_536] {strides = array<i32>} : memref<1600x32xf32, #tpu.memory_space<vmem>>, vector<16xf32>,
        %add3A_538 = arith.constant 47 : i32
        %add3A_539 = arith.addi %mul3A_302, %add3A_538 : i32
        %get3A_540 = arith.index_cast %add3A_539 : i32 to index
        %get3A_541 = arith.constant 0 : index
        %get3A_542 = tpu.vector_load %arg8[%get3A_540, %get3A_541] {strides = array<i32>} : memref<1600x32xf32, #tpu.memory_space<vmem>>, vector<16xf32>,
        %add3A_543 = arith.constant 48 : i32
        %add3A_544 = arith.addi %mul3A_302, %add3A_543 : i32
        %get3A_545 = arith.index_cast %add3A_544 : i32 to index
        %get3A_546 = arith.constant 0 : index
        %get3A_547 = tpu.vector_load %arg8[%get3A_545, %get3A_546] {strides = array<i32>} : memref<1600x32xf32, #tpu.memory_space<vmem>>, vector<16xf32>,
        %add3A_548 = arith.constant 49 : i32
        %add3A_549 = arith.addi %mul3A_302, %add3A_548 : i32
        %get3A_550 = arith.index_cast %add3A_549 : i32 to index
        %get3A_551 = arith.constant 0 : index
        %get3A_552 = tpu.vector_load %arg8[%get3A_550, %get3A_551] {strides = array<i32>} : memref<1600x32xf32, #tpu.memory_space<vmem>>, vector<16xf32>,
        %add3A_553 = arith.constant 0 : i32
        %add3A_554 = arith.addi %mul3A_302, %add3A_553 : i32
        %get3A_555 = arith.index_cast %add3A_554 : i32 to index
        %get3A_556 = arith.constant 16 : index
        %get3A_557 = tpu.vector_load %arg8[%get3A_555, %get3A_556] {strides = array<i32>} : memref<1600x32xf32, #tpu.memory_space<vmem>>, vector<16xf32>,
        %add3A_558 = arith.constant 1 : i32
        %add3A_559 = arith.addi %mul3A_302, %add3A_558 : i32
        %get3A_560 = arith.index_cast %add3A_559 : i32 to index
        %get3A_561 = arith.constant 16 : index
        %get3A_562 = tpu.vector_load %arg8[%get3A_560, %get3A_561] {strides = array<i32>} : memref<1600x32xf32, #tpu.memory_space<vmem>>, vector<16xf32>,
        %add3A_563 = arith.constant 2 : i32
        %add3A_564 = arith.addi %mul3A_302, %add3A_563 : i32
        %get3A_565 = arith.index_cast %add3A_564 : i32 to index
        %get3A_566 = arith.constant 16 : index
        %get3A_567 = tpu.vector_load %arg8[%get3A_565, %get3A_566] {strides = array<i32>} : memref<1600x32xf32, #tpu.memory_space<vmem>>, vector<16xf32>,
        %add3A_568 = arith.constant 3 : i32
        %add3A_569 = arith.addi %mul3A_302, %add3A_568 : i32
        %get3A_570 = arith.index_cast %add3A_569 : i32 to index
        %get3A_571 = arith.constant 16 : index
        %get3A_572 = tpu.vector_load %arg8[%get3A_570, %get3A_571] {strides = array<i32>} : memref<1600x32xf32, #tpu.memory_space<vmem>>, vector<16xf32>,
        %add3A_573 = arith.constant 4 : i32
        %add3A_574 = arith.addi %mul3A_302, %add3A_573 : i32
        %get3A_575 = arith.index_cast %add3A_574 : i32 to index
        %get3A_576 = arith.constant 16 : index
        %get3A_577 = tpu.vector_load %arg8[%get3A_575, %get3A_576] {strides = array<i32>} : memref<1600x32xf32, #tpu.memory_space<vmem>>, vector<16xf32>,
        %add3A_578 = arith.constant 5 : i32
        %add3A_579 = arith.addi %mul3A_302, %add3A_578 : i32
        %get3A_580 = arith.index_cast %add3A_579 : i32 to index
        %get3A_581 = arith.constant 16 : index
        %get3A_582 = tpu.vector_load %arg8[%get3A_580, %get3A_581] {strides = array<i32>} : memref<1600x32xf32, #tpu.memory_space<vmem>>, vector<16xf32>,
        %add3A_583 = arith.constant 6 : i32
        %add3A_584 = arith.addi %mul3A_302, %add3A_583 : i32
        %get3A_585 = arith.index_cast %add3A_584 : i32 to index
        %get3A_586 = arith.constant 16 : index
        %get3A_587 = tpu.vector_load %arg8[%get3A_585, %get3A_586] {strides = array<i32>} : memref<1600x32xf32, #tpu.memory_space<vmem>>, vector<16xf32>,
        %add3A_588 = arith.constant 7 : i32
        %add3A_589 = arith.addi %mul3A_302, %add3A_588 : i32
        %get3A_590 = arith.index_cast %add3A_589 : i32 to index
        %get3A_591 = arith.constant 16 : index
        %get3A_592 = tpu.vector_load %arg8[%get3A_590, %get3A_591] {strides = array<i32>} : memref<1600x32xf32, #tpu.memory_space<vmem>>, vector<16xf32>,
        %add3A_593 = arith.constant 8 : i32
        %add3A_594 = arith.addi %mul3A_302, %add3A_593 : i32
        %get3A_595 = arith.index_cast %add3A_594 : i32 to index
        %get3A_596 = arith.constant 16 : index
        %get3A_597 = tpu.vector_load %arg8[%get3A_595, %get3A_596] {strides = array<i32>} : memref<1600x32xf32, #tpu.memory_space<vmem>>, vector<16xf32>,
        %add3A_598 = arith.constant 9 : i32
        %add3A_599 = arith.addi %mul3A_302, %add3A_598 : i32
        %get3A_600 = arith.index_cast %add3A_599 : i32 to index
        %get3A_601 = arith.constant 16 : index
        %get3A_602 = tpu.vector_load %arg8[%get3A_600, %get3A_601] {strides = array<i32>} : memref<1600x32xf32, #tpu.memory_space<vmem>>, vector<16xf32>,
        %add3A_603 = arith.constant 10 : i32
        %add3A_604 = arith.addi %mul3A_302, %add3A_603 : i32
        %get3A_605 = arith.index_cast %add3A_604 : i32 to index
        %get3A_606 = arith.constant 16 : index
        %get3A_607 = tpu.vector_load %arg8[%get3A_605, %get3A_606] {strides = array<i32>} : memref<1600x32xf32, #tpu.memory_space<vmem>>, vector<16xf32>,
        %add3A_608 = arith.constant 11 : i32
        %add3A_609 = arith.addi %mul3A_302, %add3A_608 : i32
        %get3A_610 = arith.index_cast %add3A_609 : i32 to index
        %get3A_611 = arith.constant 16 : index
        %get3A_612 = tpu.vector_load %arg8[%get3A_610, %get3A_611] {strides = array<i32>} : memref<1600x32xf32, #tpu.memory_space<vmem>>, vector<16xf32>,
        %add3A_613 = arith.constant 12 : i32
        %add3A_614 = arith.addi %mul3A_302, %add3A_613 : i32
        %get3A_615 = arith.index_cast %add3A_614 : i32 to index
        %get3A_616 = arith.constant 16 : index
        %get3A_617 = tpu.vector_load %arg8[%get3A_615, %get3A_616] {strides = array<i32>} : memref<1600x32xf32, #tpu.memory_space<vmem>>, vector<16xf32>,
        %add3A_618 = arith.constant 13 : i32
        %add3A_619 = arith.addi %mul3A_302, %add3A_618 : i32
        %get3A_620 = arith.index_cast %add3A_619 : i32 to index
        %get3A_621 = arith.constant 16 : index
        %get3A_622 = tpu.vector_load %arg8[%get3A_620, %get3A_621] {strides = array<i32>} : memref<1600x32xf32, #tpu.memory_space<vmem>>, vector<16xf32>,
        %add3A_623 = arith.constant 14 : i32
        %add3A_624 = arith.addi %mul3A_302, %add3A_623 : i32
        %get3A_625 = arith.index_cast %add3A_624 : i32 to index
        %get3A_626 = arith.constant 16 : index
        %get3A_627 = tpu.vector_load %arg8[%get3A_625, %get3A_626] {strides = array<i32>} : memref<1600x32xf32, #tpu.memory_space<vmem>>, vector<16xf32>,
        %add3A_628 = arith.constant 15 : i32
        %add3A_629 = arith.addi %mul3A_302, %add3A_628 : i32
        %get3A_630 = arith.index_cast %add3A_629 : i32 to index
        %get3A_631 = arith.constant 16 : index
        %get3A_632 = tpu.vector_load %arg8[%get3A_630, %get3A_631] {strides = array<i32>} : memref<1600x32xf32, #tpu.memory_space<vmem>>, vector<16xf32>,
        %add3A_633 = arith.constant 16 : i32
        %add3A_634 = arith.addi %mul3A_302, %add3A_633 : i32
        %get3A_635 = arith.index_cast %add3A_634 : i32 to index
        %get3A_636 = arith.constant 16 : index
        %get3A_637 = tpu.vector_load %arg8[%get3A_635, %get3A_636] {strides = array<i32>} : memref<1600x32xf32, #tpu.memory_space<vmem>>, vector<16xf32>,
        %add3A_638 = arith.constant 17 : i32
        %add3A_639 = arith.addi %mul3A_302, %add3A_638 : i32
        %get3A_640 = arith.index_cast %add3A_639 : i32 to index
        %get3A_641 = arith.constant 16 : index
        %get3A_642 = tpu.vector_load %arg8[%get3A_640, %get3A_641] {strides = array<i32>} : memref<1600x32xf32, #tpu.memory_space<vmem>>, vector<16xf32>,
        %add3A_643 = arith.constant 18 : i32
        %add3A_644 = arith.addi %mul3A_302, %add3A_643 : i32
        %get3A_645 = arith.index_cast %add3A_644 : i32 to index
        %get3A_646 = arith.constant 16 : index
        %get3A_647 = tpu.vector_load %arg8[%get3A_645, %get3A_646] {strides = array<i32>} : memref<1600x32xf32, #tpu.memory_space<vmem>>, vector<16xf32>,
        %add3A_648 = arith.constant 19 : i32
        %add3A_649 = arith.addi %mul3A_302, %add3A_648 : i32
        %get3A_650 = arith.index_cast %add3A_649 : i32 to index
        %get3A_651 = arith.constant 16 : index
        %get3A_652 = tpu.vector_load %arg8[%get3A_650, %get3A_651] {strides = array<i32>} : memref<1600x32xf32, #tpu.memory_space<vmem>>, vector<16xf32>,
        %add3A_653 = arith.constant 20 : i32
        %add3A_654 = arith.addi %mul3A_302, %add3A_653 : i32
        %get3A_655 = arith.index_cast %add3A_654 : i32 to index
        %get3A_656 = arith.constant 16 : index
        %get3A_657 = tpu.vector_load %arg8[%get3A_655, %get3A_656] {strides = array<i32>} : memref<1600x32xf32, #tpu.memory_space<vmem>>, vector<16xf32>,
        %add3A_658 = arith.constant 21 : i32
        %add3A_659 = arith.addi %mul3A_302, %add3A_658 : i32
        %get3A_660 = arith.index_cast %add3A_659 : i32 to index
        %get3A_661 = arith.constant 16 : index
        %get3A_662 = tpu.vector_load %arg8[%get3A_660, %get3A_661] {strides = array<i32>} : memref<1600x32xf32, #tpu.memory_space<vmem>>, vector<16xf32>,
        %add3A_663 = arith.constant 22 : i32
        %add3A_664 = arith.addi %mul3A_302, %add3A_663 : i32
        %get3A_665 = arith.index_cast %add3A_664 : i32 to index
        %get3A_666 = arith.constant 16 : index
        %get3A_667 = tpu.vector_load %arg8[%get3A_665, %get3A_666] {strides = array<i32>} : memref<1600x32xf32, #tpu.memory_space<vmem>>, vector<16xf32>,
        %add3A_668 = arith.constant 23 : i32
        %add3A_669 = arith.addi %mul3A_302, %add3A_668 : i32
        %get3A_670 = arith.index_cast %add3A_669 : i32 to index
        %get3A_671 = arith.constant 16 : index
        %get3A_672 = tpu.vector_load %arg8[%get3A_670, %get3A_671] {strides = array<i32>} : memref<1600x32xf32, #tpu.memory_space<vmem>>, vector<16xf32>,
        %add3A_673 = arith.constant 24 : i32
        %add3A_674 = arith.addi %mul3A_302, %add3A_673 : i32
        %get3A_675 = arith.index_cast %add3A_674 : i32 to index
        %get3A_676 = arith.constant 16 : index
        %get3A_677 = tpu.vector_load %arg8[%get3A_675, %get3A_676] {strides = array<i32>} : memref<1600x32xf32, #tpu.memory_space<vmem>>, vector<16xf32>,
        %add3A_678 = arith.constant 25 : i32
        %add3A_679 = arith.addi %mul3A_302, %add3A_678 : i32
        %get3A_680 = arith.index_cast %add3A_679 : i32 to index
        %get3A_681 = arith.constant 16 : index
        %get3A_682 = tpu.vector_load %arg8[%get3A_680, %get3A_681] {strides = array<i32>} : memref<1600x32xf32, #tpu.memory_space<vmem>>, vector<16xf32>,
        %add3A_683 = arith.constant 26 : i32
        %add3A_684 = arith.addi %mul3A_302, %add3A_683 : i32
        %get3A_685 = arith.index_cast %add3A_684 : i32 to index
        %get3A_686 = arith.constant 16 : index
        %get3A_687 = tpu.vector_load %arg8[%get3A_685, %get3A_686] {strides = array<i32>} : memref<1600x32xf32, #tpu.memory_space<vmem>>, vector<16xf32>,
        %add3A_688 = arith.constant 27 : i32
        %add3A_689 = arith.addi %mul3A_302, %add3A_688 : i32
        %get3A_690 = arith.index_cast %add3A_689 : i32 to index
        %get3A_691 = arith.constant 16 : index
        %get3A_692 = tpu.vector_load %arg8[%get3A_690, %get3A_691] {strides = array<i32>} : memref<1600x32xf32, #tpu.memory_space<vmem>>, vector<16xf32>,
        %add3A_693 = arith.constant 28 : i32
        %add3A_694 = arith.addi %mul3A_302, %add3A_693 : i32
        %get3A_695 = arith.index_cast %add3A_694 : i32 to index
        %get3A_696 = arith.constant 16 : index
        %get3A_697 = tpu.vector_load %arg8[%get3A_695, %get3A_696] {strides = array<i32>} : memref<1600x32xf32, #tpu.memory_space<vmem>>, vector<16xf32>,
        %add3A_698 = arith.constant 29 : i32
        %add3A_699 = arith.addi %mul3A_302, %add3A_698 : i32
        %get3A_700 = arith.index_cast %add3A_699 : i32 to index
        %get3A_701 = arith.constant 16 : index
        %get3A_702 = tpu.vector_load %arg8[%get3A_700, %get3A_701] {strides = array<i32>} : memref<1600x32xf32, #tpu.memory_space<vmem>>, vector<16xf32>,
        %add3A_703 = arith.constant 30 : i32
        %add3A_704 = arith.addi %mul3A_302, %add3A_703 : i32
        %get3A_705 = arith.index_cast %add3A_704 : i32 to index
        %get3A_706 = arith.constant 16 : index
        %get3A_707 = tpu.vector_load %arg8[%get3A_705, %get3A_706] {strides = array<i32>} : memref<1600x32xf32, #tpu.memory_space<vmem>>, vector<16xf32>,
        %add3A_708 = arith.constant 31 : i32
        %add3A_709 = arith.addi %mul3A_302, %add3A_708 : i32
        %get3A_710 = arith.index_cast %add3A_709 : i32 to index
        %get3A_711 = arith.constant 16 : index
        %get3A_712 = tpu.vector_load %arg8[%get3A_710, %get3A_711] {strides = array<i32>} : memref<1600x32xf32, #tpu.memory_space<vmem>>, vector<16xf32>,
        %add3A_713 = arith.constant 32 : i32
        %add3A_714 = arith.addi %mul3A_302, %add3A_713 : i32
        %get3A_715 = arith.index_cast %add3A_714 : i32 to index
        %get3A_716 = arith.constant 16 : index
        %get3A_717 = tpu.vector_load %arg8[%get3A_715, %get3A_716] {strides = array<i32>} : memref<1600x32xf32, #tpu.memory_space<vmem>>, vector<16xf32>,
        %add3A_718 = arith.constant 33 : i32
        %add3A_719 = arith.addi %mul3A_302, %add3A_718 : i32
        %get3A_720 = arith.index_cast %add3A_719 : i32 to index
        %get3A_721 = arith.constant 16 : index
        %get3A_722 = tpu.vector_load %arg8[%get3A_720, %get3A_721] {strides = array<i32>} : memref<1600x32xf32, #tpu.memory_space<vmem>>, vector<16xf32>,
        %add3A_723 = arith.constant 34 : i32
        %add3A_724 = arith.addi %mul3A_302, %add3A_723 : i32
        %get3A_725 = arith.index_cast %add3A_724 : i32 to index
        %get3A_726 = arith.constant 16 : index
        %get3A_727 = tpu.vector_load %arg8[%get3A_725, %get3A_726] {strides = array<i32>} : memref<1600x32xf32, #tpu.memory_space<vmem>>, vector<16xf32>,
        %add3A_728 = arith.constant 35 : i32
        %add3A_729 = arith.addi %mul3A_302, %add3A_728 : i32
        %get3A_730 = arith.index_cast %add3A_729 : i32 to index
        %get3A_731 = arith.constant 16 : index
        %get3A_732 = tpu.vector_load %arg8[%get3A_730, %get3A_731] {strides = array<i32>} : memref<1600x32xf32, #tpu.memory_space<vmem>>, vector<16xf32>,
        %add3A_733 = arith.constant 36 : i32
        %add3A_734 = arith.addi %mul3A_302, %add3A_733 : i32
        %get3A_735 = arith.index_cast %add3A_734 : i32 to index
        %get3A_736 = arith.constant 16 : index
        %get3A_737 = tpu.vector_load %arg8[%get3A_735, %get3A_736] {strides = array<i32>} : memref<1600x32xf32, #tpu.memory_space<vmem>>, vector<16xf32>,
        %add3A_738 = arith.constant 37 : i32
        %add3A_739 = arith.addi %mul3A_302, %add3A_738 : i32
        %get3A_740 = arith.index_cast %add3A_739 : i32 to index
        %get3A_741 = arith.constant 16 : index
        %get3A_742 = tpu.vector_load %arg8[%get3A_740, %get3A_741] {strides = array<i32>} : memref<1600x32xf32, #tpu.memory_space<vmem>>, vector<16xf32>,
        %add3A_743 = arith.constant 38 : i32
        %add3A_744 = arith.addi %mul3A_302, %add3A_743 : i32
        %get3A_745 = arith.index_cast %add3A_744 : i32 to index
        %get3A_746 = arith.constant 16 : index
        %get3A_747 = tpu.vector_load %arg8[%get3A_745, %get3A_746] {strides = array<i32>} : memref<1600x32xf32, #tpu.memory_space<vmem>>, vector<16xf32>,
        %add3A_748 = arith.constant 39 : i32
        %add3A_749 = arith.addi %mul3A_302, %add3A_748 : i32
        %get3A_750 = arith.index_cast %add3A_749 : i32 to index
        %get3A_751 = arith.constant 16 : index
        %get3A_752 = tpu.vector_load %arg8[%get3A_750, %get3A_751] {strides = array<i32>} : memref<1600x32xf32, #tpu.memory_space<vmem>>, vector<16xf32>,
        %add3A_753 = arith.constant 40 : i32
        %add3A_754 = arith.addi %mul3A_302, %add3A_753 : i32
        %get3A_755 = arith.index_cast %add3A_754 : i32 to index
        %get3A_756 = arith.constant 16 : index
        %get3A_757 = tpu.vector_load %arg8[%get3A_755, %get3A_756] {strides = array<i32>} : memref<1600x32xf32, #tpu.memory_space<vmem>>, vector<16xf32>,
        %add3A_758 = arith.constant 41 : i32
        %add3A_759 = arith.addi %mul3A_302, %add3A_758 : i32
        %get3A_760 = arith.index_cast %add3A_759 : i32 to index
        %get3A_761 = arith.constant 16 : index
        %get3A_762 = tpu.vector_load %arg8[%get3A_760, %get3A_761] {strides = array<i32>} : memref<1600x32xf32, #tpu.memory_space<vmem>>, vector<16xf32>,
        %add3A_763 = arith.constant 42 : i32
        %add3A_764 = arith.addi %mul3A_302, %add3A_763 : i32
        %get3A_765 = arith.index_cast %add3A_764 : i32 to index
        %get3A_766 = arith.constant 16 : index
        %get3A_767 = tpu.vector_load %arg8[%get3A_765, %get3A_766] {strides = array<i32>} : memref<1600x32xf32, #tpu.memory_space<vmem>>, vector<16xf32>,
        %add3A_768 = arith.constant 43 : i32
        %add3A_769 = arith.addi %mul3A_302, %add3A_768 : i32
        %get3A_770 = arith.index_cast %add3A_769 : i32 to index
        %get3A_771 = arith.constant 16 : index
        %get3A_772 = tpu.vector_load %arg8[%get3A_770, %get3A_771] {strides = array<i32>} : memref<1600x32xf32, #tpu.memory_space<vmem>>, vector<16xf32>,
        %add3A_773 = arith.constant 44 : i32
        %add3A_774 = arith.addi %mul3A_302, %add3A_773 : i32
        %get3A_775 = arith.index_cast %add3A_774 : i32 to index
        %get3A_776 = arith.constant 16 : index
        %get3A_777 = tpu.vector_load %arg8[%get3A_775, %get3A_776] {strides = array<i32>} : memref<1600x32xf32, #tpu.memory_space<vmem>>, vector<16xf32>,
        %add3A_778 = arith.constant 45 : i32
        %add3A_779 = arith.addi %mul3A_302, %add3A_778 : i32
        %get3A_780 = arith.index_cast %add3A_779 : i32 to index
        %get3A_781 = arith.constant 16 : index
        %get3A_782 = tpu.vector_load %arg8[%get3A_780, %get3A_781] {strides = array<i32>} : memref<1600x32xf32, #tpu.memory_space<vmem>>, vector<16xf32>,
        %add3A_783 = arith.constant 46 : i32
        %add3A_784 = arith.addi %mul3A_302, %add3A_783 : i32
        %get3A_785 = arith.index_cast %add3A_784 : i32 to index
        %get3A_786 = arith.constant 16 : index
        %get3A_787 = tpu.vector_load %arg8[%get3A_785, %get3A_786] {strides = array<i32>} : memref<1600x32xf32, #tpu.memory_space<vmem>>, vector<16xf32>,
        %add3A_788 = arith.constant 47 : i32
        %add3A_789 = arith.addi %mul3A_302, %add3A_788 : i32
        %get3A_790 = arith.index_cast %add3A_789 : i32 to index
        %get3A_791 = arith.constant 16 : index
        %get3A_792 = tpu.vector_load %arg8[%get3A_790, %get3A_791] {strides = array<i32>} : memref<1600x32xf32, #tpu.memory_space<vmem>>, vector<16xf32>,
        %add3A_793 = arith.constant 48 : i32
        %add3A_794 = arith.addi %mul3A_302, %add3A_793 : i32
        %get3A_795 = arith.index_cast %add3A_794 : i32 to index
        %get3A_796 = arith.constant 16 : index
        %get3A_797 = tpu.vector_load %arg8[%get3A_795, %get3A_796] {strides = array<i32>} : memref<1600x32xf32, #tpu.memory_space<vmem>>, vector<16xf32>,
        %add3A_798 = arith.constant 49 : i32
        %add3A_799 = arith.addi %mul3A_302, %add3A_798 : i32
        %get3A_800 = arith.index_cast %add3A_799 : i32 to index
        %get3A_801 = arith.constant 16 : index
        %get3A_802 = tpu.vector_load %arg8[%get3A_800, %get3A_801] {strides = array<i32>} : memref<1600x32xf32, #tpu.memory_space<vmem>>, vector<16xf32>,
        %add3A_803 = arith.addf %get3A_307, %get3A_312 : vector<16xf32>
        %add3A_804 = arith.addf %get3A_317, %get3A_322 : vector<16xf32>
        %add3A_805 = arith.addf %get3A_327, %get3A_332 : vector<16xf32>
        %add3A_806 = arith.addf %get3A_337, %get3A_342 : vector<16xf32>
        %add3A_807 = arith.addf %get3A_347, %get3A_352 : vector<16xf32>
        %add3A_808 = arith.addf %get3A_357, %get3A_362 : vector<16xf32>
        %add3A_809 = arith.addf %get3A_367, %get3A_372 : vector<16xf32>
        %add3A_810 = arith.addf %get3A_377, %get3A_382 : vector<16xf32>
        %add3A_811 = arith.addf %get3A_387, %get3A_392 : vector<16xf32>
        %add3A_812 = arith.addf %get3A_397, %get3A_402 : vector<16xf32>
        %add3A_813 = arith.addf %get3A_407, %get3A_412 : vector<16xf32>
        %add3A_814 = arith.addf %get3A_417, %get3A_422 : vector<16xf32>
        %add3A_815 = arith.addf %get3A_427, %get3A_432 : vector<16xf32>
        %add3A_816 = arith.addf %get3A_437, %get3A_442 : vector<16xf32>
        %add3A_817 = arith.addf %get3A_447, %get3A_452 : vector<16xf32>
        %add3A_818 = arith.addf %get3A_457, %get3A_462 : vector<16xf32>
        %add3A_819 = arith.addf %get3A_467, %get3A_472 : vector<16xf32>
        %add3A_820 = arith.addf %get3A_477, %get3A_482 : vector<16xf32>
        %add3A_821 = arith.addf %get3A_487, %get3A_492 : vector<16xf32>
        %add3A_822 = arith.addf %get3A_497, %get3A_502 : vector<16xf32>
        %add3A_823 = arith.addf %get3A_507, %get3A_512 : vector<16xf32>
        %add3A_824 = arith.addf %get3A_517, %get3A_522 : vector<16xf32>
        %add3A_825 = arith.addf %get3A_527, %get3A_532 : vector<16xf32>
        %add3A_826 = arith.addf %get3A_537, %get3A_542 : vector<16xf32>
        %add3A_827 = arith.addf %get3A_547, %get3A_552 : vector<16xf32>
        %add3A_828 = arith.addf %add3A_803, %add3A_804 : vector<16xf32>
        %add3A_829 = arith.addf %add3A_805, %add3A_806 : vector<16xf32>
        %add3A_830 = arith.addf %add3A_807, %add3A_808 : vector<16xf32>
        %add3A_831 = arith.addf %add3A_809, %add3A_810 : vector<16xf32>
        %add3A_832 = arith.addf %add3A_811, %add3A_812 : vector<16xf32>
        %add3A_833 = arith.addf %add3A_813, %add3A_814 : vector<16xf32>
        %add3A_834 = arith.addf %add3A_815, %add3A_816 : vector<16xf32>
        %add3A_835 = arith.addf %add3A_817, %add3A_818 : vector<16xf32>
        %add3A_836 = arith.addf %add3A_819, %add3A_820 : vector<16xf32>
        %add3A_837 = arith.addf %add3A_821, %add3A_822 : vector<16xf32>
        %add3A_838 = arith.addf %add3A_823, %add3A_824 : vector<16xf32>
        %add3A_839 = arith.addf %add3A_825, %add3A_826 : vector<16xf32>
        %add3A_840 = arith.addf %add3A_828, %add3A_829 : vector<16xf32>
        %add3A_841 = arith.addf %add3A_830, %add3A_831 : vector<16xf32>
        %add3A_842 = arith.addf %add3A_832, %add3A_833 : vector<16xf32>
        %add3A_843 = arith.addf %add3A_834, %add3A_835 : vector<16xf32>
        %add3A_844 = arith.addf %add3A_836, %add3A_837 : vector<16xf32>
        %add3A_845 = arith.addf %add3A_838, %add3A_839 : vector<16xf32>
        %add3A_846 = arith.addf %add3A_840, %add3A_841 : vector<16xf32>
        %add3A_847 = arith.addf %add3A_842, %add3A_843 : vector<16xf32>
        %add3A_848 = arith.addf %add3A_844, %add3A_845 : vector<16xf32>
        %add3A_849 = arith.addf %add3A_846, %add3A_847 : vector<16xf32>
        %add3A_850 = arith.addf %add3A_848, %add3A_827 : vector<16xf32>
        %add3A_851 = arith.addf %add3A_849, %add3A_850 : vector<16xf32>
        %add3A_852 = arith.addf %get3A_557, %get3A_562 : vector<16xf32>
        %add3A_853 = arith.addf %get3A_567, %get3A_572 : vector<16xf32>
        %add3A_854 = arith.addf %get3A_577, %get3A_582 : vector<16xf32>
        %add3A_855 = arith.addf %get3A_587, %get3A_592 : vector<16xf32>
        %add3A_856 = arith.addf %get3A_597, %get3A_602 : vector<16xf32>
        %add3A_857 = arith.addf %get3A_607, %get3A_612 : vector<16xf32>
        %add3A_858 = arith.addf %get3A_617, %get3A_622 : vector<16xf32>
        %add3A_859 = arith.addf %get3A_627, %get3A_632 : vector<16xf32>
        %add3A_860 = arith.addf %get3A_637, %get3A_642 : vector<16xf32>
        %add3A_861 = arith.addf %get3A_647, %get3A_652 : vector<16xf32>
        %add3A_862 = arith.addf %get3A_657, %get3A_662 : vector<16xf32>
        %add3A_863 = arith.addf %get3A_667, %get3A_672 : vector<16xf32>
        %add3A_864 = arith.addf %get3A_677, %get3A_682 : vector<16xf32>
        %add3A_865 = arith.addf %get3A_687, %get3A_692 : vector<16xf32>
        %add3A_866 = arith.addf %get3A_697, %get3A_702 : vector<16xf32>
        %add3A_867 = arith.addf %get3A_707, %get3A_712 : vector<16xf32>
        %add3A_868 = arith.addf %get3A_717, %get3A_722 : vector<16xf32>
        %add3A_869 = arith.addf %get3A_727, %get3A_732 : vector<16xf32>
        %add3A_870 = arith.addf %get3A_737, %get3A_742 : vector<16xf32>
        %add3A_871 = arith.addf %get3A_747, %get3A_752 : vector<16xf32>
        %add3A_872 = arith.addf %get3A_757, %get3A_762 : vector<16xf32>
        %add3A_873 = arith.addf %get3A_767, %get3A_772 : vector<16xf32>
        %add3A_874 = arith.addf %get3A_777, %get3A_782 : vector<16xf32>
        %add3A_875 = arith.addf %get3A_787, %get3A_792 : vector<16xf32>
        %add3A_876 = arith.addf %get3A_797, %get3A_802 : vector<16xf32>
        %add3A_877 = arith.addf %add3A_852, %add3A_853 : vector<16xf32>
        %add3A_878 = arith.addf %add3A_854, %add3A_855 : vector<16xf32>
        %add3A_879 = arith.addf %add3A_856, %add3A_857 : vector<16xf32>
        %add3A_880 = arith.addf %add3A_858, %add3A_859 : vector<16xf32>
        %add3A_881 = arith.addf %add3A_860, %add3A_861 : vector<16xf32>
        %add3A_882 = arith.addf %add3A_862, %add3A_863 : vector<16xf32>
        %add3A_883 = arith.addf %add3A_864, %add3A_865 : vector<16xf32>
        %add3A_884 = arith.addf %add3A_866, %add3A_867 : vector<16xf32>
        %add3A_885 = arith.addf %add3A_868, %add3A_869 : vector<16xf32>
        %add3A_886 = arith.addf %add3A_870, %add3A_871 : vector<16xf32>
        %add3A_887 = arith.addf %add3A_872, %add3A_873 : vector<16xf32>
        %add3A_888 = arith.addf %add3A_874, %add3A_875 : vector<16xf32>
        %add3A_889 = arith.addf %add3A_877, %add3A_878 : vector<16xf32>
        %add3A_890 = arith.addf %add3A_879, %add3A_880 : vector<16xf32>
        %add3A_891 = arith.addf %add3A_881, %add3A_882 : vector<16xf32>
        %add3A_892 = arith.addf %add3A_883, %add3A_884 : vector<16xf32>
        %add3A_893 = arith.addf %add3A_885, %add3A_886 : vector<16xf32>
        %add3A_894 = arith.addf %add3A_887, %add3A_888 : vector<16xf32>
        %add3A_895 = arith.addf %add3A_889, %add3A_890 : vector<16xf32>
        %add3A_896 = arith.addf %add3A_891, %add3A_892 : vector<16xf32>
        %add3A_897 = arith.addf %add3A_893, %add3A_894 : vector<16xf32>
        %add3A_898 = arith.addf %add3A_895, %add3A_896 : vector<16xf32>
        %add3A_899 = arith.addf %add3A_897, %add3A_876 : vector<16xf32>
        %add3A_900 = arith.addf %add3A_898, %add3A_899 : vector<16xf32>
        %add3A_901 = arith.constant 0 : i32
        %add3A_902 = arith.addi %mul3A_302, %add3A_901 : i32
        %add3A_903 = vector.broadcast %add3A_902 : i32 to vector<16xi32>
        %add3A_904 = arith.addi %add3A_903, %iota3A : vector<16xi32>
        %gather3A = tpu.vector_load_idx %arg6[%add3A_904] : memref<1664xi32, #tpu.memory_space<vmem>>[vector<16xi32>], vector<16xi32>,
        %eq3A = arith.constant 0 : i32
        %eq3A_905 = vector.broadcast %eq3A : i32 to vector<16xi32>
        %eq3A_906 = arith.cmpi eq, %gather3A, %eq3A_905 : vector<16xi32>
        %jit3A = arith.constant 1.000000e+00 : f32
        %jit3A_907 = arith.constant 0.000000e+00 : f32
        %broadcast_in_dim3A = vector.broadcast %jit3A : f32 to vector<16xf32>
        %broadcast_in_dim3A_908 = vector.broadcast %jit3A_907 : f32 to vector<16xf32>
        %select_n3A = arith.select %eq3A_906, %broadcast_in_dim3A, %broadcast_in_dim3A_908 : vector<16xi1>, vector<16xf32>
        %reduce_sum3A = arith.constant true
        %reduce_sum3A_909 = vector.broadcast %reduce_sum3A : i1 to vector<16xi1>
        %reduce_sum3A_910 = tpu.scan <sum>, %select_n3A masked %reduce_sum3A_909 : vector<16xf32>, vector<16xi1> -> vector<16xf32>
        %reduce_sum3A_911 = vector.extract %reduce_sum3A_910[15] : f32 from vector<16xf32>
        %add3A_912 = arith.constant 0.000000e+00 : f32
        %add3A_913 = arith.addf %add3A_912, %reduce_sum3A_911 : f32
        %add3A_914 = arith.constant 16 : i32
        %add3A_915 = arith.addi %mul3A_302, %add3A_914 : i32
        %add3A_916 = vector.broadcast %add3A_915 : i32 to vector<16xi32>
        %add3A_917 = arith.addi %add3A_916, %iota3A : vector<16xi32>
        %gather3A_918 = tpu.vector_load_idx %arg6[%add3A_917] : memref<1664xi32, #tpu.memory_space<vmem>>[vector<16xi32>], vector<16xi32>,
        %eq3A_919 = arith.constant 0 : i32
        %eq3A_920 = vector.broadcast %eq3A_919 : i32 to vector<16xi32>
        %eq3A_921 = arith.cmpi eq, %gather3A_918, %eq3A_920 : vector<16xi32>
        %jit3A_922 = arith.constant 1.000000e+00 : f32
        %jit3A_923 = arith.constant 0.000000e+00 : f32
        %broadcast_in_dim3A_924 = vector.broadcast %jit3A_922 : f32 to vector<16xf32>
        %broadcast_in_dim3A_925 = vector.broadcast %jit3A_923 : f32 to vector<16xf32>
        %select_n3A_926 = arith.select %eq3A_921, %broadcast_in_dim3A_924, %broadcast_in_dim3A_925 : vector<16xi1>, vector<16xf32>
        %reduce_sum3A_927 = arith.constant true
        %reduce_sum3A_928 = vector.broadcast %reduce_sum3A_927 : i1 to vector<16xi1>
        %reduce_sum3A_929 = tpu.scan <sum>, %select_n3A_926 masked %reduce_sum3A_928 : vector<16xf32>, vector<16xi1> -> vector<16xf32>
        %reduce_sum3A_930 = vector.extract %reduce_sum3A_929[15] : f32 from vector<16xf32>
        %add3A_931 = arith.addf %add3A_913, %reduce_sum3A_930 : f32
        %add3A_932 = arith.constant 32 : i32
        %add3A_933 = arith.addi %mul3A_302, %add3A_932 : i32
        %add3A_934 = vector.broadcast %add3A_933 : i32 to vector<16xi32>
        %add3A_935 = arith.addi %add3A_934, %iota3A : vector<16xi32>
        %gather3A_936 = tpu.vector_load_idx %arg6[%add3A_935] : memref<1664xi32, #tpu.memory_space<vmem>>[vector<16xi32>], vector<16xi32>,
        %eq3A_937 = arith.constant 0 : i32
        %eq3A_938 = vector.broadcast %eq3A_937 : i32 to vector<16xi32>
        %eq3A_939 = arith.cmpi eq, %gather3A_936, %eq3A_938 : vector<16xi32>
        %jit3A_940 = arith.constant 1.000000e+00 : f32
        %jit3A_941 = arith.constant 0.000000e+00 : f32
        %broadcast_in_dim3A_942 = vector.broadcast %jit3A_940 : f32 to vector<16xf32>
        %broadcast_in_dim3A_943 = vector.broadcast %jit3A_941 : f32 to vector<16xf32>
        %select_n3A_944 = arith.select %eq3A_939, %broadcast_in_dim3A_942, %broadcast_in_dim3A_943 : vector<16xi1>, vector<16xf32>
        %reduce_sum3A_945 = arith.constant true
        %reduce_sum3A_946 = vector.broadcast %reduce_sum3A_945 : i1 to vector<16xi1>
        %reduce_sum3A_947 = tpu.scan <sum>, %select_n3A_944 masked %reduce_sum3A_946 : vector<16xf32>, vector<16xi1> -> vector<16xf32>
        %reduce_sum3A_948 = vector.extract %reduce_sum3A_947[15] : f32 from vector<16xf32>
        %add3A_949 = arith.addf %add3A_931, %reduce_sum3A_948 : f32
        %add3A_950 = arith.constant 48 : i32
        %add3A_951 = arith.addi %mul3A_302, %add3A_950 : i32
        %add3A_952 = vector.broadcast %add3A_951 : i32 to vector<16xi32>
        %add3A_953 = arith.addi %add3A_952, %iota3A : vector<16xi32>
        %lt3A_954 = arith.constant 2 : i32
        %lt3A_955 = vector.broadcast %lt3A_954 : i32 to vector<16xi32>
        %lt3A_956 = arith.cmpi slt, %iota3A, %lt3A_955 : vector<16xi32>
        %gather3A_957 = tpu.vector_load_idx %arg6[%add3A_953] masked %lt3A_956 : memref<1664xi32, #tpu.memory_space<vmem>>[vector<16xi32>], vector<16xi32>, vector<16xi1>
        %eq3A_958 = arith.constant 0 : i32
        %eq3A_959 = vector.broadcast %eq3A_958 : i32 to vector<16xi32>
        %eq3A_960 = arith.cmpi eq, %gather3A_957, %eq3A_959 : vector<16xi32>
        %and3A = arith.andi %eq3A_960, %lt3A_956 : vector<16xi1>
        %jit3A_961 = arith.constant 1.000000e+00 : f32
        %jit3A_962 = arith.constant 0.000000e+00 : f32
        %broadcast_in_dim3A_963 = vector.broadcast %jit3A_961 : f32 to vector<16xf32>
        %broadcast_in_dim3A_964 = vector.broadcast %jit3A_962 : f32 to vector<16xf32>
        %select_n3A_965 = arith.select %and3A, %broadcast_in_dim3A_963, %broadcast_in_dim3A_964 : vector<16xi1>, vector<16xf32>
        %reduce_sum3A_966 = arith.constant true
        %reduce_sum3A_967 = vector.broadcast %reduce_sum3A_966 : i1 to vector<16xi1>
        %reduce_sum3A_968 = tpu.scan <sum>, %select_n3A_965 masked %reduce_sum3A_967 : vector<16xf32>, vector<16xi1> -> vector<16xf32>
        %reduce_sum3A_969 = vector.extract %reduce_sum3A_968[15] : f32 from vector<16xf32>
        %add3A_970 = arith.addf %add3A_949, %reduce_sum3A_969 : f32
        %mul3A_971 = vector.broadcast %add3A_970 : f32 to vector<16xf32>
        %mul3A_972 = arith.mulf %mul3A_971, %get3A_3 : vector<16xf32>
        %sub3A = arith.subf %add3A_851, %mul3A_972 : vector<16xf32>
        %mul3A_973 = vector.broadcast %scan3A : f32 to vector<16xf32>
        %mul3A_974 = arith.mulf %sub3A, %mul3A_973 : vector<16xf32>
        %swap3A = arith.index_cast %add3A_300 : i32 to index
        %swap3A_975 = arith.constant 0 : index
        %swap3A_976 = tpu.vector_load %arg10[%swap3A, %swap3A_975] {strides = array<i32>} : memref<32x32xf32, #tpu.memory_space<vmem>>, vector<16xf32>,
        tpu.vector_store %arg10[%swap3A, %swap3A_975], %mul3A_974 {strides = array<i32>} : memref<32x32xf32, #tpu.memory_space<vmem>>, vector<16xf32>,
        %mul3A_977 = vector.broadcast %add3A_970 : f32 to vector<16xf32>
        %mul3A_978 = arith.mulf %mul3A_977, %get3A_7 : vector<16xf32>
        %sub3A_979 = arith.subf %add3A_900, %mul3A_978 : vector<16xf32>
        %mul3A_980 = vector.broadcast %scan3A : f32 to vector<16xf32>
        %mul3A_981 = arith.mulf %sub3A_979, %mul3A_980 : vector<16xf32>
        %swap3A_982 = arith.index_cast %add3A_300 : i32 to index
        %swap3A_983 = arith.constant 16 : index
        %swap3A_984 = tpu.vector_load %arg10[%swap3A_982, %swap3A_983] {strides = array<i32>} : memref<32x32xf32, #tpu.memory_space<vmem>>, vector<16xf32>,
        tpu.vector_store %arg10[%swap3A_982, %swap3A_983], %mul3A_981 {strides = array<i32>} : memref<32x32xf32, #tpu.memory_space<vmem>>, vector<16xf32>,
      }
      %scan3A_286 = arith.constant 32 : i32
      %mul3A_287 = arith.constant 512 : i32
      %mul3A_288 = arith.muli %add3A, %mul3A_287 : i32
      %mul3A_289 = arith.constant 32 : i32
      %mul3A_290 = arith.muli %add3A_263, %mul3A_289 : i32
      %add3A_291 = arith.addi %mul3A_288, %mul3A_290 : i32
      %dma_start3A_292 = arith.constant 0 : i32
      %dma_start3A_293 = tpu.memref_slice %arg4[%add3A_291, %dma_start3A_292] : memref<16384x32xf32, #tpu.memory_space<hbm>> -> memref<32x32xf32, #tpu.memory_space<hbm>>
      %dma_start3A_294 = arith.constant 0 : i32
      %dma_start3A_295 = tpu.memref_slice %arg4[%add3A_291, %dma_start3A_294] : memref<16384x32xf32, #tpu.memory_space<hbm>> -> memref<32x32xf32, #tpu.memory_space<hbm>>
      tpu.enqueue_dma source(%arg10 : memref<32x32xf32, #tpu.memory_space<vmem>>) target(%dma_start3A_295 : memref<32x32xf32, #tpu.memory_space<hbm>>) target_semaphore(%arg15 : memref<!tpu.dma_semaphore, #tpu.memory_space<semaphore_mem>>)
    }
    %scan3A_215 = arith.constant 8 : i32
    %dma_wait3A = arith.constant 0 : i32
    %dma_wait3A_216 = arith.constant 0 : i32
    %dma_wait3A_217 = tpu.memref_slice %arg4[%dma_wait3A, %dma_wait3A_216] : memref<16384x32xf32, #tpu.memory_space<hbm>> -> memref<32x32xf32, #tpu.memory_space<hbm>>
    %dma_wait3A_218 = arith.constant 0 : i32
    %dma_wait3A_219 = arith.constant 0 : i32
    %dma_wait3A_220 = tpu.memref_slice %arg4[%dma_wait3A_218, %dma_wait3A_219] : memref<16384x32xf32, #tpu.memory_space<hbm>> -> memref<32x32xf32, #tpu.memory_space<hbm>>
    tpu.wait_dma2 semaphore(%arg14 : memref<!tpu.dma_semaphore, #tpu.memory_space<semaphore_mem>>) src(%dma_wait3A_220 : memref<32x32xf32, #tpu.memory_space<hbm>>) dst(%arg9 : memref<32x32xf32, #tpu.memory_space<vmem>>)
    %dma_wait3A_221 = arith.constant 0 : i32
    %dma_wait3A_222 = arith.constant 0 : i32
    %dma_wait3A_223 = tpu.memref_slice %arg4[%dma_wait3A_221, %dma_wait3A_222] : memref<16384x32xf32, #tpu.memory_space<hbm>> -> memref<32x32xf32, #tpu.memory_space<hbm>>
    %dma_wait3A_224 = arith.constant 0 : i32
    %dma_wait3A_225 = arith.constant 0 : i32
    %dma_wait3A_226 = tpu.memref_slice %arg4[%dma_wait3A_224, %dma_wait3A_225] : memref<16384x32xf32, #tpu.memory_space<hbm>> -> memref<32x32xf32, #tpu.memory_space<hbm>>
    tpu.wait_dma2 semaphore(%arg15 : memref<!tpu.dma_semaphore, #tpu.memory_space<semaphore_mem>>) src(%dma_wait3A_226 : memref<32x32xf32, #tpu.memory_space<hbm>>) dst(%arg10 : memref<32x32xf32, #tpu.memory_space<vmem>>)
    return
  }
}

</mosaic_0001>

<sc_bundles>
// kernel: kernel.3.cloned.1.call-start
scs
__scs_entry_jumppad:
0x0: {  	(pc) =	sbr.rel $0x88, $3  }
0x1: {  	(tag) =	ssettag $0x0;
	lr =	simm.s32 $0x1  }
0x2: {  	[smem:$0x3F9F] =	sst lr;
	_ =	strace $0xD0000000  }
0x3: {  	_ = 	snop  }
0x4: {  	_ = 	snop  }
0x5: {  	_ = 	snop  }
0x6: {  	_ = 	snop  }
0x7: {  	_ = 	snop  }
__scs_overlays_trampoline_lowered:
0x8: {  	[smem:$0x3FAE] =	sst s0  }
0x9: {  	[smem:$0x3FAF] =	sst s1  }
0xa: {  	[smem:$0x3FB0] =	sst s2  }
0xb: {  	[smem:$0x3FB1] =	sst s3  }
0xc: {  	[smem:$0x3FB2] =	sst s4  }
0xd: {  	[smem:$0x3FB3] =	sst s5  }
0xe: {  	[smem:$0x3FB4] =	sst s6  }
0xf: {  	[smem:$0x3FB5] =	sst s7  }
0x10: {  	[smem:$0x3FB6] =	sst s8  }
0x11: {  	[smem:$0x3FB7] =	sst s9;
	s0 =	simm.s32 @!p0 $0x0  }
0x12: {  	s1 =	sld [smem:$0x3F9D];
	s0 =	simm.s32 @p0 $0x1  }
0x13: {  	[smem:$0x3FB8] =	sst s0;
	s0 =	simm.s32 @!p1 $0x0  }
0x14: {  	s2 =	sld [smem:$0x3F9C];
	s0 =	simm.s32 @p1 $0x1  }
0x15: {  	[smem:$0x3FB9] =	sst s0;
	s0 =	simm.s32 @!p2 $0x0  }
0x16: {  	s3 =	sld [smem:$0x3FDB];
	s0 =	simm.s32 @p2 $0x1  }
0x17: {  	s4 =	simm.s32 $0x1BF5;
	[smem:$0x3FBB] =	sst s0  }
0x18: {  	s0 =	sld [smem:$0x3F9E];
	_ =	swait.ge [sflag:s4], $0x0  }
0x19: {  	s7 =	sld [smem:$0x3F9F]  }
0x1a: {  	s8 =	sadd.s32 $0xFFFFE003, lr  }
0x1b: {  	s9 =	sadd.s32 $0xFFFFFEF7, lr;
	s5 =	simm.s32 $0xFFFFFFFF;
	p2 =	slt.u32 s8, $0xFFFFF086  }
0x1c: {  	p1 =	slt.u32 s9, $0xF7A;
	s5 =	simm.s32 @!p2 $0x0  }
0x1d: {  	s5 =	simm.s32 @p1 $0x1;
	p0 =	seq.s32 s7, s2  }
0x1e: {  	s7 =	smul.u32 @!p0 $0xF7A, s2;
	p2 =	seq.s32 @!p0 s5, $0x0  }
0x1f: {  	s9 =	smul.u32 $0xF7A, s1;
	s8 =	simm.s32 @!p0 $0x1BF5;
	p2 =	por !p2, p0  }
0x20: {  	[sflag:s8] =	ssyncset.s32 @!p0 $0xFFFFF086;
	s6 =	sadd.s32 @!p0 s3, s7;
	s7 =	simm.s32 @!p0 $0x108  }
0x21: {  	s3 =	sadd.s32 s3, s9;
	s6 =	sadd.s32 @!p0 $0x88, s6;
	s7 =	simm.s32 @p2 $0x1082  }
0x22: {  	[simem:s7], [sflag:s8] =	dma.local @!p0 [hbm:s6], $0xF7A  }
0x23: {  	s9 =	sor.u32 $0xD0000000, s2;
	s6 =	simm.s32 $0x108;
	_ =	swait.ge @!p0 [sflag:s8], $0x0  }
0x24: {  	s3 =	sadd.s32 $0x88, s3;
	s6 =	simm.s32 @!p1 $0x1082;
	[sflag:s4] =	ssyncset.s32 $0xFFFFF086  }
0x25: {  	[simem:s6], [sflag:s4] =	dma.local [hbm:s3], $0xF7A  }
0x26: {  	[smem:$0x3F9F] =	sst s1;
	(tag) =	ssettag s2;
	_ =	strace s9  }
0x27: {  	s1 =	sld [smem:$0x3FAF]  }
0x28: {  	s2 =	sld [smem:$0x3FB0]  }
0x29: {  	s4 =	sld [smem:$0x3FB2]  }
0x2a: {  	p0 =	seq.s32 s5, $0x0;
	s5 =	sld [smem:$0x3FB3]  }
0x2b: {  	s6 =	sld [smem:$0x3FB4]  }
0x2c: {  	s7 =	sld [smem:$0x3FB5]  }
0x2d: {  	s3 =	simm.s32 $0x108;
	s8 =	sld [smem:$0x3FB6]  }
0x2e: {  	s3 =	simm.s32 @!p0 $0x1082;
	s9 =	sld [smem:$0x3FB7]  }
0x2f: {  	lr =	sadd.s32 s0, s3;
	s0 =	sld [smem:$0x3FAE]  }
0x30: {  	s3 =	sld [smem:$0x3FB1]  }
0x31: {  	[smem:$0x3FBA] =	sst s10  }
0x32: {  	s10 =	sld [smem:$0x3FB8];
	_ =	sdelay $0x3  }
0x33: {  	p0 =	seq.s32 s10, $0x1;
	s10 =	sld [smem:$0x3FBA];
	_ =	sdelay $0x3  }
0x34: {  	[smem:$0x3FBA] =	sst s10  }
0x35: {  	s10 =	sld [smem:$0x3FB9];
	_ =	sdelay $0x3  }
0x36: {  	p1 =	seq.s32 s10, $0x1;
	s10 =	sld [smem:$0x3FBA];
	_ =	sdelay $0x3  }
0x37: {  	[smem:$0x3FBA] =	sst s10  }
0x38: {  	s10 =	sld [smem:$0x3FBB]  }
0x39: {  	_ = 	snop;
	(pc) =	sbr.ind lr, $3  }
0x3a: {  	_ = 	snop  }
0x3b: {  	_ = 	snop  }
0x3c: {  	p2 =	seq.s32 s10, $0x1;
	s10 =	sld [smem:$0x3FBA]  }
0x3d: {  	_ =	shalt  }
0x3e: {  	_ =	shalt  }
0x3f: {  	_ =	shalt  }
0x40: {  	_ =	shalt  }
0x41: {  	_ =	shalt  }
0x42: {  	_ =	shalt  }
0x43: {  	_ =	shalt  }
0x44: {  	_ =	shalt  }
0x45: {  	_ =	shalt  }
0x46: {  	_ =	shalt  }
0x47: {  	_ =	shalt  }
0x48: {  	_ =	shalt  }
0x49: {  	_ =	shalt  }
0x4a: {  	_ =	shalt  }
0x4b: {  	_ =	shalt  }
0x4c: {  	_ =	shalt  }
0x4d: {  	_ =	shalt  }
0x4e: {  	_ =	shalt  }
0x4f: {  	_ =	shalt  }
0x50: {  	_ =	shalt  }
0x51: {  	_ =	shalt  }
0x52: {  	_ =	shalt  }
0x53: {  	_ =	shalt  }
0x54: {  	_ =	shalt  }
0x55: {  	_ =	shalt  }
0x56: {  	_ =	shalt  }
0x57: {  	_ =	shalt  }
0x58: {  	_ =	shalt  }
0x59: {  	_ =	shalt  }
0x5a: {  	_ =	shalt  }
0x5b: {  	_ =	shalt  }
0x5c: {  	_ =	shalt  }
0x5d: {  	_ =	shalt  }
0x5e: {  	_ =	shalt  }
0x5f: {  	_ =	shalt  }
0x60: {  	_ =	shalt  }
0x61: {  	_ =	shalt  }
0x62: {  	_ =	shalt  }
0x63: {  	_ =	shalt  }
0x64: {  	_ =	shalt  }
0x65: {  	_ =	shalt  }
0x66: {  	_ =	shalt  }
0x67: {  	_ =	shalt  }
0x68: {  	_ =	shalt  }
0x69: {  	_ =	shalt  }
0x6a: {  	_ =	shalt  }
0x6b: {  	_ =	shalt  }
0x6c: {  	_ =	shalt  }
0x6d: {  	_ =	shalt  }
0x6e: {  	_ =	shalt  }
0x6f: {  	_ =	shalt  }
0x70: {  	_ =	shalt  }
0x71: {  	_ =	shalt  }
0x72: {  	_ =	shalt  }
0x73: {  	_ =	shalt  }
0x74: {  	_ =	shalt  }
0x75: {  	_ =	shalt  }
0x76: {  	_ =	shalt  }
0x77: {  	_ =	shalt  }
0x78: {  	_ =	shalt  }
0x79: {  	_ =	shalt  }
0x7a: {  	_ =	shalt  }
0x7b: {  	_ =	shalt  }
0x7c: {  	_ =	shalt  }
0x7d: {  	_ =	shalt  }
0x7e: {  	_ =	shalt  }
0x7f: {  	_ =	shalt  }
0x80: {  	_ =	shalt  }
0x81: {  	_ =	shalt  }
0x82: {  	_ =	shalt  }
0x83: {  	_ =	shalt  }
0x84: {  	_ =	shalt  }
0x85: {  	_ =	shalt  }
0x86: {  	_ =	shalt  }
0x87: {  	_ =	shalt  }
.Lfunc_end0:
.L_simem_size_0:
called_computation_lowered:
.L_overlay_start_0:
0x88: {  	s2 =	sld [smem:$0x3FD9]  }
0x89: {  	s3 =	sld [smem:$0x3FFE];
	_ =	sdelay $0x1  }
0x8a: {  	s1 =	srdreg.scid  }
0x8b: {  	s0 =	sand.u32 $0x1, s1  }
0x8c: {  	s17 =	sshll.u32 s0, $0xA;
	s2 =	sadd.s32 s3, s2  }
0x8d: {  	s2 =	sadd.s32 s2, s17  }
0x8e: {  	[smem:$0x3FC6] =	sst s2  }
0x8f: {  	_ = 	snop  }
0x90: {  	s2 =	sld [smem:$0x3FD0];
	(tm) =	ssettm $0x1  }
0x91: {  	s18 =	sld [smem:$0x3FFB];
	_ =	sdelay $0x3  }
0x92: {  	_ =	strace s18  }
0x93: {  	s3 =	sld [smem:$0x3FFC];
	_ =	sdelay $0x3  }
0x94: {  	_ =	strace s3  }
0x95: {  	s3 =	sld [smem:$0x3FFD];
	_ =	sdelay $0x3  }
0x96: {  	_ =	strace s3  }
0x97: {  	_ =	strace $0x8FFFFFFF  }
0x98: {  	s19 =	sld [smem:$0x3FDB];
	_ =	sdelay $0x1  }
0x99: {  	s4 =	simm.s32 $_scs_section_size  }
0x9a: {  	s5 =	simm.s32 $_size__tile_overlayer_lowered;
	s6 =	simm.s32 $_tile_overlayer_lowered  }
0x9b: {  	s22 =	simm.s32 $0x1BFF;
	s21 =	sshll.u32 s6, $0x1;
	s3 =	sadd.s32 s4, s19  }
0x9c: {  	s7 =	simm.s32 $0x0;
	s20 =	sshll.u32 s5, $0x1;
	s5 =	sadd.s32 s21, s3  }
0x9d: {  	[timem:s7], [sflag:s22] =	dma.local [hbm:s5], s20  }
0x9e: {  	_ =	swait.ge [sflag:s22], s20  }
0x9f: {  	s4 =	ssub.s32 $0x0, s20;
	[sflag:s22] =	ssyncset.done $0x0  }
0xa0: {  	[sflag:s22] =	ssyncadd.s32 s4;
	_ =	sdelay $0x1  }
0xa1: {  	s23 =	simm.s32 $0x1B8B  }
0xa2: {  	_ =	swait.ge [sflag:s23], $0x1  }
0xa3: {  	[sflag:s23] =	ssyncset.done $0x0  }
0xa4: {  	s25 =	simm.s32 $0x1B8E;
	s24 =	sld [smem:$0x3FFE];
	[sflag:s23] =	ssyncadd.s32 $0xFFFFFFFF  }
0xa5: {  	s26 =	simm.s32 $execute0_lowered;
	[smem:$0x3FD2] =	sst s25  }
0xa6: {  	s5 =	sshll.u32 s26, $0x1;
	_ =	strace $0x80000046;
	[dreg:$0x1] =	wrdreg $0xFFFFFFFF  }
0xa7: {  	s28 =	simm.s32 $_size_execute0_lowered;
	s3 =	sadd.s32 s3, s5;
	[dreg:$0x0] =	wrdreg $0x0  }
0xa8: {  	s5 =	sshll.u32 s28, $0x1;
	[dreg:$0x2] =	wrdreg s3  }
0xa9: {  	[dreg:$0x3] =	wrdreg s5  }
0xaa: {  	[dreg:$0x4] =	wrdreg $0xC0  }
0xab: {  	_ =	task [dreg:s7], $0x5FFFF  }
0xac: {  	[dreg:$0x1] =	wrdreg $0xFFFFFFFF  }
0xad: {  	[dreg:$0x0] =	wrdreg $0x60  }
0xae: {  	[dreg:$0x2] =	wrdreg s24  }
0xaf: {  	[dreg:$0x3] =	wrdreg s2  }
0xb0: {  	[dreg:$0x4] =	wrdreg $0x9  }
0xb1: {  	_ =	task.clear_ibuf [dreg:s7], $0x5FFFF;
	_ =	strace $0x90000046  }
0xb2: {  	s29 =	simm.s32 $0x9;
	_ =	strace $0x80000048  }
0xb3: {  	_ =	swait.ge [sflag:s29], $0x1  }
0xb4: {  	[sflag:s29] =	ssyncadd.s32 $0xFFFFFFFF  }
0xb5: {  	_ =	strace $0x90000048  }
0xb6: {  	_ =	sfence  }
0xb7: {  	s30 =	sld [smem:$0x0];
	_ =	sdelay $0x2  }
0xb8: {  	s31 =	sshll.u32 s1, $0xD;
	s1 =	sshrl.u32 s1, $0x2  }
0xb9: {  	s3 =	sand.u32 $0x4000, s31;
	s1 =	sadd.s32 s1, s30  }
0xba: {  	s0 =	sor.u32 s3, s0;
	s1 =	sshll.u32 s1, $0x11  }
0xbb: {  	s0 =	sor.u32 s1, s0  }
0xbc: {  	s0 =	sadd.s32 $0x8F2B, s0  }
0xbd: {  	[sflag:s0] =	ssyncadd.remote.s32 $0x1  }
0xbe: {  	_ =	sfence.sel $0xFFFF  }
0xbf: {  	[dreg:$0x0] =	wrdreg $0xFFFFFFFF;
	(pc) =	sbr.abs _section_cstart, $3  }
0xc0: {  	[dreg:$0x1] =	wrdreg $0xFFFFFFFF  }
0xc1: {  	_ =	task.clear_ibuf [dreg:s7], $0x2FFFF;
	_ =	strace $0x9FFFFFFF  }
0xc2: {  	(tm) =	ssettm $0x7FFFFFFF  }
0xc3: {  	_ =	shalt  }
tec
execute0_lowered:
.L_overlay_start_1:
0x0: {  	(tag) =	ssettag $0x1  }
0x1: {  	s0 =	rddreg [dreg:$0x0]  }
0x2: {  	s1 =	srdreg.scid;
	s2 =	stileid.u32  }
0x3: {  	s6 =	rddreg [dreg:$0x1];
	s11 =	simm.s32 $0x5;
	s12 =	simm.s32 $0x40  }
0x4: {  	s19 =	simm.s32 $0x680;
	s17 =	simm.s32 $0x17500;
	s18 =	simm.s32 $0xBC0  }
0x5: {  	s9 =	simm.s32 $0xC00;
	s20 =	simm.s32 $0x18500;
	s21 =	simm.s32 $0xC40  }
0x6: {  	s22 =	simm.s32 $0x18D00;
	s23 =	simm.s32 $0xC80;
	s24 =	simm.s32 $0x19500  }
0x7: {  	s28 =	simm.s32 $0x2;
	s29 =	simm.s32 $0x1A100;
	s30 =	simm.s32 $0x4  }
0x8: {  	s1 =	sand.u32 $0x1, s1;
	s3 =	sshll.u32 s2, $0x1;
	s2 =	simm.s32 $0x0  }
0x9: {  	s4 =	sadd.s32 $0x600, s0;
	s5 =	sadd.s32 $0xF42A00, s0;
	s7 =	sor.u32 s1, s3  }
0xa: {  	[smem:$0x7FF] =	sst s2;
	s1 =	ssub.s32 $0x2, s1;
	s3 =	smul.u32 $0x6400, s7  }
0xb: {  	_ =	strace $0x80000047;
	s25 =	sshrl.u32 s1, $0x1;
	s31 =	sshll.u32 s7, $0xB  }
0xc: {  	s0 =	ssub.s32 s1, s25;
	s7 =	sadd.s32 s6, s31;
	s6 =	simm.s32 $0x17D00  }
0xd: {  	s25 =	simm.s32 $0x1;
	s8 =	sshrl.u32 s3, $0x3;
	s0 =	smax.u32 s0, $0x1  }
0xe: {  	v0 =	vimm.f32 $0.0e+00;
	vm0 =	vcmask $0x700;
	s1 =	simm.s32 $0x0;
	s26 =	sadd.s32 s4, s8;
	[dreg:$0x4] =	wrdreg s0  }
0xf: {  	v1 =	vlaneseq.u32;
	v2 =	vsel vm0, $0x3F800000, v0;
	s8 =	sadd.s32 $0xC80, s3;
	[dreg:$0x3] =	wrdreg s26;
	s26 =	simm.s32 $0x19D00  }
.LBB2_1:
0x10: {  	[dreg:$0x5] =	wrdreg s1;
	s0 =	simm.s32 $0x1A500  }
0x11: {  	[tilespmem:s0], [sflag:$0x5] =	stream.linear.gather [hbm4b:s5+s2], $0x20, $0x38;
	[tilespmem:$0x1A520] =	vst v63  }
0x12: {  	_ =	swait.ge [sflag:s11], $0x20  }
0x13: {  	[sflag:s11] =	ssyncset.done $0x0  }
0x14: {  	[sflag:s11] =	ssyncadd.s32 $0xFFFFFFE0  }
0x15: {  	s16 =	rddreg [dreg:$0x3];
	v3 =	vld [tilespmem:$0x1A500]  }
0x16: {  	v4 =	vld [tilespmem:$0x1A510];
	[tilespmem:s2], [sflag:$0x5] =	stream.linear.gather [hbm4b:s16+s2], $0x640, $0x38  }
0x17: {  	_ =	swait.ge [sflag:s11], $0x640  }
0x18: {  	[sflag:s11] =	ssyncset.done $0x0  }
0x19: {  	s1 =	simm.s32 $0xD00;
	[sflag:s11] =	ssyncadd.s32 $0xFFFFF9C0  }
0x1a: {  	[tilespmem:s1], [sflag:$0x1] =	stream.indirect.gather [hbm4b:s5+s12], $0x20, s2, s12, $0xb8;
	[tilespmem:$0x1A520] =	vst v63  }
0x1b: {  	s10 =	simm.s32 $0x1500  }
0x1c: {  	[tilespmem:s10], [sflag:$0x1] =	stream.indirect.gather [hbm4b:s5+s12], $0x20, s12, s12, $0xb8;
	[tilespmem:$0x1A520] =	vst v63  }
0x1d: {  	s13 =	simm.s32 $0x80;
	s14 =	simm.s32 $0x1D00  }
0x1e: {  	[tilespmem:s14], [sflag:$0x1] =	stream.indirect.gather [hbm4b:s5+s12], $0x20, s13, s12, $0xb8;
	[tilespmem:$0x1A520] =	vst v63  }
0x1f: {  	s15 =	simm.s32 $0xC0;
	s16 =	simm.s32 $0x2500  }
0x20: {  	[tilespmem:s16], [sflag:$0x1] =	stream.indirect.gather [hbm4b:s5+s12], $0x20, s15, s12, $0xb8;
	[tilespmem:$0x1A520] =	vst v63  }
0x21: {  	s1 =	simm.s32 $0x100;
	s10 =	simm.s32 $0x2D00  }
0x22: {  	[tilespmem:s10], [sflag:$0x1] =	stream.indirect.gather [hbm4b:s5+s12], $0x20, s1, s12, $0xb8;
	[tilespmem:$0x1A520] =	vst v63  }
0x23: {  	s13 =	simm.s32 $0x140;
	s14 =	simm.s32 $0x3500  }
0x24: {  	[tilespmem:s14], [sflag:$0x1] =	stream.indirect.gather [hbm4b:s5+s12], $0x20, s13, s12, $0xb8;
	[tilespmem:$0x1A520] =	vst v63  }
0x25: {  	s15 =	simm.s32 $0x180;
	s16 =	simm.s32 $0x3D00  }
0x26: {  	[tilespmem:s16], [sflag:$0x1] =	stream.indirect.gather [hbm4b:s5+s12], $0x20, s15, s12, $0xb8;
	[tilespmem:$0x1A520] =	vst v63  }
0x27: {  	s1 =	simm.s32 $0x1C0;
	s10 =	simm.s32 $0x4500  }
0x28: {  	[tilespmem:s10], [sflag:$0x1] =	stream.indirect.gather [hbm4b:s5+s12], $0x20, s1, s12, $0xb8;
	[tilespmem:$0x1A520] =	vst v63  }
0x29: {  	s13 =	simm.s32 $0x200;
	s14 =	simm.s32 $0x4D00  }
0x2a: {  	[tilespmem:s14], [sflag:$0x1] =	stream.indirect.gather [hbm4b:s5+s12], $0x20, s13, s12, $0xb8;
	[tilespmem:$0x1A520] =	vst v63  }
0x2b: {  	s15 =	simm.s32 $0x240;
	s16 =	simm.s32 $0x5500  }
0x2c: {  	[tilespmem:s16], [sflag:$0x1] =	stream.indirect.gather [hbm4b:s5+s12], $0x20, s15, s12, $0xb8;
	[tilespmem:$0x1A520] =	vst v63  }
0x2d: {  	s1 =	simm.s32 $0x280;
	s10 =	simm.s32 $0x5D00  }
0x2e: {  	[tilespmem:s10], [sflag:$0x1] =	stream.indirect.gather [hbm4b:s5+s12], $0x20, s1, s12, $0xb8;
	[tilespmem:$0x1A520] =	vst v63  }
0x2f: {  	s13 =	simm.s32 $0x2C0;
	s14 =	simm.s32 $0x6500  }
0x30: {  	[tilespmem:s14], [sflag:$0x1] =	stream.indirect.gather [hbm4b:s5+s12], $0x20, s13, s12, $0xb8;
	[tilespmem:$0x1A520] =	vst v63  }
0x31: {  	s15 =	simm.s32 $0x300;
	s16 =	simm.s32 $0x6D00  }
0x32: {  	[tilespmem:s16], [sflag:$0x1] =	stream.indirect.gather [hbm4b:s5+s12], $0x20, s15, s12, $0xb8;
	[tilespmem:$0x1A520] =	vst v63  }
0x33: {  	s1 =	simm.s32 $0x340;
	s10 =	simm.s32 $0x7500  }
0x34: {  	[tilespmem:s10], [sflag:$0x1] =	stream.indirect.gather [hbm4b:s5+s12], $0x20, s1, s12, $0xb8;
	[tilespmem:$0x1A520] =	vst v63  }
0x35: {  	s13 =	simm.s32 $0x380;
	s14 =	simm.s32 $0x7D00  }
0x36: {  	[tilespmem:s14], [sflag:$0x1] =	stream.indirect.gather [hbm4b:s5+s12], $0x20, s13, s12, $0xb8;
	[tilespmem:$0x1A520] =	vst v63  }
0x37: {  	s15 =	simm.s32 $0x3C0;
	s16 =	simm.s32 $0x8500  }
0x38: {  	[tilespmem:s16], [sflag:$0x1] =	stream.indirect.gather [hbm4b:s5+s12], $0x20, s15, s12, $0xb8;
	[tilespmem:$0x1A520] =	vst v63  }
0x39: {  	s1 =	simm.s32 $0x400;
	s10 =	simm.s32 $0x8D00  }
0x3a: {  	[tilespmem:s10], [sflag:$0x1] =	stream.indirect.gather [hbm4b:s5+s12], $0x20, s1, s12, $0xb8;
	[tilespmem:$0x1A520] =	vst v63  }
0x3b: {  	s13 =	simm.s32 $0x440;
	s14 =	simm.s32 $0x9500  }
0x3c: {  	[tilespmem:s14], [sflag:$0x1] =	stream.indirect.gather [hbm4b:s5+s12], $0x20, s13, s12, $0xb8;
	[tilespmem:$0x1A520] =	vst v63  }
0x3d: {  	s15 =	simm.s32 $0x480;
	s16 =	simm.s32 $0x9D00  }
0x3e: {  	[tilespmem:s16], [sflag:$0x1] =	stream.indirect.gather [hbm4b:s5+s12], $0x20, s15, s12, $0xb8;
	[tilespmem:$0x1A520] =	vst v63  }
0x3f: {  	s1 =	simm.s32 $0x4C0;
	s10 =	simm.s32 $0xA500  }
0x40: {  	[tilespmem:s10], [sflag:$0x1] =	stream.indirect.gather [hbm4b:s5+s12], $0x20, s1, s12, $0xb8;
	[tilespmem:$0x1A520] =	vst v63  }
0x41: {  	s13 =	simm.s32 $0x500;
	s14 =	simm.s32 $0xAD00  }
0x42: {  	[tilespmem:s14], [sflag:$0x1] =	stream.indirect.gather [hbm4b:s5+s12], $0x20, s13, s12, $0xb8;
	[tilespmem:$0x1A520] =	vst v63  }
0x43: {  	s15 =	simm.s32 $0x540;
	s16 =	simm.s32 $0xB500  }
0x44: {  	[tilespmem:s16], [sflag:$0x1] =	stream.indirect.gather [hbm4b:s5+s12], $0x20, s15, s12, $0xb8;
	[tilespmem:$0x1A520] =	vst v63  }
0x45: {  	s1 =	simm.s32 $0x580;
	s10 =	simm.s32 $0xBD00  }
0x46: {  	[tilespmem:s10], [sflag:$0x1] =	stream.indirect.gather [hbm4b:s5+s12], $0x20, s1, s12, $0xb8;
	[tilespmem:$0x1A520] =	vst v63  }
0x47: {  	s13 =	simm.s32 $0x5C0;
	s14 =	simm.s32 $0xC500  }
0x48: {  	[tilespmem:s14], [sflag:$0x1] =	stream.indirect.gather [hbm4b:s5+s12], $0x20, s13, s12, $0xb8;
	[tilespmem:$0x1A520] =	vst v63  }
0x49: {  	s31 =	simm.s32 $0x0;
	s15 =	simm.s32 $0x600;
	s16 =	simm.s32 $0xCD00  }
0x4a: {  	[tilespmem:s16], [sflag:$0x1] =	stream.indirect.gather [hbm4b:s5+s12], $0x20, s15, s12, $0xb8;
	[tilespmem:$0x1A520] =	vst v63  }
.LBB2_2:
0x4b: {  	s1 =	sshllo.u32 s31, $0x1  }
0x4c: {  	s0 =	smul.u32 $0x640, s1;
	_ =	sdelay $0x1  }
0x4d: {  	s0 =	sadd.s32 s3, s0  }
0x4e: {  	s0 =	sshrl.u32 s0, $0x3  }
0x4f: {  	s0 =	sadd.s32 s4, s0  }
0x50: {  	[tilespmem:s19], [sflag:$0x5] =	stream.linear.gather [hbm4b:s0+s2], $0x640, $0x38;
	[tilespmem:$0x1A520] =	vst v63  }
0x51: {  	_ =	swait.ge [sflag:s11], $0x640  }
0x52: {  	[sflag:s11] =	ssyncset.done $0x0  }
0x53: {  	s15 =	simm.s32 $0xD500;
	[sflag:s11] =	ssyncadd.s32 $0xFFFFF9C0  }
0x54: {  	[tilespmem:s15], [sflag:$0x2] =	stream.indirect.gather [hbm4b:s5+s12], $0x20, s19, s12, $0xb8;
	[tilespmem:$0x1A520] =	vst v63  }
0x55: {  	s16 =	simm.s32 $0x6C0;
	s10 =	simm.s32 $0xDD00  }
0x56: {  	[tilespmem:s10], [sflag:$0x2] =	stream.indirect.gather [hbm4b:s5+s12], $0x20, s16, s12, $0xb8;
	[tilespmem:$0x1A520] =	vst v63  }
0x57: {  	s13 =	simm.s32 $0x700;
	s14 =	simm.s32 $0xE500  }
0x58: {  	[tilespmem:s14], [sflag:$0x2] =	stream.indirect.gather [hbm4b:s5+s12], $0x20, s13, s12, $0xb8;
	[tilespmem:$0x1A520] =	vst v63  }
0x59: {  	s15 =	simm.s32 $0x740;
	s16 =	simm.s32 $0xED00  }
0x5a: {  	[tilespmem:s16], [sflag:$0x2] =	stream.indirect.gather [hbm4b:s5+s12], $0x20, s15, s12, $0xb8;
	[tilespmem:$0x1A520] =	vst v63  }
0x5b: {  	s13 =	simm.s32 $0x780;
	s14 =	simm.s32 $0xF500  }
0x5c: {  	[tilespmem:s14], [sflag:$0x2] =	stream.indirect.gather [hbm4b:s5+s12], $0x20, s13, s12, $0xb8;
	[tilespmem:$0x1A520] =	vst v63  }
0x5d: {  	s15 =	simm.s32 $0x7C0;
	s16 =	simm.s32 $0xFD00  }
0x5e: {  	[tilespmem:s16], [sflag:$0x2] =	stream.indirect.gather [hbm4b:s5+s12], $0x20, s15, s12, $0xb8;
	[tilespmem:$0x1A520] =	vst v63  }
0x5f: {  	s13 =	simm.s32 $0x800;
	s14 =	simm.s32 $0x10500  }
0x60: {  	[tilespmem:s14], [sflag:$0x2] =	stream.indirect.gather [hbm4b:s5+s12], $0x20, s13, s12, $0xb8;
	[tilespmem:$0x1A520] =	vst v63  }
0x61: {  	s15 =	simm.s32 $0x840;
	s16 =	simm.s32 $0x10D00  }
0x62: {  	[tilespmem:s16], [sflag:$0x2] =	stream.indirect.gather [hbm4b:s5+s12], $0x20, s15, s12, $0xb8;
	[tilespmem:$0x1A520] =	vst v63  }
0x63: {  	s13 =	simm.s32 $0x880;
	s14 =	simm.s32 $0x11500  }
0x64: {  	[tilespmem:s14], [sflag:$0x2] =	stream.indirect.gather [hbm4b:s5+s12], $0x20, s13, s12, $0xb8;
	[tilespmem:$0x1A520] =	vst v63  }
0x65: {  	s15 =	simm.s32 $0x8C0;
	s16 =	simm.s32 $0x11D00  }
0x66: {  	[tilespmem:s16], [sflag:$0x2] =	stream.indirect.gather [hbm4b:s5+s12], $0x20, s15, s12, $0xb8;
	[tilespmem:$0x1A520] =	vst v63  }
0x67: {  	s13 =	simm.s32 $0x900;
	s14 =	simm.s32 $0x12500  }
0x68: {  	[tilespmem:s14], [sflag:$0x2] =	stream.indirect.gather [hbm4b:s5+s12], $0x20, s13, s12, $0xb8;
	[tilespmem:$0x1A520] =	vst v63  }
0x69: {  	s15 =	simm.s32 $0x940;
	s16 =	simm.s32 $0x12D00  }
0x6a: {  	[tilespmem:s16], [sflag:$0x2] =	stream.indirect.gather [hbm4b:s5+s12], $0x20, s15, s12, $0xb8;
	[tilespmem:$0x1A520] =	vst v63  }
0x6b: {  	s13 =	simm.s32 $0x980;
	s14 =	simm.s32 $0x13500  }
0x6c: {  	[tilespmem:s14], [sflag:$0x2] =	stream.indirect.gather [hbm4b:s5+s12], $0x20, s13, s12, $0xb8;
	[tilespmem:$0x1A520] =	vst v63  }
0x6d: {  	s15 =	simm.s32 $0x9C0;
	s16 =	simm.s32 $0x13D00  }
0x6e: {  	[tilespmem:s16], [sflag:$0x2] =	stream.indirect.gather [hbm4b:s5+s12], $0x20, s15, s12, $0xb8;
	[tilespmem:$0x1A520] =	vst v63  }
0x6f: {  	s13 =	simm.s32 $0xA00;
	s14 =	simm.s32 $0x14500  }
0x70: {  	[tilespmem:s14], [sflag:$0x2] =	stream.indirect.gather [hbm4b:s5+s12], $0x20, s13, s12, $0xb8;
	[tilespmem:$0x1A520] =	vst v63  }
0x71: {  	s15 =	simm.s32 $0xA40;
	s16 =	simm.s32 $0x14D00  }
0x72: {  	[tilespmem:s16], [sflag:$0x2] =	stream.indirect.gather [hbm4b:s5+s12], $0x20, s15, s12, $0xb8;
	[tilespmem:$0x1A520] =	vst v63  }
0x73: {  	s13 =	simm.s32 $0xA80;
	s14 =	simm.s32 $0x15500  }
0x74: {  	[tilespmem:s14], [sflag:$0x2] =	stream.indirect.gather [hbm4b:s5+s12], $0x20, s13, s12, $0xb8;
	[tilespmem:$0x1A520] =	vst v63  }
0x75: {  	s15 =	simm.s32 $0xAC0;
	s16 =	simm.s32 $0x15D00  }
0x76: {  	[tilespmem:s16], [sflag:$0x2] =	stream.indirect.gather [hbm4b:s5+s12], $0x20, s15, s12, $0xb8;
	[tilespmem:$0x1A520] =	vst v63  }
0x77: {  	s13 =	simm.s32 $0xB00;
	s14 =	simm.s32 $0x16500  }
0x78: {  	[tilespmem:s14], [sflag:$0x2] =	stream.indirect.gather [hbm4b:s5+s12], $0x20, s13, s12, $0xb8;
	[tilespmem:$0x1A520] =	vst v63  }
0x79: {  	s15 =	simm.s32 $0xB40;
	s16 =	simm.s32 $0x16D00  }
0x7a: {  	[tilespmem:s16], [sflag:$0x2] =	stream.indirect.gather [hbm4b:s5+s12], $0x20, s15, s12, $0xb8;
	[tilespmem:$0x1A520] =	vst v63  }
0x7b: {  	s13 =	simm.s32 $0xB80  }
0x7c: {  	[tilespmem:s17], [sflag:$0x2] =	stream.indirect.gather [hbm4b:s5+s12], $0x20, s13, s12, $0xb8;
	[tilespmem:$0x1A520] =	vst v63  }
0x7d: {  	_ = 	snop  }
0x7e: {  	[tilespmem:s6], [sflag:$0x2] =	stream.indirect.gather [hbm4b:s5+s12], $0x20, s18, s12, $0xb8;
	[tilespmem:$0x1A520] =	vst v63  }
0x7f: {  	_ = 	snop  }
0x80: {  	[tilespmem:s20], [sflag:$0x2] =	stream.indirect.gather [hbm4b:s5+s12], $0x20, s9, s12, $0xb8;
	[tilespmem:$0x1A520] =	vst v63  }
0x81: {  	p0 =	seq.s32 s31, $0x0  }
0x82: {  	[tilespmem:s22], [sflag:$0x2] =	stream.indirect.gather [hbm4b:s5+s12], $0x20, s21, s12, $0xb8;
	[tilespmem:$0x1A520] =	vst v63  }
0x83: {  	s0 =	simm.s32 @!p0 $0x3  }
0x84: {  	[tilespmem:s24], [sflag:$0x2] =	stream.indirect.gather [hbm4b:s5+s12], $0x20, s23, s12, $0xb8;
	[tilespmem:$0x1A520] =	vst v63  }
0x85: {  	_ =	swait.ge @!p0 [sflag:s0], $0x400  }
0x86: {  	[sflag:s0] =	ssyncset.done @!p0 $0x0  }
0x87: {  	[sflag:s0] =	ssyncadd.s32 @!p0 $0xFFFFFC00  }
0x88: {  	_ =	swait.ge [sflag:s25], $0xC800  }
0x89: {  	[sflag:s25] =	ssyncset.done $0x0  }
0x8a: {  	s0 =	simm.s32 $0x1020;
	[sflag:s25] =	ssyncadd.s32 $0xFFFF3800  }
0x8b: {  	v7 =	vld [tilespmem:s0+$0xFFFFFDF0]  }
0x8c: {  	v8 =	vld [tilespmem:s0+$0xFFFFFE10]  }
0x8d: {  	v9 =	vld [tilespmem:s0+$0x270]  }
0x8e: {  	v10 =	vld [tilespmem:s0+$0x2D0]  }
0x8f: {  	v11 =	vld [tilespmem:s0+$0x250]  }
0x90: {  	v12 =	vld [tilespmem:s0+$0x290]  }
0x91: {  	v13 =	vld [tilespmem:s0+$0x2B0]  }
0x92: {  	v14 =	vld [tilespmem:s0+$0x230]  }
0x93: {  	v15 =	vld [tilespmem:s0+$0x210]  }
0x94: {  	v16 =	vld [tilespmem:s0+$0x1F0]  }
0x95: {  	v17 =	vld [tilespmem:s0+$0x1D0]  }
0x96: {  	v18 =	vld [tilespmem:s0+$0x1B0]  }
0x97: {  	v19 =	vld [tilespmem:s0+$0x190]  }
0x98: {  	v20 =	vld [tilespmem:s0+$0x170]  }
0x99: {  	v21 =	vld [tilespmem:s0+$0x150]  }
0x9a: {  	v22 =	vld [tilespmem:s0+$0x130]  }
0x9b: {  	v23 =	vld [tilespmem:s0+$0x110]  }
0x9c: {  	v24 =	vld [tilespmem:s0+$0xF0]  }
0x9d: {  	v5 =	vld [tilespmem:s0+$0x300]  }
0x9e: {  	v25 =	vld [tilespmem:s0+$0xFFFFFF90]  }
0x9f: {  	v26 =	vld [tilespmem:s0+$0xD0]  }
0xa0: {  	v27 =	vld [tilespmem:s0+$0xFFFFFEF0]  }
0xa1: {  	v28 =	vld [tilespmem:s0+$0xFFFFFFB0]  }
0xa2: {  	v29 =	vld [tilespmem:s0+$0xB0]  }
0xa3: {  	v30 =	vld [tilespmem:s0+$0x90]  }
0xa4: {  	v31 =	vld [tilespmem:s0+$0x70]  }
0xa5: {  	v32 =	vld [tilespmem:s0+$0x50]  }
0xa6: {  	v33 =	vld [tilespmem:s0+$0x30]  }
0xa7: {  	v34 =	vld [tilespmem:s0+$0x10]  }
0xa8: {  	v35 =	vld [tilespmem:s0+$0xFFFFFFF0]  }
0xa9: {  	v36 =	vld [tilespmem:s0+$0xFFFFFFD0]  }
0xaa: {  	v37 =	vld [tilespmem:s0+$0xFFFFFF70]  }
0xab: {  	v38 =	vld [tilespmem:s0+$0xFFFFFF50]  }
0xac: {  	v39 =	vld [tilespmem:s0+$0xFFFFFF30]  }
0xad: {  	v40 =	vld [tilespmem:s0+$0xFFFFFF10]  }
0xae: {  	v41 =	vld [tilespmem:s0+$0xFFFFFE70]  }
0xaf: {  	v42 =	vld [tilespmem:s0+$0xFFFFFE30]  }
0xb0: {  	v43 =	vld [tilespmem:s0+$0xFFFFFE50]  }
0xb1: {  	v44 =	vld [tilespmem:s0+$0xFFFFFED0]  }
0xb2: {  	v45 =	vld [tilespmem:s0+$0xFFFFFEB0]  }
0xb3: {  	v46 =	vld [tilespmem:s0+$0xFFFFFE90]  }
0xb4: {  	v47 =	vld [tilespmem:s0+$0xFFFFFDD0]  }
0xb5: {  	v48 =	vld [tilespmem:s0+$0xFFFFFDB0]  }
0xb6: {  	v49 =	vld [tilespmem:s0+$0xFFFFFD90]  }
0xb7: {  	v50 =	vld [tilespmem:s0+$0xFFFFFD70]  }
0xb8: {  	v51 =	vld [tilespmem:s0+$0xFFFFFD50]  }
0xb9: {  	v52 =	vld [tilespmem:s0+$0xFFFFFD30]  }
0xba: {  	v53 =	vld [tilespmem:s0+$0xFFFFFD10]  }
0xbb: {  	v54 =	vld [tilespmem:s0+$0xFFFFFCF0]  }
0xbc: {  	v55 =	vld [tilespmem:s0+$0x2C0]  }
0xbd: {  	v56 =	vld [tilespmem:s0+$0x2A0]  }
0xbe: {  	v57 =	vld [tilespmem:s0+$0x280]  }
0xbf: {  	v58 =	vld [tilespmem:s0+$0x260]  }
0xc0: {  	v60 =	vld [tilespmem:s0+$0x220]  }
0xc1: {  	v62 =	vld [tilespmem:s0+$0x1E0]  }
0xc2: {  	v63 =	vld [tilespmem:s0+$0x1C0]  }
0xc3: {  	v61 =	vld [tilespmem:s0+$0x180]  }
0xc4: {  	v6 =	vld [tilespmem:s0+$0x160]  }
0xc5: {  	v59 =	vld [tilespmem:s0+$0x140]  }
0xc6: {  	[tilespmem:$0x1FFE0] =	vst v5;
	v5 =	vld [tilespmem:s0+$0x2E0]  }
0xc7: {  	v10 =	vadd.f32 v10, v13;
	v13 =	vadd.f32 v15, v16;
	v15 =	vld [tilespmem:s0+$0x120]  }
0xc8: {  	v11 =	vadd.f32 v11, v14;
	v16 =	vld [tilespmem:s0+$0x100]  }
0xc9: {  	v14 =	vadd.f32 v17, v18;
	v9 =	vadd.f32 v12, v9;
	v12 =	vld [tilespmem:s0+$0xE0]  }
0xca: {  	v17 =	vadd.f32 v19, v20;
	v19 =	vadd.f32 v21, v22;
	v21 =	vld [tilespmem:s0+$0xC0]  }
0xcb: {  	v22 =	vld [tilespmem:s0+$0x20]  }
0xcc: {  	v33 =	vadd.f32 v32, v33;
	v32 =	vld [tilespmem:s0+$0xFFFFFF80]  }
0xcd: {  	v36 =	vadd.f32 v36, v28;
	v25 =	vadd.f32 v25, v37;
	v37 =	vld [tilespmem:s0+$0xFFFFFF40]  }
0xce: {  	v27 =	vadd.f32 v40, v27;
	v40 =	vadd.f32 v44, v45;
	v28 =	vld [tilespmem:s0+$0xFFFFFEC0]  }
0xcf: {  	v45 =	vadd.f32 v51, v52;
	v52 =	vadd.f32 v55, v56;
	v56 =	vld [tilespmem:s0+$0xFFFFFEA0]  }
0xd0: {  	v55 =	vadd.f32 v57, v58;
	v58 =	vld [tilespmem:s0+$0xFFFFFE80]  }
0xd1: {  	v20 =	vadd.f32 v23, v24;
	v9 =	vadd.f32 v10, v9;
	v10 =	vld [tilespmem:s0+$0xA0]  }
0xd2: {  	s14 =	simm.s32 $0x0;
	v41 =	vadd.f32 v46, v41;
	v14 =	vadd.f32 v14, v17;
	v17 =	vld [tilespmem:s0+$0x80]  }
0xd3: {  	v18 =	vadd.s32 s14, v1;
	v46 =	vadd.f32 v53, v54;
	v19 =	vadd.f32 v19, v20;
	v20 =	vld [tilespmem:s0+$0x60]  }
0xd4: {  	s13 =	simm.s32 $0x30;
	v11 =	vadd.f32 v11, v13;
	v13 =	vadd.f32 v30, v31;
	v30 =	vld [tilespmem:s0+$0xFFFFFFC0]  }
0xd5: {  	s15 =	simm.s32 $0x10;
	v23 =	vadd.s32 s13, v1;
	v44 =	vadd.f32 v49, v50;
	v50 =	vadd.f32 v45, v46;
	v45 =	vld [tilespmem:s0+$0xFFFFFDA0]  }
0xd6: {  	v24 =	vadd.s32 s15, v1;
	v46 =	vld [tilespmem:s0+$0xFFFFFD80]  }
0xd7: {  	s16 =	simm.s32 $0x20;
	v14 =	vadd.f32 v14, v19;
	v19 =	vld [tilespmem:s0+$0x40]  }
0xd8: {  	v9 =	vadd.f32 v9, v11;
	v11 =	vld.idx.msk [tilespmem:v18+s2+$0x0], $0xffff;
	v18 =	vadd.s32 s16, v1  }
0xd9: {  	[tilespmem:$0x1FFF0] =	vst v5;
	v5 =	vld [tilespmem:s0+$0x240]  }
0xda: {  	v23 =	vld.idx.msk [tilespmem:v23+s2+$0x0], $0x3  }
0xdb: {  	v8 =	vadd.f32 v8, v7;
	v7 =	vadd.f32 v9, v14;
	v9 =	vld.idx.msk [tilespmem:v24+s2+$0x0], $0xffff  }
0xdc: {  	v35 =	vadd.f32 v34, v35;
	v14 =	vadd.f32 v26, v29;
	v29 =	vld [tilespmem:s0+$0x0]  }
0xdd: {  	v18 =	vld.idx.msk [tilespmem:v18+s2+$0x0], $0xffff  }
0xde: {  	v24 =	vadd.f32 v33, v35;
	v26 =	vld [tilespmem:s0+$0xFFFFFFE0];
	v13 =	vadd.f32 v14, v13;
	vm0 =	veq.s32 v11, $0x0  }
0xdf: {  	v33 =	vld [tilespmem:s0+$0xFFFFFF00];
	v14 =	vadd.f32 v36, v25;
	v25 =	vadd.f32 v43, v42;
	v42 =	vsel vm0, $0x3F800000, v0  }
0xe0: {  	[tilespmem:$0x1FFC0] =	vst v5;
	v5 =	vld [tilespmem:s0+$0x200];
	vm13 =	veq.s32 v9, $0x0;
	(xrf2) =	vadd.scan.msk.f32 $0xffff, v42  }
0xe1: {  	v43 =	vadd.f32 v47, v48;
	v48 =	vadd.f32 v40, v41;
	v40 =	vld [tilespmem:s0+$0xFFFFFE20];
	v47 =	vsel vm13, $0x3F800000, v0  }
0xe2: {  	v39 =	vadd.f32 v38, v39;
	v41 =	vld [tilespmem:s0+$0xFFFFFE00];
	(xrf2) =	vadd.scan.msk.f32 $0xffff, v47;
	vm14 =	veq.s32 v18, $0x0  }
0xe3: {  	v15 =	vadd.f32 v59, v15;
	v12 =	vadd.f32 v16, v12;
	v11 =	vld [tilespmem:s0+$0xFFFFFFA0];
	v51 =	vsel vm14, $0x3F800000, v0  }
0xe4: {  	v6 =	vadd.f32 v61, v6;
	v56 =	vadd.f32 v28, v56;
	vm15 =	veq.s32 v23, $0x0;
	v23 =	vld [tilespmem:s0+$0xFFFFFEE0];
	(xrf2) =	vadd.scan.msk.f32 $0xffff, v51  }
0xe5: {  	v12 =	vadd.f32 v15, v12;
	v10 =	vadd.f32 v21, v10;
	v54 =	vnsel vm15, $0x0, v2;
	[tilespmem:$0x1FFD0] =	vst v5;
	v5 =	vld [tilespmem:s0+$0x1A0]  }
0xe6: {  	v17 =	vadd.f32 v17, v20;
	v13 =	vadd.f32 v13, v24;
	v9 =	vld [tilespmem:s0+$0xFFFFFF60];
	(xrf2) =	vadd.scan.msk.f32 $0xffff, v54  }
0xe7: {  	v24 =	vadd.f32 v39, v27;
	v8 =	vadd.f32 v25, v8;
	v57 =	vld [tilespmem:$0x1FFC0]  }
0xe8: {  	v19 =	vadd.f32 v19, v22;
	v49 =	vadd.f32 v43, v44;
	v42 =	vld [tilespmem:s0+$0xFFFFFDE0]  }
0xe9: {  	v14 =	vadd.f32 v14, v24;
	v8 =	vadd.f32 v48, v8;
	v48 =	vld [tilespmem:s0+$0xFFFFFD60]  }
0xea: {  	v53 =	vadd.f32 v49, v50;
	v50 =	vld [tilespmem:$0x1FFE0];
	v5 =	vadd.f32 v63, v5;
	v39, _, _ =	vpop (xrf2)  }
0xeb: {  	v24 =	vadd.f32 v52, v55;
	v52 =	vld [tilespmem:s0+$0xFFFFFD40];
	(v2sf) =	vpush v39, $0xF  }
0xec: {  	v10 =	vadd.f32 v10, v17;
	v55 =	vld [tilespmem:s0+$0xFFFFFCE0];
	v5 =	vadd.f32 v5, v6;
	v6, _, _ =	vpop (xrf2)  }
0xed: {  	v8 =	vadd.f32 v8, v53;
	v53 =	vld [tilespmem:s0+$0xFFFFFD20];
	(v2sf) =	vpush v6, $0xF  }
0xee: {  	v47 =	vadd.f32 v29, v26;
	v27 =	vadd.f32 v57, v60;
	v60 =	vld [tilespmem:$0x1FFD0];
	v44, _, _ =	vpop (xrf2)  }
0xef: {  	v13 =	vadd.f32 v13, v14;
	v18 =	vld [tilespmem:s0+$0xFFFFFF20];
	(v2sf) =	vpush v44, $0xF  }
0xf0: {  	v19 =	vadd.f32 v19, v47;
	v11 =	vadd.f32 v30, v11;
	v51 =	vld [tilespmem:$0x1FFF0];
	v49, _, _ =	vpop (xrf2)  }
0xf1: {  	v23 =	vadd.f32 v33, v23;
	v54 =	vld [tilespmem:s0+$0xFFFFFD00];
	(v2sf) =	vpush v49, $0xF  }
0xf2: {  	v9 =	vadd.f32 v32, v9;
	v15 =	vadd.f32 v41, v42;
	v63 =	vld [tilespmem:s0+$0xFFFFFE40]  }
0xf3: {  	v16 =	vadd.f32 v46, v48;
	v34 =	vadd.f32 v60, v62;
	v62 =	vld [tilespmem:s0+$0xFFFFFE60]  }
0xf4: {  	v10 =	vadd.f32 v10, v19;
	v18 =	vadd.f32 v37, v18;
	v6 =	vld [tilespmem:s0+$0xFFFFFDC0]  }
0xf5: {  	v9 =	vadd.f32 v11, v9;
	v17 =	vadd.f32 v52, v53  }
0xf6: {  	v26 =	vadd.f32 v50, v51;
	v57 =	vadd.f32 v18, v23  }
0xf7: {  	v38 =	vadd.f32 v27, v34;
	v20 =	vadd.f32 v54, v55  }
0xf8: {  	v61 =	vld [tilespmem:s0+$0x2F0];
	v5 =	vadd.f32 v5, v12;
	v59 =	vadd.f32 v63, v40  }
0xf9: {  	v60 =	vld [tilespmem:s0+$0x310];
	v58 =	vadd.f32 v58, v62;
	v6 =	vadd.f32 v6, v45  }
0xfa: {  	v62 =	vadd.f32 v17, v20;
	v15 =	vadd.f32 v59, v15;
	s14 =	spop (v2sf)  }
0xfb: {  	v11 =	vadd.f32 v56, v58;
	v6 =	vadd.f32 v6, v16;
	s10 =	sadd.f32 $0.0e+00, s14  }
0xfc: {  	v9 =	vadd.f32 v9, v57;
	v43 =	vadd.f32 v24, v38;
	s13 =	spop (v2sf)  }
0xfd: {  	v11 =	vadd.f32 v11, v15;
	v6 =	vadd.f32 v6, v62;
	s10 =	sadd.f32 s13, s10  }
0xfe: {  	v63 =	vadd.f32 v60, v61;
	v9 =	vadd.f32 v10, v9;
	s15 =	spop (v2sf)  }
0xff: {  	v5 =	vadd.f32 v43, v5;
	v6 =	vadd.f32 v11, v6;
	s10 =	sadd.f32 s15, s10  }
0x100: {  	v8 =	vadd.f32 v13, v8;
	v7 =	vadd.f32 v7, v63;
	s16 =	spop (v2sf)  }
0x101: {  	v5 =	vadd.f32 v5, v26;
	v6 =	vadd.f32 v9, v6;
	s10 =	sadd.f32 s16, s10  }
0x102: {  	v7 =	vadd.f32 v7, v8  }
0x103: {  	v5 =	vadd.f32 v5, v6;
	v6 =	vmul.f32 s10, v3;
	v8 =	vmul.f32 s10, v4;
	_ =	sdelay $0x1  }
0x104: {  	s14 =	simm.s32 $0x62;
	s13 =	simm.s32 $0x19D10;
	s10 =	simm.s32 $0x19D10;
	v5 =	vsub.f32 v5, v6;
	v6 =	vsub.f32 v7, v8  }
.LBB2_3:
0x105: {  	p0 =	sne.s32 s14, $0x63E;
	s13 =	sadd.s32 $0x20, s13;
	s0 =	sadd.s32 $0x640, s0  }
0x106: {  	s15 =	smov.u32 s14;
	s14 =	sadd.s32 $0x32, s14;
	v5 =	vmul.f32 $1.999999960e-02, v5;
	v6 =	vmul.f32 $1.999999960e-02, v6;
	_ =	sdelay $0x1  }
0x107: {  	[tilespmem:s10+$0xFFFFFFF0] =	vst v5  }
0x108: {  	[tilespmem:s10+$0x0] =	vst v6;
	s10 =	smov.u32 s13  }
0x109: {  	v5 =	vld [tilespmem:s0+$0xFFFFFDF0]  }
0x10a: {  	v6 =	vld [tilespmem:s0+$0xFFFFFE10]  }
0x10b: {  	v7 =	vld [tilespmem:s0+$0x270]  }
0x10c: {  	v8 =	vld [tilespmem:s0+$0x2D0]  }
0x10d: {  	v9 =	vld [tilespmem:s0+$0x250]  }
0x10e: {  	v10 =	vld [tilespmem:s0+$0x290]  }
0x10f: {  	v11 =	vld [tilespmem:s0+$0x2B0];
	v12 =	vadd.f32 v6, v5  }
0x110: {  	v5 =	vld [tilespmem:s0+$0x230]  }
0x111: {  	v6 =	vld [tilespmem:s0+$0x210]  }
0x112: {  	v13 =	vld [tilespmem:s0+$0x1F0]  }
0x113: {  	v14 =	vld [tilespmem:s0+$0x1D0]  }
0x114: {  	v15 =	vld [tilespmem:s0+$0x1B0];
	v8 =	vadd.f32 v8, v11  }
0x115: {  	v11 =	vld [tilespmem:s0+$0x190]  }
0x116: {  	v16 =	vld [tilespmem:s0+$0x170]  }
0x117: {  	v5 =	vadd.f32 v9, v5;
	v17 =	vld [tilespmem:s0+$0x150];
	v6 =	vadd.f32 v6, v13  }
0x118: {  	v9 =	vld [tilespmem:s0+$0x130]  }
0x119: {  	v13 =	vld [tilespmem:s0+$0x110];
	v14 =	vadd.f32 v14, v15;
	v5 =	vadd.f32 v5, v6  }
0x11a: {  	v15 =	vld [tilespmem:s0+$0xF0]  }
0x11b: {  	v6 =	vld [tilespmem:s0+$0x300];
	v11 =	vadd.f32 v11, v16  }
0x11c: {  	v16 =	vld [tilespmem:s0+$0xFFFFFF90]  }
0x11d: {  	v18 =	vld [tilespmem:s0+$0xD0];
	v9 =	vadd.f32 v17, v9  }
0x11e: {  	v7 =	vadd.f32 v10, v7;
	v17 =	vld [tilespmem:s0+$0xFFFFFEF0]  }
0x11f: {  	v10 =	vld [tilespmem:s0+$0xFFFFFFB0];
	v13 =	vadd.f32 v13, v15  }
0x120: {  	v7 =	vadd.f32 v8, v7;
	v15 =	vld [tilespmem:s0+$0xB0]  }
0x121: {  	v11 =	vadd.f32 v14, v11;
	v8 =	vld [tilespmem:s0+$0x90];
	v9 =	vadd.f32 v9, v13  }
0x122: {  	v13 =	vld [tilespmem:s0+$0x70]  }
0x123: {  	v5 =	vadd.f32 v7, v5;
	v14 =	vld [tilespmem:s0+$0x50];
	v9 =	vadd.f32 v11, v9  }
0x124: {  	v7 =	vld [tilespmem:s0+$0x30]  }
0x125: {  	v11 =	vld [tilespmem:s0+$0x10];
	v5 =	vadd.f32 v5, v9  }
0x126: {  	v9 =	vld [tilespmem:s0+$0xFFFFFFF0]  }
0x127: {  	v19 =	vld [tilespmem:s0+$0xFFFFFFD0];
	v8 =	vadd.f32 v8, v13;
	v13 =	vadd.f32 v18, v15  }
0x128: {  	v15 =	vld [tilespmem:s0+$0xFFFFFF70]  }
0x129: {  	v18 =	vld [tilespmem:s0+$0xFFFFFF50];
	v7 =	vadd.f32 v14, v7;
	v8 =	vadd.f32 v13, v8  }
0x12a: {  	v13 =	vld [tilespmem:s0+$0xFFFFFF30]  }
0x12b: {  	v14 =	vld [tilespmem:s0+$0xFFFFFF10];
	v9 =	vadd.f32 v11, v9  }
0x12c: {  	v11 =	vld [tilespmem:s0+$0xFFFFFE70];
	v10 =	vadd.f32 v19, v10  }
0x12d: {  	v19 =	vld [tilespmem:s0+$0xFFFFFE30];
	v15 =	vadd.f32 v16, v15;
	v7 =	vadd.f32 v7, v9  }
0x12e: {  	v9 =	vld [tilespmem:s0+$0xFFFFFE50]  }
0x12f: {  	v16 =	vld [tilespmem:s0+$0x2E0];
	v13 =	vadd.f32 v18, v13;
	v10 =	vadd.f32 v10, v15  }
0x130: {  	v7 =	vadd.f32 v8, v7;
	v15 =	vld [tilespmem:s0+$0xFFFFFED0];
	v14 =	vadd.f32 v14, v17  }
0x131: {  	v8 =	vld [tilespmem:s0+$0xFFFFFEB0]  }
0x132: {  	v17 =	vld [tilespmem:s0+$0xFFFFFE90];
	v13 =	vadd.f32 v13, v14  }
0x133: {  	v14 =	vld [tilespmem:s0+$0xFFFFFDD0];
	v9 =	vadd.f32 v9, v19  }
0x134: {  	v18 =	vld [tilespmem:s0+$0xFFFFFDB0];
	v10 =	vadd.f32 v10, v13  }
0x135: {  	v13 =	vld [tilespmem:s0+$0xFFFFFD90];
	v9 =	vadd.f32 v9, v12  }
0x136: {  	v12 =	vld [tilespmem:s0+$0xFFFFFD70];
	v8 =	vadd.f32 v15, v8  }
0x137: {  	v15 =	vld [tilespmem:s0+$0xFFFFFD50];
	v11 =	vadd.f32 v17, v11  }
0x138: {  	v17 =	vld [tilespmem:s0+$0xFFFFFD30]  }
0x139: {  	v19 =	vld [tilespmem:s0+$0xFFFFFD10];
	v14 =	vadd.f32 v14, v18;
	v8 =	vadd.f32 v8, v11  }
0x13a: {  	v11 =	vld [tilespmem:s0+$0xFFFFFCF0]  }
0x13b: {  	v18 =	vld [tilespmem:s0+$0x2C0];
	v12 =	vadd.f32 v13, v12;
	v8 =	vadd.f32 v8, v9  }
0x13c: {  	v9 =	vld [tilespmem:s0+$0x2A0]  }
0x13d: {  	v13 =	vld [tilespmem:s0+$0x280];
	v15 =	vadd.f32 v15, v17;
	v12 =	vadd.f32 v14, v12  }
0x13e: {  	v14 =	vld [tilespmem:s0+$0x260]  }
0x13f: {  	v17 =	vld [tilespmem:s0+$0x240];
	v11 =	vadd.f32 v19, v11  }
0x140: {  	v19 =	vld [tilespmem:s0+$0x220]  }
0x141: {  	v20 =	vld [tilespmem:s0+$0x200];
	v9 =	vadd.f32 v18, v9;
	v11 =	vadd.f32 v15, v11  }
0x142: {  	v15 =	vld [tilespmem:s0+$0x1E0]  }
0x143: {  	v18 =	vld [tilespmem:s0+$0x1C0];
	v13 =	vadd.f32 v13, v14;
	v11 =	vadd.f32 v12, v11  }
0x144: {  	v7 =	vadd.f32 v7, v10;
	v12 =	vld [tilespmem:s0+$0x1A0]  }
0x145: {  	v10 =	vld [tilespmem:s0+$0x180];
	v14 =	vadd.f32 v17, v19;
	v8 =	vadd.f32 v8, v11  }
0x146: {  	v11 =	vld [tilespmem:s0+$0x160]  }
0x147: {  	v17 =	vld [tilespmem:s0+$0x140];
	v15 =	vadd.f32 v20, v15;
	v7 =	vadd.f32 v7, v8  }
0x148: {  	v8 =	vld [tilespmem:s0+$0x120]  }
0x149: {  	s16 =	sadd.s32 $0xFFFFFFD0, s15;
	v19 =	vld [tilespmem:s0+$0x100];
	v12 =	vadd.f32 v18, v12  }
0x14a: {  	v20 =	vadd.s32 s16, v1;
	v18 =	vld [tilespmem:s0+$0xE0]  }
0x14b: {  	s16 =	sadd.s32 $0xFFFFFFE0, s15;
	v21 =	vld [tilespmem:s0+$0xC0];
	v10 =	vadd.f32 v10, v11  }
0x14c: {  	v22 =	vadd.s32 s16, v1;
	v11 =	vld [tilespmem:s0+$0xA0]  }
0x14d: {  	v23 =	vld [tilespmem:s0+$0x80];
	v8 =	vadd.f32 v17, v8  }
0x14e: {  	s16 =	sadd.s32 $0xFFFFFFF0, s15;
	v17 =	vld [tilespmem:s0+$0x60]  }
0x14f: {  	v18 =	vadd.f32 v19, v18;
	v19 =	vld.idx.msk [tilespmem:v20+s2+$0x0], $0xffff;
	v20 =	vadd.s32 s16, v1  }
0x150: {  	v9 =	vadd.f32 v9, v13;
	v14 =	vadd.f32 v14, v15;
	v24 =	vld [tilespmem:s0+$0x40]  }
0x151: {  	v10 =	vadd.f32 v12, v10;
	v8 =	vadd.f32 v8, v18;
	v12 =	vld.idx.msk [tilespmem:v22+s2+$0x0], $0xffff  }
0x152: {  	v15 =	vadd.s32 s15, v1;
	v11 =	vadd.f32 v21, v11;
	v13 =	vld [tilespmem:s0+$0x20]  }
0x153: {  	v9 =	vadd.f32 v9, v14;
	v18 =	vld [tilespmem:s0+$0x0];
	v8 =	vadd.f32 v10, v8  }
0x154: {  	v10 =	vadd.f32 v23, v17;
	v14 =	vld.idx.msk [tilespmem:v20+s2+$0x0], $0xffff  }
0x155: {  	v6 =	vadd.f32 v6, v16;
	vm0 =	veq.s32 v19, $0x0;
	v17 =	vld [tilespmem:s0+$0xFFFFFFE0];
	v8 =	vadd.f32 v9, v8  }
0x156: {  	v16 =	vsel vm0, $0x3F800000, v0;
	v9 =	vld [tilespmem:s0+$0xFFFFFFC0]  }
0x157: {  	vm0 =	veq.s32 v12, $0x0;
	v13 =	vadd.f32 v24, v13;
	v6 =	vadd.f32 v8, v6;
	v8 =	vld.idx.msk [tilespmem:v15+s2+$0x0], $0x3;
	(xrf2) =	vadd.scan.msk.f32 $0xffff, v16  }
0x158: {  	v15 =	vsel vm0, $0x3F800000, v0;
	v12 =	vld [tilespmem:s0+$0xFFFFFFA0]  }
0x159: {  	v16 =	vld [tilespmem:s0+$0xFFFFFF80]  }
0x15a: {  	vm0 =	veq.s32 v14, $0x0;
	v19 =	vld [tilespmem:s0+$0xFFFFFF60];
	v17 =	vadd.f32 v18, v17;
	(xrf2) =	vadd.scan.msk.f32 $0xffff, v15  }
0x15b: {  	v15 =	vsel vm0, $0x3F800000, v0;
	v14 =	vld [tilespmem:s0+$0xFFFFFF40]  }
0x15c: {  	v10 =	vadd.f32 v11, v10;
	v18 =	vld [tilespmem:s0+$0xFFFFFF20];
	v13 =	vadd.f32 v13, v17  }
0x15d: {  	vm0 =	veq.s32 v8, $0x0;
	v11 =	vld [tilespmem:s0+$0xFFFFFF00];
	v9 =	vadd.f32 v9, v12;
	(xrf2) =	vadd.scan.msk.f32 $0xffff, v15  }
0x15e: {  	v12 =	vnsel vm0, $0x0, v2;
	v8 =	vld [tilespmem:s0+$0xFFFFFEE0];
	v10 =	vadd.f32 v10, v13  }
0x15f: {  	v13 =	vld [tilespmem:s0+$0xFFFFFEC0];
	v17 =	vadd.f32 v16, v19  }
0x160: {  	v16 =	vld [tilespmem:s0+$0xFFFFFEA0];
	(xrf2) =	vadd.scan.msk.f32 $0xffff, v12  }
0x161: {  	v12 =	vld [tilespmem:s0+$0xFFFFFE80];
	v14 =	vadd.f32 v14, v18;
	v9 =	vadd.f32 v9, v17;
	v15, _, _ =	vpop (xrf2)  }
0x162: {  	v17 =	vld [tilespmem:s0+$0xFFFFFE60];
	(v2sf) =	vpush v15, $0xF  }
0x163: {  	v15 =	vld [tilespmem:s0+$0xFFFFFE40];
	v8 =	vadd.f32 v11, v8  }
0x164: {  	v11 =	vld [tilespmem:s0+$0xFFFFFE20];
	v18, _, _ =	vpop (xrf2)  }
0x165: {  	v19 =	vld [tilespmem:s0+$0xFFFFFE00];
	v13 =	vadd.f32 v13, v16;
	(v2sf) =	vpush v18, $0xF  }
0x166: {  	v8 =	vadd.f32 v14, v8;
	v16 =	vld [tilespmem:s0+$0xFFFFFDE0]  }
0x167: {  	v14 =	vld [tilespmem:s0+$0xFFFFFDC0];
	v12 =	vadd.f32 v12, v17;
	v17, _, _ =	vpop (xrf2)  }
0x168: {  	v8 =	vadd.f32 v9, v8;
	v18 =	vld [tilespmem:s0+$0xFFFFFDA0];
	(v2sf) =	vpush v17, $0xF  }
0x169: {  	v9 =	vld [tilespmem:s0+$0xFFFFFD80];
	v11 =	vadd.f32 v15, v11;
	v12 =	vadd.f32 v13, v12  }
0x16a: {  	v8 =	vadd.f32 v10, v8;
	v13 =	vld [tilespmem:s0+$0xFFFFFD60];
	v10, _, _ =	vpop (xrf2)  }
0x16b: {  	v15 =	vld [tilespmem:s0+$0xFFFFFD40];
	v16 =	vadd.f32 v19, v16;
	(v2sf) =	vpush v10, $0xF  }
0x16c: {  	v10 =	vld [tilespmem:s0+$0xFFFFFD20]  }
0x16d: {  	v17 =	vld [tilespmem:s0+$0xFFFFFD00];
	v14 =	vadd.f32 v14, v18;
	v11 =	vadd.f32 v11, v16  }
0x16e: {  	v16 =	vld [tilespmem:s0+$0xFFFFFCE0]  }
0x16f: {  	v9 =	vadd.f32 v9, v13;
	v11 =	vadd.f32 v12, v11;
	_ =	sdelay $0x1  }
0x170: {  	v10 =	vadd.f32 v15, v10;
	v9 =	vadd.f32 v14, v9;
	s15 =	spop (v2sf)  }
0x171: {  	v12 =	vld [tilespmem:s0+$0x310];
	s15 =	sadd.f32 $0.0e+00, s15  }
0x172: {  	v13 =	vld [tilespmem:s0+$0x2F0];
	v14 =	vadd.f32 v17, v16  }
0x173: {  	s16 =	spop (v2sf)  }
0x174: {  	v10 =	vadd.f32 v10, v14;
	s15 =	sadd.f32 s16, s15;
	_ =	sdelay $0x1  }
0x175: {  	v9 =	vadd.f32 v9, v10;
	s16 =	spop (v2sf)  }
0x176: {  	v10 =	vadd.f32 v12, v13;
	s15 =	sadd.f32 s16, s15  }
0x177: {  	v9 =	vadd.f32 v11, v9  }
0x178: {  	v5 =	vadd.f32 v5, v10;
	s16 =	spop (v2sf)  }
.Ltmp0:
0x179: {  	v8 =	vadd.f32 v8, v9;
	s15 =	sadd.f32 s16, s15;
	(pc) =	sbr.rel @p0 .LBB2_3-.Ltmp0, $3  }
0x17a: {  	v7 =	vadd.f32 v5, v7  }
0x17b: {  	v5 =	vadd.f32 v6, v8;
	v6 =	vmul.f32 s15, v3;
	v8 =	vmul.f32 s15, v4;
	_ =	sdelay $0x1  }
0x17c: {  	v5 =	vsub.f32 v5, v6;
	v6 =	vsub.f32 v7, v8  }
0x17d: {  	_ = 	snop  }
0x17e: {  	v5 =	vmul.f32 $1.999999960e-02, v5  }
0x17f: {  	v6 =	vmul.f32 $1.999999960e-02, v6  }
0x180: {  	s0 =	sshll.u32 s31, $0x8;
	p0 =	seq.s32 s31, $0x7;
	[tilespmem:s10+$0xFFFFFFF0] =	vst v5  }
0x181: {  	s0 =	sadd.s32 s0, s7;
	[tilespmem:s10+$0x0] =	vst v6;
	s10 =	smul.u32 @!p0 $0xC80, s31  }
0x182: {  	[hbm4b:s0+s2] =	stream.linear.scatter [tilespmem:s26], [sflag:$0x3], $0x400, $0x38;
	[tilespmem:$0x1A520] =	vst v63  }
0x183: {  	s0 =	sadd.s32 @!p0 s10, s8  }
0x184: {  	s0 =	sshrl.u32 @!p0 s0, $0x3  }
0x185: {  	s10 =	simm.s32 @!p0 $0x0;
	s0 =	sadd.s32 @!p0 s4, s0  }
0x186: {  	[tilespmem:s10], [sflag:$0x5] =	stream.linear.gather @!p0 [hbm4b:s0+s10], $0x640, $0x38;
	[tilespmem:$0x1A520] =	vst v63  }
0x187: {  	s0 =	simm.s32 @!p0 $0x5  }
0x188: {  	_ =	swait.ge @!p0 [sflag:s0], $0x640  }
0x189: {  	[sflag:s0] =	ssyncset.done @!p0 $0x0  }
0x18a: {  	s13 =	simm.s32 @!p0 $0xD00;
	[sflag:s0] =	ssyncadd.s32 @!p0 $0xFFFFF9C0;
	s0 =	simm.s32 @!p0 $0x40  }
0x18b: {  	[tilespmem:s13], [sflag:$0x1] =	stream.indirect.gather @!p0 [hbm4b:s5+s0], $0x20, s10, s0, $0xb8;
	[tilespmem:$0x1A520] =	vst v63  }
0x18c: {  	s10 =	simm.s32 @!p0 $0x1500  }
0x18d: {  	[tilespmem:s10], [sflag:$0x1] =	stream.indirect.gather @!p0 [hbm4b:s5+s0], $0x20, s0, s0, $0xb8;
	[tilespmem:$0x1A520] =	vst v63  }
0x18e: {  	s13 =	simm.s32 @!p0 $0x1D00;
	s10 =	simm.s32 @!p0 $0x80  }
0x18f: {  	[tilespmem:s13], [sflag:$0x1] =	stream.indirect.gather @!p0 [hbm4b:s5+s0], $0x20, s10, s0, $0xb8;
	[tilespmem:$0x1A520] =	vst v63  }
0x190: {  	s10 =	simm.s32 @!p0 $0xC0;
	s13 =	simm.s32 @!p0 $0x2500  }
0x191: {  	[tilespmem:s13], [sflag:$0x1] =	stream.indirect.gather @!p0 [hbm4b:s5+s0], $0x20, s10, s0, $0xb8;
	[tilespmem:$0x1A520] =	vst v63  }
0x192: {  	s10 =	simm.s32 @!p0 $0x100;
	s13 =	simm.s32 @!p0 $0x2D00  }
0x193: {  	[tilespmem:s13], [sflag:$0x1] =	stream.indirect.gather @!p0 [hbm4b:s5+s0], $0x20, s10, s0, $0xb8;
	[tilespmem:$0x1A520] =	vst v63  }
0x194: {  	s10 =	simm.s32 @!p0 $0x140;
	s13 =	simm.s32 @!p0 $0x3500  }
0x195: {  	[tilespmem:s13], [sflag:$0x1] =	stream.indirect.gather @!p0 [hbm4b:s5+s0], $0x20, s10, s0, $0xb8;
	[tilespmem:$0x1A520] =	vst v63  }
0x196: {  	s10 =	simm.s32 @!p0 $0x180;
	s13 =	simm.s32 @!p0 $0x3D00  }
0x197: {  	[tilespmem:s13], [sflag:$0x1] =	stream.indirect.gather @!p0 [hbm4b:s5+s0], $0x20, s10, s0, $0xb8;
	[tilespmem:$0x1A520] =	vst v63  }
0x198: {  	s10 =	simm.s32 @!p0 $0x1C0;
	s13 =	simm.s32 @!p0 $0x4500  }
0x199: {  	[tilespmem:s13], [sflag:$0x1] =	stream.indirect.gather @!p0 [hbm4b:s5+s0], $0x20, s10, s0, $0xb8;
	[tilespmem:$0x1A520] =	vst v63  }
0x19a: {  	s10 =	simm.s32 @!p0 $0x200;
	s13 =	simm.s32 @!p0 $0x4D00  }
0x19b: {  	[tilespmem:s13], [sflag:$0x1] =	stream.indirect.gather @!p0 [hbm4b:s5+s0], $0x20, s10, s0, $0xb8;
	[tilespmem:$0x1A520] =	vst v63  }
0x19c: {  	s10 =	simm.s32 @!p0 $0x240;
	s13 =	simm.s32 @!p0 $0x5500  }
0x19d: {  	[tilespmem:s13], [sflag:$0x1] =	stream.indirect.gather @!p0 [hbm4b:s5+s0], $0x20, s10, s0, $0xb8;
	[tilespmem:$0x1A520] =	vst v63  }
0x19e: {  	s10 =	simm.s32 @!p0 $0x280;
	s13 =	simm.s32 @!p0 $0x5D00  }
0x19f: {  	[tilespmem:s13], [sflag:$0x1] =	stream.indirect.gather @!p0 [hbm4b:s5+s0], $0x20, s10, s0, $0xb8;
	[tilespmem:$0x1A520] =	vst v63  }
0x1a0: {  	s10 =	simm.s32 @!p0 $0x2C0;
	s13 =	simm.s32 @!p0 $0x6500  }
0x1a1: {  	[tilespmem:s13], [sflag:$0x1] =	stream.indirect.gather @!p0 [hbm4b:s5+s0], $0x20, s10, s0, $0xb8;
	[tilespmem:$0x1A520] =	vst v63  }
0x1a2: {  	s10 =	simm.s32 @!p0 $0x300;
	s13 =	simm.s32 @!p0 $0x6D00  }
0x1a3: {  	[tilespmem:s13], [sflag:$0x1] =	stream.indirect.gather @!p0 [hbm4b:s5+s0], $0x20, s10, s0, $0xb8;
	[tilespmem:$0x1A520] =	vst v63  }
0x1a4: {  	s10 =	simm.s32 @!p0 $0x340;
	s13 =	simm.s32 @!p0 $0x7500  }
0x1a5: {  	[tilespmem:s13], [sflag:$0x1] =	stream.indirect.gather @!p0 [hbm4b:s5+s0], $0x20, s10, s0, $0xb8;
	[tilespmem:$0x1A520] =	vst v63  }
0x1a6: {  	s10 =	simm.s32 @!p0 $0x380;
	s13 =	simm.s32 @!p0 $0x7D00  }
0x1a7: {  	[tilespmem:s13], [sflag:$0x1] =	stream.indirect.gather @!p0 [hbm4b:s5+s0], $0x20, s10, s0, $0xb8;
	[tilespmem:$0x1A520] =	vst v63  }
0x1a8: {  	s10 =	simm.s32 @!p0 $0x3C0;
	s13 =	simm.s32 @!p0 $0x8500  }
0x1a9: {  	[tilespmem:s13], [sflag:$0x1] =	stream.indirect.gather @!p0 [hbm4b:s5+s0], $0x20, s10, s0, $0xb8;
	[tilespmem:$0x1A520] =	vst v63  }
0x1aa: {  	s10 =	simm.s32 @!p0 $0x400;
	s13 =	simm.s32 @!p0 $0x8D00  }
0x1ab: {  	[tilespmem:s13], [sflag:$0x1] =	stream.indirect.gather @!p0 [hbm4b:s5+s0], $0x20, s10, s0, $0xb8;
	[tilespmem:$0x1A520] =	vst v63  }
0x1ac: {  	s10 =	simm.s32 @!p0 $0x440;
	s13 =	simm.s32 @!p0 $0x9500  }
0x1ad: {  	[tilespmem:s13], [sflag:$0x1] =	stream.indirect.gather @!p0 [hbm4b:s5+s0], $0x20, s10, s0, $0xb8;
	[tilespmem:$0x1A520] =	vst v63  }
0x1ae: {  	s10 =	simm.s32 @!p0 $0x480;
	s13 =	simm.s32 @!p0 $0x9D00  }
0x1af: {  	[tilespmem:s13], [sflag:$0x1] =	stream.indirect.gather @!p0 [hbm4b:s5+s0], $0x20, s10, s0, $0xb8;
	[tilespmem:$0x1A520] =	vst v63  }
0x1b0: {  	s10 =	simm.s32 @!p0 $0x4C0;
	s13 =	simm.s32 @!p0 $0xA500  }
0x1b1: {  	[tilespmem:s13], [sflag:$0x1] =	stream.indirect.gather @!p0 [hbm4b:s5+s0], $0x20, s10, s0, $0xb8;
	[tilespmem:$0x1A520] =	vst v63  }
0x1b2: {  	s10 =	simm.s32 @!p0 $0x500;
	s13 =	simm.s32 @!p0 $0xAD00  }
0x1b3: {  	[tilespmem:s13], [sflag:$0x1] =	stream.indirect.gather @!p0 [hbm4b:s5+s0], $0x20, s10, s0, $0xb8;
	[tilespmem:$0x1A520] =	vst v63  }
0x1b4: {  	s10 =	simm.s32 @!p0 $0x540;
	s13 =	simm.s32 @!p0 $0xB500  }
0x1b5: {  	[tilespmem:s13], [sflag:$0x1] =	stream.indirect.gather @!p0 [hbm4b:s5+s0], $0x20, s10, s0, $0xb8;
	[tilespmem:$0x1A520] =	vst v63  }
0x1b6: {  	s10 =	simm.s32 @!p0 $0x580;
	s13 =	simm.s32 @!p0 $0xBD00  }
0x1b7: {  	[tilespmem:s13], [sflag:$0x1] =	stream.indirect.gather @!p0 [hbm4b:s5+s0], $0x20, s10, s0, $0xb8;
	[tilespmem:$0x1A520] =	vst v63  }
0x1b8: {  	s10 =	simm.s32 @!p0 $0x5C0;
	s13 =	simm.s32 @!p0 $0xC500  }
0x1b9: {  	[tilespmem:s13], [sflag:$0x1] =	stream.indirect.gather @!p0 [hbm4b:s5+s0], $0x20, s10, s0, $0xb8;
	[tilespmem:$0x1A520] =	vst v63  }
0x1ba: {  	p1 =	seq.s32 @!p0 s31, $0x0;
	s10 =	simm.s32 @!p0 $0x600;
	s13 =	simm.s32 @!p0 $0xCD00  }
0x1bb: {  	[tilespmem:s13], [sflag:$0x1] =	stream.indirect.gather @!p0 [hbm4b:s5+s0], $0x20, s10, s0, $0xb8;
	[tilespmem:$0x1A520] =	vst v63  }
0x1bc: {  	p0 =	por p0, !p1  }
0x1bd: {  	_ =	swait.ge @p0 [sflag:s30], $0x400  }
0x1be: {  	[sflag:s30] =	ssyncset.done @p0 $0x0  }
0x1bf: {  	[sflag:s30] =	ssyncadd.s32 @p0 $0xFFFFFC00  }
0x1c0: {  	_ =	swait.ge [sflag:s28], $0xC800  }
0x1c1: {  	[sflag:s28] =	ssyncset.done $0x0  }
0x1c2: {  	s0 =	simm.s32 $0xD820;
	[sflag:s28] =	ssyncadd.s32 $0xFFFF3800  }
0x1c3: {  	v7 =	vld [tilespmem:s0+$0xFFFFFDF0]  }
0x1c4: {  	v8 =	vld [tilespmem:s0+$0xFFFFFE10]  }
0x1c5: {  	v9 =	vld [tilespmem:s0+$0x270]  }
0x1c6: {  	v10 =	vld [tilespmem:s0+$0x2D0]  }
0x1c7: {  	v11 =	vld [tilespmem:s0+$0x250]  }
0x1c8: {  	v12 =	vld [tilespmem:s0+$0x290]  }
0x1c9: {  	v13 =	vld [tilespmem:s0+$0x2B0]  }
0x1ca: {  	v14 =	vld [tilespmem:s0+$0x230]  }
0x1cb: {  	v15 =	vld [tilespmem:s0+$0x210]  }
0x1cc: {  	v16 =	vld [tilespmem:s0+$0x1F0]  }
0x1cd: {  	v17 =	vld [tilespmem:s0+$0x1D0]  }
0x1ce: {  	v18 =	vld [tilespmem:s0+$0x1B0]  }
0x1cf: {  	v19 =	vld [tilespmem:s0+$0x190]  }
0x1d0: {  	v20 =	vld [tilespmem:s0+$0x170]  }
0x1d1: {  	v21 =	vld [tilespmem:s0+$0x150]  }
0x1d2: {  	v22 =	vld [tilespmem:s0+$0x130]  }
0x1d3: {  	v23 =	vld [tilespmem:s0+$0x110]  }
0x1d4: {  	v24 =	vld [tilespmem:s0+$0xF0]  }
0x1d5: {  	v5 =	vld [tilespmem:s0+$0x300]  }
0x1d6: {  	v25 =	vld [tilespmem:s0+$0xFFFFFF90]  }
0x1d7: {  	v26 =	vld [tilespmem:s0+$0xD0]  }
0x1d8: {  	v27 =	vld [tilespmem:s0+$0xFFFFFEF0]  }
0x1d9: {  	v28 =	vld [tilespmem:s0+$0xFFFFFFB0]  }
0x1da: {  	v29 =	vld [tilespmem:s0+$0xB0]  }
0x1db: {  	v30 =	vld [tilespmem:s0+$0x90]  }
0x1dc: {  	v31 =	vld [tilespmem:s0+$0x70]  }
0x1dd: {  	v32 =	vld [tilespmem:s0+$0x50]  }
0x1de: {  	v33 =	vld [tilespmem:s0+$0x30]  }
0x1df: {  	v34 =	vld [tilespmem:s0+$0x10]  }
0x1e0: {  	v35 =	vld [tilespmem:s0+$0xFFFFFFF0]  }
0x1e1: {  	v36 =	vld [tilespmem:s0+$0xFFFFFFD0]  }
0x1e2: {  	v37 =	vld [tilespmem:s0+$0xFFFFFF70]  }
0x1e3: {  	v38 =	vld [tilespmem:s0+$0xFFFFFF50]  }
0x1e4: {  	v39 =	vld [tilespmem:s0+$0xFFFFFF30]  }
0x1e5: {  	v40 =	vld [tilespmem:s0+$0xFFFFFF10]  }
0x1e6: {  	v41 =	vld [tilespmem:s0+$0xFFFFFE70]  }
0x1e7: {  	v42 =	vld [tilespmem:s0+$0xFFFFFE30]  }
0x1e8: {  	v43 =	vld [tilespmem:s0+$0xFFFFFE50]  }
0x1e9: {  	v44 =	vld [tilespmem:s0+$0xFFFFFED0]  }
0x1ea: {  	v45 =	vld [tilespmem:s0+$0xFFFFFEB0]  }
0x1eb: {  	v46 =	vld [tilespmem:s0+$0xFFFFFE90]  }
0x1ec: {  	v47 =	vld [tilespmem:s0+$0xFFFFFDD0]  }
0x1ed: {  	v48 =	vld [tilespmem:s0+$0xFFFFFDB0]  }
0x1ee: {  	v49 =	vld [tilespmem:s0+$0xFFFFFD90]  }
0x1ef: {  	v50 =	vld [tilespmem:s0+$0xFFFFFD70]  }
0x1f0: {  	v51 =	vld [tilespmem:s0+$0xFFFFFD50]  }
0x1f1: {  	v52 =	vld [tilespmem:s0+$0xFFFFFD30]  }
0x1f2: {  	v53 =	vld [tilespmem:s0+$0xFFFFFD10]  }
0x1f3: {  	v54 =	vld [tilespmem:s0+$0xFFFFFCF0]  }
0x1f4: {  	v55 =	vld [tilespmem:s0+$0x2C0]  }
0x1f5: {  	v56 =	vld [tilespmem:s0+$0x2A0]  }
0x1f6: {  	v57 =	vld [tilespmem:s0+$0x280]  }
0x1f7: {  	v58 =	vld [tilespmem:s0+$0x260]  }
0x1f8: {  	v60 =	vld [tilespmem:s0+$0x220]  }
0x1f9: {  	v62 =	vld [tilespmem:s0+$0x1E0]  }
0x1fa: {  	v63 =	vld [tilespmem:s0+$0x1C0]  }
0x1fb: {  	v61 =	vld [tilespmem:s0+$0x180]  }
0x1fc: {  	v6 =	vld [tilespmem:s0+$0x160]  }
0x1fd: {  	v59 =	vld [tilespmem:s0+$0x140]  }
0x1fe: {  	[tilespmem:$0x1FFA0] =	vst v5;
	v5 =	vld [tilespmem:s0+$0x2E0]  }
0x1ff: {  	v10 =	vadd.f32 v10, v13;
	v13 =	vadd.f32 v15, v16;
	v15 =	vld [tilespmem:s0+$0x120]  }
0x200: {  	v11 =	vadd.f32 v11, v14;
	v16 =	vld [tilespmem:s0+$0x100]  }
0x201: {  	v14 =	vadd.f32 v17, v18;
	v9 =	vadd.f32 v12, v9;
	v12 =	vld [tilespmem:s0+$0xE0]  }
0x202: {  	v17 =	vadd.f32 v19, v20;
	v19 =	vadd.f32 v21, v22;
	v21 =	vld [tilespmem:s0+$0xC0]  }
0x203: {  	v22 =	vld [tilespmem:s0+$0x20]  }
0x204: {  	v33 =	vadd.f32 v32, v33;
	v32 =	vld [tilespmem:s0+$0xFFFFFF80]  }
0x205: {  	v36 =	vadd.f32 v36, v28;
	v25 =	vadd.f32 v25, v37;
	v37 =	vld [tilespmem:s0+$0xFFFFFF40]  }
0x206: {  	v27 =	vadd.f32 v40, v27;
	v40 =	vadd.f32 v44, v45;
	v28 =	vld [tilespmem:s0+$0xFFFFFEC0]  }
0x207: {  	v45 =	vadd.f32 v51, v52;
	v52 =	vadd.f32 v55, v56;
	v56 =	vld [tilespmem:s0+$0xFFFFFEA0]  }
0x208: {  	v55 =	vadd.f32 v57, v58;
	v58 =	vld [tilespmem:s0+$0xFFFFFE80]  }
0x209: {  	v20 =	vadd.f32 v23, v24;
	v9 =	vadd.f32 v10, v9;
	v10 =	vld [tilespmem:s0+$0xA0]  }
0x20a: {  	s13 =	simm.s32 $0x0;
	v41 =	vadd.f32 v46, v41;
	v14 =	vadd.f32 v14, v17;
	v17 =	vld [tilespmem:s0+$0x80]  }
0x20b: {  	v18 =	vadd.s32 s13, v1;
	v46 =	vadd.f32 v53, v54;
	v19 =	vadd.f32 v19, v20;
	v20 =	vld [tilespmem:s0+$0x60]  }
0x20c: {  	s16 =	simm.s32 $0x30;
	v11 =	vadd.f32 v11, v13;
	v13 =	vadd.f32 v30, v31;
	v30 =	vld [tilespmem:s0+$0xFFFFFFC0]  }
0x20d: {  	s14 =	simm.s32 $0x10;
	v23 =	vadd.s32 s16, v1;
	v44 =	vadd.f32 v49, v50;
	v50 =	vadd.f32 v45, v46;
	v45 =	vld [tilespmem:s0+$0xFFFFFDA0]  }
0x20e: {  	v24 =	vadd.s32 s14, v1;
	v46 =	vld [tilespmem:s0+$0xFFFFFD80]  }
0x20f: {  	s15 =	simm.s32 $0x20;
	v14 =	vadd.f32 v14, v19;
	v19 =	vld [tilespmem:s0+$0x40]  }
0x210: {  	v9 =	vadd.f32 v9, v11;
	v11 =	vld.idx.msk [tilespmem:v18+s19+$0x0], $0xffff;
	v18 =	vadd.s32 s15, v1  }
0x211: {  	[tilespmem:$0x1FFB0] =	vst v5;
	v5 =	vld [tilespmem:s0+$0x240]  }
0x212: {  	v23 =	vld.idx.msk [tilespmem:v23+s19+$0x0], $0x3  }
0x213: {  	v8 =	vadd.f32 v8, v7;
	v7 =	vadd.f32 v9, v14;
	v9 =	vld.idx.msk [tilespmem:v24+s19+$0x0], $0xffff  }
0x214: {  	v35 =	vadd.f32 v34, v35;
	v14 =	vadd.f32 v26, v29;
	v29 =	vld [tilespmem:s0+$0x0]  }
0x215: {  	v18 =	vld.idx.msk [tilespmem:v18+s19+$0x0], $0xffff  }
0x216: {  	v24 =	vadd.f32 v33, v35;
	v26 =	vld [tilespmem:s0+$0xFFFFFFE0];
	v13 =	vadd.f32 v14, v13;
	vm0 =	veq.s32 v11, $0x0  }
0x217: {  	v33 =	vld [tilespmem:s0+$0xFFFFFF00];
	v14 =	vadd.f32 v36, v25;
	v25 =	vadd.f32 v43, v42;
	v42 =	vsel vm0, $0x3F800000, v0  }
0x218: {  	[tilespmem:$0x1FF80] =	vst v5;
	v5 =	vld [tilespmem:s0+$0x200];
	vm13 =	veq.s32 v9, $0x0;
	(xrf2) =	vadd.scan.msk.f32 $0xffff, v42  }
0x219: {  	v43 =	vadd.f32 v47, v48;
	v48 =	vadd.f32 v40, v41;
	v40 =	vld [tilespmem:s0+$0xFFFFFE20];
	v47 =	vsel vm13, $0x3F800000, v0  }
0x21a: {  	v39 =	vadd.f32 v38, v39;
	v41 =	vld [tilespmem:s0+$0xFFFFFE00];
	(xrf2) =	vadd.scan.msk.f32 $0xffff, v47;
	vm14 =	veq.s32 v18, $0x0  }
0x21b: {  	v15 =	vadd.f32 v59, v15;
	v12 =	vadd.f32 v16, v12;
	v11 =	vld [tilespmem:s0+$0xFFFFFFA0];
	v51 =	vsel vm14, $0x3F800000, v0  }
0x21c: {  	v6 =	vadd.f32 v61, v6;
	v56 =	vadd.f32 v28, v56;
	vm15 =	veq.s32 v23, $0x0;
	v23 =	vld [tilespmem:s0+$0xFFFFFEE0];
	(xrf2) =	vadd.scan.msk.f32 $0xffff, v51  }
0x21d: {  	v12 =	vadd.f32 v15, v12;
	v10 =	vadd.f32 v21, v10;
	v54 =	vnsel vm15, $0x0, v2;
	[tilespmem:$0x1FF90] =	vst v5;
	v5 =	vld [tilespmem:s0+$0x1A0]  }
0x21e: {  	v17 =	vadd.f32 v17, v20;
	v13 =	vadd.f32 v13, v24;
	v9 =	vld [tilespmem:s0+$0xFFFFFF60];
	(xrf2) =	vadd.scan.msk.f32 $0xffff, v54  }
0x21f: {  	v24 =	vadd.f32 v39, v27;
	v8 =	vadd.f32 v25, v8;
	v57 =	vld [tilespmem:$0x1FF80]  }
0x220: {  	v19 =	vadd.f32 v19, v22;
	v49 =	vadd.f32 v43, v44;
	v42 =	vld [tilespmem:s0+$0xFFFFFDE0]  }
0x221: {  	v14 =	vadd.f32 v14, v24;
	v8 =	vadd.f32 v48, v8;
	v48 =	vld [tilespmem:s0+$0xFFFFFD60]  }
0x222: {  	v53 =	vadd.f32 v49, v50;
	v50 =	vld [tilespmem:$0x1FFA0];
	v5 =	vadd.f32 v63, v5;
	v39, _, _ =	vpop (xrf2)  }
0x223: {  	v24 =	vadd.f32 v52, v55;
	v52 =	vld [tilespmem:s0+$0xFFFFFD40];
	(v2sf) =	vpush v39, $0xF  }
0x224: {  	v10 =	vadd.f32 v10, v17;
	v55 =	vld [tilespmem:s0+$0xFFFFFCE0];
	v5 =	vadd.f32 v5, v6;
	v6, _, _ =	vpop (xrf2)  }
0x225: {  	v8 =	vadd.f32 v8, v53;
	v53 =	vld [tilespmem:s0+$0xFFFFFD20];
	(v2sf) =	vpush v6, $0xF  }
0x226: {  	v47 =	vadd.f32 v29, v26;
	v27 =	vadd.f32 v57, v60;
	v60 =	vld [tilespmem:$0x1FF90];
	v44, _, _ =	vpop (xrf2)  }
0x227: {  	v13 =	vadd.f32 v13, v14;
	v18 =	vld [tilespmem:s0+$0xFFFFFF20];
	(v2sf) =	vpush v44, $0xF  }
0x228: {  	v19 =	vadd.f32 v19, v47;
	v11 =	vadd.f32 v30, v11;
	v51 =	vld [tilespmem:$0x1FFB0];
	v49, _, _ =	vpop (xrf2)  }
0x229: {  	v23 =	vadd.f32 v33, v23;
	v54 =	vld [tilespmem:s0+$0xFFFFFD00];
	(v2sf) =	vpush v49, $0xF  }
0x22a: {  	v9 =	vadd.f32 v32, v9;
	v15 =	vadd.f32 v41, v42;
	v63 =	vld [tilespmem:s0+$0xFFFFFE40]  }
0x22b: {  	v16 =	vadd.f32 v46, v48;
	v34 =	vadd.f32 v60, v62;
	v62 =	vld [tilespmem:s0+$0xFFFFFE60]  }
0x22c: {  	v10 =	vadd.f32 v10, v19;
	v18 =	vadd.f32 v37, v18;
	v6 =	vld [tilespmem:s0+$0xFFFFFDC0]  }
0x22d: {  	v9 =	vadd.f32 v11, v9;
	v17 =	vadd.f32 v52, v53  }
0x22e: {  	v26 =	vadd.f32 v50, v51;
	v57 =	vadd.f32 v18, v23  }
0x22f: {  	v38 =	vadd.f32 v27, v34;
	v20 =	vadd.f32 v54, v55  }
0x230: {  	v61 =	vld [tilespmem:s0+$0x2F0];
	v5 =	vadd.f32 v5, v12;
	v59 =	vadd.f32 v63, v40  }
0x231: {  	v60 =	vld [tilespmem:s0+$0x310];
	v58 =	vadd.f32 v58, v62;
	v6 =	vadd.f32 v6, v45  }
0x232: {  	v62 =	vadd.f32 v17, v20;
	v15 =	vadd.f32 v59, v15;
	s13 =	spop (v2sf)  }
0x233: {  	v11 =	vadd.f32 v56, v58;
	v6 =	vadd.f32 v6, v16;
	s10 =	sadd.f32 $0.0e+00, s13  }
0x234: {  	v9 =	vadd.f32 v9, v57;
	v43 =	vadd.f32 v24, v38;
	s14 =	spop (v2sf)  }
0x235: {  	v11 =	vadd.f32 v11, v15;
	v6 =	vadd.f32 v6, v62;
	s10 =	sadd.f32 s14, s10  }
0x236: {  	v63 =	vadd.f32 v60, v61;
	v9 =	vadd.f32 v10, v9;
	s15 =	spop (v2sf)  }
0x237: {  	v5 =	vadd.f32 v43, v5;
	v6 =	vadd.f32 v11, v6;
	s10 =	sadd.f32 s15, s10  }
0x238: {  	v8 =	vadd.f32 v13, v8;
	v7 =	vadd.f32 v7, v63;
	s16 =	spop (v2sf)  }
0x239: {  	v5 =	vadd.f32 v5, v26;
	v6 =	vadd.f32 v9, v6;
	s10 =	sadd.f32 s16, s10  }
0x23a: {  	v7 =	vadd.f32 v7, v8  }
0x23b: {  	v5 =	vadd.f32 v5, v6;
	v6 =	vmul.f32 s10, v3;
	v8 =	vmul.f32 s10, v4;
	_ =	sdelay $0x1  }
0x23c: {  	s13 =	simm.s32 $0x1A110;
	s14 =	simm.s32 $0x62;
	s10 =	simm.s32 $0x1A110;
	v5 =	vsub.f32 v5, v6;
	v6 =	vsub.f32 v7, v8  }
.LBB2_5:
0x23d: {  	p0 =	sne.s32 s14, $0x63E;
	s13 =	sadd.s32 $0x20, s13;
	s0 =	sadd.s32 $0x640, s0  }
0x23e: {  	s15 =	smov.u32 s14;
	s14 =	sadd.s32 $0x32, s14;
	v5 =	vmul.f32 $1.999999960e-02, v5;
	v6 =	vmul.f32 $1.999999960e-02, v6;
	_ =	sdelay $0x1  }
0x23f: {  	[tilespmem:s10+$0xFFFFFFF0] =	vst v5  }
0x240: {  	[tilespmem:s10+$0x0] =	vst v6;
	s10 =	smov.u32 s13  }
0x241: {  	v5 =	vld [tilespmem:s0+$0xFFFFFDF0]  }
0x242: {  	v6 =	vld [tilespmem:s0+$0xFFFFFE10]  }
0x243: {  	v7 =	vld [tilespmem:s0+$0x270]  }
0x244: {  	v8 =	vld [tilespmem:s0+$0x2D0]  }
0x245: {  	v9 =	vld [tilespmem:s0+$0x250]  }
0x246: {  	v10 =	vld [tilespmem:s0+$0x290]  }
0x247: {  	v11 =	vld [tilespmem:s0+$0x2B0];
	v12 =	vadd.f32 v6, v5  }
0x248: {  	v5 =	vld [tilespmem:s0+$0x230]  }
0x249: {  	v6 =	vld [tilespmem:s0+$0x210]  }
0x24a: {  	v13 =	vld [tilespmem:s0+$0x1F0]  }
0x24b: {  	v14 =	vld [tilespmem:s0+$0x1D0]  }
0x24c: {  	v15 =	vld [tilespmem:s0+$0x1B0];
	v8 =	vadd.f32 v8, v11  }
0x24d: {  	v11 =	vld [tilespmem:s0+$0x190]  }
0x24e: {  	v16 =	vld [tilespmem:s0+$0x170]  }
0x24f: {  	v5 =	vadd.f32 v9, v5;
	v17 =	vld [tilespmem:s0+$0x150];
	v6 =	vadd.f32 v6, v13  }
0x250: {  	v9 =	vld [tilespmem:s0+$0x130]  }
0x251: {  	v13 =	vld [tilespmem:s0+$0x110];
	v14 =	vadd.f32 v14, v15;
	v5 =	vadd.f32 v5, v6  }
0x252: {  	v15 =	vld [tilespmem:s0+$0xF0]  }
0x253: {  	v6 =	vld [tilespmem:s0+$0x300];
	v11 =	vadd.f32 v11, v16  }
0x254: {  	v16 =	vld [tilespmem:s0+$0xFFFFFF90]  }
0x255: {  	v18 =	vld [tilespmem:s0+$0xD0];
	v9 =	vadd.f32 v17, v9  }
0x256: {  	v7 =	vadd.f32 v10, v7;
	v17 =	vld [tilespmem:s0+$0xFFFFFEF0]  }
0x257: {  	v10 =	vld [tilespmem:s0+$0xFFFFFFB0];
	v13 =	vadd.f32 v13, v15  }
0x258: {  	v7 =	vadd.f32 v8, v7;
	v15 =	vld [tilespmem:s0+$0xB0]  }
0x259: {  	v11 =	vadd.f32 v14, v11;
	v8 =	vld [tilespmem:s0+$0x90];
	v9 =	vadd.f32 v9, v13  }
0x25a: {  	v13 =	vld [tilespmem:s0+$0x70]  }
0x25b: {  	v5 =	vadd.f32 v7, v5;
	v14 =	vld [tilespmem:s0+$0x50];
	v9 =	vadd.f32 v11, v9  }
0x25c: {  	v7 =	vld [tilespmem:s0+$0x30]  }
0x25d: {  	v11 =	vld [tilespmem:s0+$0x10];
	v5 =	vadd.f32 v5, v9  }
0x25e: {  	v9 =	vld [tilespmem:s0+$0xFFFFFFF0]  }
0x25f: {  	v19 =	vld [tilespmem:s0+$0xFFFFFFD0];
	v8 =	vadd.f32 v8, v13;
	v13 =	vadd.f32 v18, v15  }
0x260: {  	v15 =	vld [tilespmem:s0+$0xFFFFFF70]  }
0x261: {  	v18 =	vld [tilespmem:s0+$0xFFFFFF50];
	v7 =	vadd.f32 v14, v7;
	v8 =	vadd.f32 v13, v8  }
0x262: {  	v13 =	vld [tilespmem:s0+$0xFFFFFF30]  }
0x263: {  	v14 =	vld [tilespmem:s0+$0xFFFFFF10];
	v9 =	vadd.f32 v11, v9  }
0x264: {  	v11 =	vld [tilespmem:s0+$0xFFFFFE70];
	v10 =	vadd.f32 v19, v10  }
0x265: {  	v19 =	vld [tilespmem:s0+$0xFFFFFE30];
	v15 =	vadd.f32 v16, v15;
	v7 =	vadd.f32 v7, v9  }
0x266: {  	v9 =	vld [tilespmem:s0+$0xFFFFFE50]  }
0x267: {  	v16 =	vld [tilespmem:s0+$0x2E0];
	v13 =	vadd.f32 v18, v13;
	v10 =	vadd.f32 v10, v15  }
0x268: {  	v7 =	vadd.f32 v8, v7;
	v15 =	vld [tilespmem:s0+$0xFFFFFED0];
	v14 =	vadd.f32 v14, v17  }
0x269: {  	v8 =	vld [tilespmem:s0+$0xFFFFFEB0]  }
0x26a: {  	v17 =	vld [tilespmem:s0+$0xFFFFFE90];
	v13 =	vadd.f32 v13, v14  }
0x26b: {  	v14 =	vld [tilespmem:s0+$0xFFFFFDD0];
	v9 =	vadd.f32 v9, v19  }
0x26c: {  	v18 =	vld [tilespmem:s0+$0xFFFFFDB0];
	v10 =	vadd.f32 v10, v13  }
0x26d: {  	v13 =	vld [tilespmem:s0+$0xFFFFFD90];
	v9 =	vadd.f32 v9, v12  }
0x26e: {  	v12 =	vld [tilespmem:s0+$0xFFFFFD70];
	v8 =	vadd.f32 v15, v8  }
0x26f: {  	v15 =	vld [tilespmem:s0+$0xFFFFFD50];
	v11 =	vadd.f32 v17, v11  }
0x270: {  	v17 =	vld [tilespmem:s0+$0xFFFFFD30]  }
0x271: {  	v19 =	vld [tilespmem:s0+$0xFFFFFD10];
	v14 =	vadd.f32 v14, v18;
	v8 =	vadd.f32 v8, v11  }
0x272: {  	v11 =	vld [tilespmem:s0+$0xFFFFFCF0]  }
0x273: {  	v18 =	vld [tilespmem:s0+$0x2C0];
	v12 =	vadd.f32 v13, v12;
	v8 =	vadd.f32 v8, v9  }
0x274: {  	v9 =	vld [tilespmem:s0+$0x2A0]  }
0x275: {  	v13 =	vld [tilespmem:s0+$0x280];
	v15 =	vadd.f32 v15, v17;
	v12 =	vadd.f32 v14, v12  }
0x276: {  	v14 =	vld [tilespmem:s0+$0x260]  }
0x277: {  	v17 =	vld [tilespmem:s0+$0x240];
	v11 =	vadd.f32 v19, v11  }
0x278: {  	v19 =	vld [tilespmem:s0+$0x220]  }
0x279: {  	v20 =	vld [tilespmem:s0+$0x200];
	v9 =	vadd.f32 v18, v9;
	v11 =	vadd.f32 v15, v11  }
0x27a: {  	v15 =	vld [tilespmem:s0+$0x1E0]  }
0x27b: {  	v18 =	vld [tilespmem:s0+$0x1C0];
	v13 =	vadd.f32 v13, v14;
	v11 =	vadd.f32 v12, v11  }
0x27c: {  	v7 =	vadd.f32 v7, v10;
	v12 =	vld [tilespmem:s0+$0x1A0]  }
0x27d: {  	v10 =	vld [tilespmem:s0+$0x180];
	v14 =	vadd.f32 v17, v19;
	v8 =	vadd.f32 v8, v11  }
0x27e: {  	v11 =	vld [tilespmem:s0+$0x160]  }
0x27f: {  	v17 =	vld [tilespmem:s0+$0x140];
	v15 =	vadd.f32 v20, v15;
	v7 =	vadd.f32 v7, v8  }
0x280: {  	v8 =	vld [tilespmem:s0+$0x120]  }
0x281: {  	s16 =	sadd.s32 $0xFFFFFFD0, s15;
	v19 =	vld [tilespmem:s0+$0x100];
	v12 =	vadd.f32 v18, v12  }
0x282: {  	v20 =	vadd.s32 s16, v1;
	v18 =	vld [tilespmem:s0+$0xE0]  }
0x283: {  	s16 =	sadd.s32 $0xFFFFFFE0, s15;
	v21 =	vld [tilespmem:s0+$0xC0];
	v10 =	vadd.f32 v10, v11  }
0x284: {  	v22 =	vadd.s32 s16, v1;
	v11 =	vld [tilespmem:s0+$0xA0]  }
0x285: {  	v23 =	vld [tilespmem:s0+$0x80];
	v8 =	vadd.f32 v17, v8  }
0x286: {  	s16 =	sadd.s32 $0xFFFFFFF0, s15;
	v17 =	vld [tilespmem:s0+$0x60]  }
0x287: {  	v18 =	vadd.f32 v19, v18;
	v19 =	vld.idx.msk [tilespmem:v20+s19+$0x0], $0xffff;
	v20 =	vadd.s32 s16, v1  }
0x288: {  	v9 =	vadd.f32 v9, v13;
	v14 =	vadd.f32 v14, v15;
	v24 =	vld [tilespmem:s0+$0x40]  }
0x289: {  	v10 =	vadd.f32 v12, v10;
	v8 =	vadd.f32 v8, v18;
	v12 =	vld.idx.msk [tilespmem:v22+s19+$0x0], $0xffff  }
0x28a: {  	v15 =	vadd.s32 s15, v1;
	v11 =	vadd.f32 v21, v11;
	v13 =	vld [tilespmem:s0+$0x20]  }
0x28b: {  	v9 =	vadd.f32 v9, v14;
	v18 =	vld [tilespmem:s0+$0x0];
	v8 =	vadd.f32 v10, v8  }
0x28c: {  	v10 =	vadd.f32 v23, v17;
	v14 =	vld.idx.msk [tilespmem:v20+s19+$0x0], $0xffff  }
0x28d: {  	v6 =	vadd.f32 v6, v16;
	vm0 =	veq.s32 v19, $0x0;
	v17 =	vld [tilespmem:s0+$0xFFFFFFE0];
	v8 =	vadd.f32 v9, v8  }
0x28e: {  	v16 =	vsel vm0, $0x3F800000, v0;
	v9 =	vld [tilespmem:s0+$0xFFFFFFC0]  }
0x28f: {  	vm0 =	veq.s32 v12, $0x0;
	v13 =	vadd.f32 v24, v13;
	v6 =	vadd.f32 v8, v6;
	v8 =	vld.idx.msk [tilespmem:v15+s19+$0x0], $0x3;
	(xrf2) =	vadd.scan.msk.f32 $0xffff, v16  }
0x290: {  	v15 =	vsel vm0, $0x3F800000, v0;
	v12 =	vld [tilespmem:s0+$0xFFFFFFA0]  }
0x291: {  	v16 =	vld [tilespmem:s0+$0xFFFFFF80]  }
0x292: {  	vm0 =	veq.s32 v14, $0x0;
	v19 =	vld [tilespmem:s0+$0xFFFFFF60];
	v17 =	vadd.f32 v18, v17;
	(xrf2) =	vadd.scan.msk.f32 $0xffff, v15  }
0x293: {  	v15 =	vsel vm0, $0x3F800000, v0;
	v14 =	vld [tilespmem:s0+$0xFFFFFF40]  }
0x294: {  	v10 =	vadd.f32 v11, v10;
	v18 =	vld [tilespmem:s0+$0xFFFFFF20];
	v13 =	vadd.f32 v13, v17  }
0x295: {  	vm0 =	veq.s32 v8, $0x0;
	v11 =	vld [tilespmem:s0+$0xFFFFFF00];
	v9 =	vadd.f32 v9, v12;
	(xrf2) =	vadd.scan.msk.f32 $0xffff, v15  }
0x296: {  	v12 =	vnsel vm0, $0x0, v2;
	v8 =	vld [tilespmem:s0+$0xFFFFFEE0];
	v10 =	vadd.f32 v10, v13  }
0x297: {  	v13 =	vld [tilespmem:s0+$0xFFFFFEC0];
	v17 =	vadd.f32 v16, v19  }
0x298: {  	v16 =	vld [tilespmem:s0+$0xFFFFFEA0];
	(xrf2) =	vadd.scan.msk.f32 $0xffff, v12  }
0x299: {  	v12 =	vld [tilespmem:s0+$0xFFFFFE80];
	v14 =	vadd.f32 v14, v18;
	v9 =	vadd.f32 v9, v17;
	v15, _, _ =	vpop (xrf2)  }
0x29a: {  	v17 =	vld [tilespmem:s0+$0xFFFFFE60];
	(v2sf) =	vpush v15, $0xF  }
0x29b: {  	v15 =	vld [tilespmem:s0+$0xFFFFFE40];
	v8 =	vadd.f32 v11, v8  }
0x29c: {  	v11 =	vld [tilespmem:s0+$0xFFFFFE20];
	v18, _, _ =	vpop (xrf2)  }
0x29d: {  	v19 =	vld [tilespmem:s0+$0xFFFFFE00];
	v13 =	vadd.f32 v13, v16;
	(v2sf) =	vpush v18, $0xF  }
0x29e: {  	v8 =	vadd.f32 v14, v8;
	v16 =	vld [tilespmem:s0+$0xFFFFFDE0]  }
0x29f: {  	v14 =	vld [tilespmem:s0+$0xFFFFFDC0];
	v12 =	vadd.f32 v12, v17;
	v17, _, _ =	vpop (xrf2)  }
0x2a0: {  	v8 =	vadd.f32 v9, v8;
	v18 =	vld [tilespmem:s0+$0xFFFFFDA0];
	(v2sf) =	vpush v17, $0xF  }
0x2a1: {  	v9 =	vld [tilespmem:s0+$0xFFFFFD80];
	v11 =	vadd.f32 v15, v11;
	v12 =	vadd.f32 v13, v12  }
0x2a2: {  	v8 =	vadd.f32 v10, v8;
	v13 =	vld [tilespmem:s0+$0xFFFFFD60];
	v10, _, _ =	vpop (xrf2)  }
0x2a3: {  	v15 =	vld [tilespmem:s0+$0xFFFFFD40];
	v16 =	vadd.f32 v19, v16;
	(v2sf) =	vpush v10, $0xF  }
0x2a4: {  	v10 =	vld [tilespmem:s0+$0xFFFFFD20]  }
0x2a5: {  	v17 =	vld [tilespmem:s0+$0xFFFFFD00];
	v14 =	vadd.f32 v14, v18;
	v11 =	vadd.f32 v11, v16  }
0x2a6: {  	v16 =	vld [tilespmem:s0+$0xFFFFFCE0]  }
0x2a7: {  	v9 =	vadd.f32 v9, v13;
	v11 =	vadd.f32 v12, v11;
	_ =	sdelay $0x1  }
0x2a8: {  	v10 =	vadd.f32 v15, v10;
	v9 =	vadd.f32 v14, v9;
	s15 =	spop (v2sf)  }
0x2a9: {  	v12 =	vld [tilespmem:s0+$0x310];
	s15 =	sadd.f32 $0.0e+00, s15  }
0x2aa: {  	v13 =	vld [tilespmem:s0+$0x2F0];
	v14 =	vadd.f32 v17, v16  }
0x2ab: {  	s16 =	spop (v2sf)  }
0x2ac: {  	v10 =	vadd.f32 v10, v14;
	s15 =	sadd.f32 s16, s15;
	_ =	sdelay $0x1  }
0x2ad: {  	v9 =	vadd.f32 v9, v10;
	s16 =	spop (v2sf)  }
0x2ae: {  	v10 =	vadd.f32 v12, v13;
	s15 =	sadd.f32 s16, s15  }
0x2af: {  	v9 =	vadd.f32 v11, v9  }
0x2b0: {  	v5 =	vadd.f32 v5, v10;
	s16 =	spop (v2sf)  }
.Ltmp1:
0x2b1: {  	v8 =	vadd.f32 v8, v9;
	s15 =	sadd.f32 s16, s15;
	(pc) =	sbr.rel @p0 .LBB2_5-.Ltmp1, $3  }
0x2b2: {  	v7 =	vadd.f32 v5, v7  }
0x2b3: {  	v5 =	vadd.f32 v6, v8;
	v6 =	vmul.f32 s15, v3;
	v8 =	vmul.f32 s15, v4;
	_ =	sdelay $0x1  }
0x2b4: {  	v5 =	vsub.f32 v5, v6;
	v6 =	vsub.f32 v7, v8  }
0x2b5: {  	s31 =	sadd.s32 $0x1, s31  }
0x2b6: {  	p0 =	sne.s32 s31, $0x8  }
.Ltmp2:
0x2b7: {  	v5 =	vmul.f32 $1.999999960e-02, v5;
	(pc) =	sbr.rel @p0 .LBB2_2-.Ltmp2, $4  }
0x2b8: {  	v6 =	vmul.f32 $1.999999960e-02, v6  }
0x2b9: {  	s0 =	sshll.u32 s1, $0x7;
	[tilespmem:s10+$0xFFFFFFF0] =	vst v5  }
0x2ba: {  	s0 =	sadd.s32 s0, s7;
	[tilespmem:s10+$0x0] =	vst v6  }
0x2bb: {  	[hbm4b:s0+s2] =	stream.linear.scatter [tilespmem:s29], [sflag:$0x4], $0x400, $0x38;
	[tilespmem:$0x1A520] =	vst v63  }
0x2bc: {  	s0 =	simm.s32 $0x3  }
0x2bd: {  	_ =	swait.ge [sflag:s0], $0x400  }
0x2be: {  	[sflag:s0] =	ssyncset.done $0x0  }
0x2bf: {  	[sflag:s0] =	ssyncadd.s32 $0xFFFFFC00  }
0x2c0: {  	_ =	swait.ge [sflag:s30], $0x400  }
0x2c1: {  	s1 =	rddreg [dreg:$0x5]  }
0x2c2: {  	s31 =	rddreg [dreg:$0x4];
	s1 =	sadd.s32 $0x1, s1  }
0x2c3: {  	p0 =	sne.s32 s1, s31  }
.Ltmp3:
0x2c4: {  	_ = 	snop;
	(pc) =	sbr.rel @p0 .LBB2_1-.Ltmp3, $3  }
0x2c5: {  	_ =	sdelay $0x1  }
0x2c6: {  	[sflag:s30] =	ssyncset.done $0x0  }
0x2c7: {  	[sflag:s30] =	ssyncadd.s32 $0xFFFFFC00  }
0x2c8: {  	_ =	sfence.sel $0x180000  }
0x2c9: {  	[bflag:$0x0] =	sbarrier.arrive $0xFFFF  }
0x2ca: {  	_ =	strace $0x90000047  }
0x2cb: {  	s0 =	stileid.u32;
	[bflag:$0x2] =	sbarrier.arrive $0xFFFF  }
0x2cc: {  	p0 =	sne.s32 s0, $0x0;
	s0 =	rddreg [dreg:$0x2]  }
0x2cd: {  	s0 =	sadd.s32 @!p0 $0x100000, s0  }
0x2ce: {  	[sflag:s0] =	ssyncadd.tile.s32 @!p0 $0x1;
	_ =	shalt  }
.Lfunc_end2:
_tile_overlayer_lowered:
.L_overlay_start_2:
0x2cf: {  	(tag) =	ssettag $0x2  }
0x2d0: {  	s0 =	rddreg [dreg:$0x0];
	s2 =	stileid.u32  }
0x2d1: {  	s1 =	rddreg [dreg:$0x1];
	p0 =	sne.s32 s2, $0x0  }
0x2d2: {  	s3 =	rddreg [dreg:$0x2];
	[bflag:$0x3] =	sbarrier.arrive $0xFFFF;
	s2 =	simm.s32 @!p0 $0x1C05  }
0x2d3: {  	[timem:s3], [sflag:s2] =	dma.local @!p0 [hbm:s0], s1  }
0x2d4: {  	s0 =	simm.s32 @!p0 $0x5  }
0x2d5: {  	_ =	swait.ge @!p0 [sflag:s0], s1  }
0x2d6: {  	s1 =	ssub.s32 @!p0 $0x0, s1;
	[sflag:s0] =	ssyncset.done @!p0 $0x0  }
0x2d7: {  	[sflag:s0] =	ssyncadd.s32 @!p0 s1  }
0x2d8: {  	[bflag:$0x3] =	sbarrier.arrive $0xFFFF  }
0x2d9: {  	_ =	shalt  }

</sc_bundles>
